<compile_context>
chip_gen: v7x
topology: tpu7x:2x2x1
jax: 0.10.2.dev20260603
libtpu: 0.0.44.dev20260713+nightly
codegen_flags: <defaults>
</compile_context>

<pallas_src>
import functools

import jax
import jax.numpy as jnp
from jax import lax
from jax.experimental import pallas as pl
from jax.experimental.pallas import tpu as pltpu
from jax.experimental.pallas import tpu_sc as plsc

NF = 128
HH = 8
OF = 32
FT = HH * OF
NC = 2
NS = 16
NW = NC * NS
LL = 16

_NEG = -3.4e38


def _mesh():
    return plsc.VectorSubcoreMesh(core_axis_name="c", subcore_axis_name="s",
                                  num_cores=NC, num_subcores=NS)


def _wid():
    return lax.axis_index("s") * NC + lax.axis_index("c")


def _splat(i):
    return jnp.full((LL,), i, jnp.int32)


def _tc_body(x_ref, w_ref, as_ref, at_ref, nt_ref, als_ref, alt_ref):
    ntv = jnp.dot(x_ref[...], w_ref[...], preferred_element_type=jnp.float32)
    nt_ref[...] = ntv
    als_ref[...] = jnp.dot(ntv, as_ref[...], preferred_element_type=jnp.float32)
    alt_ref[...] = jnp.dot(ntv, at_ref[...], preferred_element_type=jnp.float32)


def _tc_project(x, w, a_s, a_t):
    n = x.shape[0]
    blk = 2000
    grid = (n // blk,)
    return pl.pallas_call(
        _tc_body,
        grid=grid,
        in_specs=[
            pl.BlockSpec((blk, NF), lambda i: (i, 0)),
            pl.BlockSpec((NF, FT), lambda i: (0, 0)),
            pl.BlockSpec((FT, LL), lambda i: (0, 0)),
            pl.BlockSpec((FT, LL), lambda i: (0, 0)),
        ],
        out_specs=[
            pl.BlockSpec((blk, FT), lambda i: (i, 0)),
            pl.BlockSpec((blk, LL), lambda i: (i, 0)),
            pl.BlockSpec((blk, LL), lambda i: (i, 0)),
        ],
        out_shape=[
            jax.ShapeDtypeStruct((n, FT), jnp.float32),
            jax.ShapeDtypeStruct((n, LL), jnp.float32),
            jax.ShapeDtypeStruct((n, LL), jnp.float32),
        ],
    )(x, w, a_s, a_t)


def _p1_body(src_h, tgt_h, als_h, alt_h, att_h, max_h,
             sidx, tidx, g1, g2, g3, sem):
    e = src_h.shape[0]
    epw = e // NW
    bsz = 400
    nb = epw // bsz
    wid = _wid()
    base0 = wid * epw
    lanes = lax.iota(jnp.int32, LL)
    lo_mask = lanes < HH

    def batch(b, mx):
        base = base0 + b * bsz
        c1 = pltpu.async_copy(src_h.at[pl.ds(base, bsz)], sidx, sem)
        c2 = pltpu.async_copy(tgt_h.at[pl.ds(base, bsz)], tidx, sem)
        c1.wait()
        c2.wait()
        c3 = pltpu.async_copy(als_h.at[sidx], g1, sem)
        c4 = pltpu.async_copy(alt_h.at[tidx], g2, sem)
        c3.wait()
        c4.wait()

        def row(i, mx):
            a = plsc.load_gather(g1, [_splat(i), lanes])
            bt = plsc.load_gather(g2, [_splat(i), lanes])
            v = a + bt
            g3[pl.ds(i * LL, LL)] = v
            sel = jnp.where(lo_mask, v, _NEG)
            return jnp.maximum(mx, sel)

        mx = lax.fori_loop(0, bsz, row, mx)
        pltpu.sync_copy(g3, att_h.at[pl.ds(base * LL, bsz * LL)])
        return mx

    mx = lax.fori_loop(0, nb, batch, jnp.full((LL,), _NEG, jnp.float32))
    g3[pl.ds(0, LL)] = mx
    pltpu.sync_copy(g3.at[pl.ds(0, LL)], max_h.at[pl.ds(wid * LL, LL)])


def _sc_attmax(src, tgt, als, alt):
    e = src.shape[0]
    bsz = 400
    kfn = pl.kernel(
        _p1_body,
        out_type=[
            jax.ShapeDtypeStruct((e * LL,), jnp.float32),
            jax.ShapeDtypeStruct((NW * LL,), jnp.float32),
        ],
        mesh=_mesh(),
        compiler_params=pltpu.CompilerParams(
            needs_layout_passes=False, use_tc_tiling_on_sc=False),
        scratch_types=[
            pltpu.VMEM((bsz,), jnp.int32),
            pltpu.VMEM((bsz,), jnp.int32),
            pltpu.VMEM((bsz, LL), jnp.float32),
            pltpu.VMEM((bsz, LL), jnp.float32),
            pltpu.VMEM((bsz * LL,), jnp.float32),
            pltpu.SemaphoreType.DMA,
        ],
    )
    return kfn(src, tgt, als, alt)


def _p2_body(tgt_h, att_h, max_h, zden_h, ex_h, den_h,
             tl, ab, eb, mb, den_sh, sem):
    e = tgt_h.shape[0]
    npad = den_sh.shape[0]
    drs = npad // NS
    epw = e // NW
    bsz = 400
    nb = epw // bsz
    wid = _wid()
    cid = lax.axis_index("c")
    sid = lax.axis_index("s")
    base0 = wid * epw
    lanes = lax.iota(jnp.int32, LL)
    lo_mask = lanes < HH

    pltpu.sync_copy(max_h, mb)

    def mred(i, mx):
        return jnp.maximum(mx, mb[pl.ds(i * LL, LL)])

    m16 = lax.fori_loop(0, NW, mred, jnp.full((LL,), _NEG, jnp.float32))
    m = jnp.max(m16)
    msp = jnp.full((LL,), m, jnp.float32)

    pltpu.sync_copy(zden_h, den_sh.at[pl.ds(sid * drs, drs)])
    plsc.subcore_barrier()

    def batch(b, carry):
        base = base0 + b * bsz
        c1 = pltpu.async_copy(tgt_h.at[pl.ds(base, bsz)], tl, sem)
        c2 = pltpu.async_copy(att_h.at[pl.ds(base * LL, bsz * LL)], ab, sem)
        c1.wait()
        c2.wait()

        def row(i, carry):
            v = ab[pl.ds(i * LL, LL)]
            d = v - msp
            w = jnp.where(d >= 0.0, d, d * jnp.float32(0.01))
            ev = jnp.exp(w)
            ev = jnp.where(lo_mask, ev, jnp.float32(0.0))
            plsc.store_scatter(eb, [_splat(i), lanes], ev)
            return carry

        carry = lax.fori_loop(0, bsz, row, carry)
        pltpu.sync_copy(eb, ex_h.at[pl.ds(base, bsz)])
        pltpu.sync_copy(eb, den_sh.at[tl], add=True)
        return carry

    lax.fori_loop(0, nb, batch, jnp.int32(0))
    plsc.subcore_barrier()
    pltpu.sync_copy(den_sh.at[pl.ds(sid * drs, drs)],
                    den_h.at[pl.ds(cid * npad + sid * drs, drs)])


def _sc_softmax_denom(tgt, att, mx, zden, npad):
    e = tgt.shape[0]
    bsz = 400
    kfn = pl.kernel(
        _p2_body,
        out_type=[
            jax.ShapeDtypeStruct((e, LL), jnp.float32),
            jax.ShapeDtypeStruct((NC * npad, LL), jnp.float32),
        ],
        mesh=_mesh(),
        compiler_params=pltpu.CompilerParams(
            needs_layout_passes=False, use_tc_tiling_on_sc=False),
        scratch_types=[
            pltpu.VMEM((bsz,), jnp.int32),
            pltpu.VMEM((bsz * LL,), jnp.float32),
            pltpu.VMEM((bsz, LL), jnp.float32),
            pltpu.VMEM((NW * LL,), jnp.float32),
            pltpu.VMEM_SHARED((npad, LL), jnp.float32),
            pltpu.SemaphoreType.DMA,
        ],
    )
    return kfn(tgt, att, mx, zden)


def _p3_body(src_h, tgt_h, ex_h, nt_h, den_h, zacc_h, out_h,
             acc, tgtb, srcb, slist, tlist, elist, ntb, exb,
             d0b, d1b, sem):
    e = src_h.shape[0]
    npad = out_h.shape[0]
    rpw = npad // NW
    ch = 2000
    nch = e // ch
    gsz = 96
    wid = _wid()
    lo = wid * rpw
    lanes = lax.iota(jnp.int32, LL)

    pltpu.sync_copy(zacc_h, acc)
    zi = jnp.zeros((LL,), jnp.int32)

    def zrow(i, c):
        slist[pl.ds(i * LL, LL)] = zi
        tlist[pl.ds(i * LL, LL)] = zi
        elist[pl.ds(i * LL, LL)] = zi
        return c

    lax.fori_loop(0, (ch + LL) // LL, zrow, jnp.int32(0))

    def chunk(cidx, carry):
        cbase = cidx * ch
        c1 = pltpu.async_copy(tgt_h.at[pl.ds(cbase, ch)], tgtb, sem)
        c2 = pltpu.async_copy(src_h.at[pl.ds(cbase, ch)], srcb, sem)
        c1.wait()
        c2.wait()

        def vec(v, cnt):
            t = tgtb[pl.ds(v * LL, LL)]
            msk = (t >= lo) & (t < lo + rpw)
            sv = srcb[pl.ds(v * LL, LL)]
            ev = _splat(cbase + v * LL) + lanes
            plsc.store_compressed(tlist.at[pl.ds(cnt, LL)], t - lo, mask=msk)
            plsc.store_compressed(slist.at[pl.ds(cnt, LL)], sv, mask=msk)
            plsc.store_compressed(elist.at[pl.ds(cnt, LL)], ev, mask=msk)
            pc = plsc.all_reduce_population_count(msk)
            return cnt + pc[0]

        cnt = lax.fori_loop(0, ch // LL, vec, jnp.int32(0))

        def group(g, carry):
            gbase = g * gsz
            gn = jnp.minimum(jnp.int32(gsz), cnt - gbase)
            g1 = pltpu.async_copy(nt_h.at[slist.at[pl.ds(gbase, gsz)]], ntb, sem)
            g2 = pltpu.async_copy(ex_h.at[elist.at[pl.ds(gbase, gsz)]], exb, sem)
            g1.wait()
            g2.wait()

            def edge(i, carry):
                tl16 = plsc.load_gather(tlist, [_splat(gbase + i)])
                for c in range(FT // LL):
                    if c % 2 == 0:
                        mult = plsc.load_gather(exb, [_splat(i), _splat(c // 2)])
                    cv = jnp.full((LL,), c * LL, jnp.int32) + lanes
                    v = plsc.load_gather(ntb, [_splat(i), cv])
                    plsc.addupdate_scatter(acc, [tl16, cv], v * mult)
                return carry

            return lax.fori_loop(0, gn, edge, carry)

        carry = lax.fori_loop(0, (cnt + gsz - 1) // gsz, group, carry)
        return carry

    lax.fori_loop(0, nch, chunk, jnp.int32(0))

    pltpu.sync_copy(den_h.at[pl.ds(lo, rpw)], d0b)
    pltpu.sync_copy(den_h.at[pl.ds(npad + lo, rpw)], d1b)

    gd = lax.GatherDimensionNumbers(offset_dims=(), collapsed_slice_dims=(0,),
                                    start_index_map=(0,))

    def fin(nl, carry):
        d0 = plsc.load_gather(d0b, [_splat(nl), lanes])
        d1 = plsc.load_gather(d1b, [_splat(nl), lanes])
        rec = jnp.float32(1.0) / (d0 + d1 + jnp.float32(1e-8))
        for c in range(FT // LL):
            if c % 2 == 0:
                dm = lax.gather(rec, jnp.full((LL, 1), c // 2, jnp.int32), gd,
                                (1,), mode=lax.GatherScatterMode.PROMISE_IN_BOUNDS)
            cv = jnp.full((LL,), c * LL, jnp.int32) + lanes
            a = plsc.load_gather(acc, [_splat(nl), cv])
            plsc.store_scatter(acc, [_splat(nl), cv], a * dm)
        return carry

    lax.fori_loop(0, rpw, fin, jnp.int32(0))
    pltpu.sync_copy(acc, out_h.at[pl.ds(lo, rpw)])


def _sc_aggregate(src, tgt, ex2d, nt, den2d, zacc, npad):
    rpw = npad // NW
    ch = 2000
    kfn = pl.kernel(
        _p3_body,
        out_type=jax.ShapeDtypeStruct((npad, FT), jnp.float32),
        mesh=_mesh(),
        compiler_params=pltpu.CompilerParams(
            needs_layout_passes=False, use_tc_tiling_on_sc=False),
        scratch_types=[
            pltpu.VMEM((rpw, FT), jnp.float32),
            pltpu.VMEM((ch,), jnp.int32),
            pltpu.VMEM((ch,), jnp.int32),
            pltpu.VMEM((ch + LL,), jnp.int32),
            pltpu.VMEM((ch + LL,), jnp.int32),
            pltpu.VMEM((ch + LL,), jnp.int32),
            pltpu.VMEM((96, FT), jnp.float32),
            pltpu.VMEM((96, LL), jnp.float32),
            pltpu.VMEM((rpw, LL), jnp.float32),
            pltpu.VMEM((rpw, LL), jnp.float32),
            pltpu.SemaphoreType.DMA,
        ],
    )
    return kfn(src, tgt, ex2d, nt, den2d, zacc)


@jax.jit
def kernel(x, edge_index, W, A):
    n = x.shape[0]
    rpw = -(-n // NW)
    npad = rpw * NW
    src = edge_index[0]
    tgt = edge_index[1]

    a4 = A.reshape(HH, 2, OF, HH)
    pad = jnp.zeros((FT, LL - HH), jnp.float32)
    a_s = jnp.concatenate([a4[:, 0].reshape(FT, HH), pad], axis=1)
    a_t = jnp.concatenate([a4[:, 1].reshape(FT, HH), pad], axis=1)

    nt, als, alt = _tc_project(x, W, a_s, a_t)

    att, mx = _sc_attmax(src, tgt, als, alt)

    zden = jnp.zeros((npad // NS, LL), jnp.float32)
    exf, den = _sc_softmax_denom(tgt, att, mx, zden, npad)

    zacc = jnp.zeros((rpw, FT), jnp.float32)
    outp = _sc_aggregate(src, tgt, exf, nt, den, zacc, npad)
    return outp[:n]

# --- scband reference (transcript-rebuilt; emitter-appended) ---
"""Pipeline reference for scband-gatlayer-57097295233072 (READ-ONLY COPY).

The authoritative reference and input builder live on the scoring server;
editing this copy changes nothing except your own understanding.
"""

import jax, jax.numpy as jnp
import numpy as np

N = 10000
E = 320000
IN_F = 128
OUT_F = 32
H = 8

def setup_inputs(seed: int = 0) -> dict:
    key = jax.random.key(seed)
    k1, k2, k3, k4 = jax.random.split(key, 4)
    x = jax.random.normal(k1, (N, IN_F), dtype=jnp.float32)
    edge_index = jax.random.randint(k2, (2, E), 0, N, dtype=jnp.int32)
    # W: torch nn.Linear(IN_F, H*OUT_F, bias=False); stored here as (IN_F, H*OUT_F) for x @ W
    W = jax.random.normal(k3, (IN_F, H * OUT_F), dtype=jnp.float32) * (1.0 / np.sqrt(IN_F))
    # A: torch nn.Linear(H*2*OUT_F, H, bias=False); stored as (H*2*OUT_F, H)
    A = jax.random.normal(k4, (H * 2 * OUT_F, H), dtype=jnp.float32) * (1.0 / np.sqrt(H * 2 * OUT_F))
    return {"x": x, "edge_index": edge_index, "W": W, "A": A}

def reference(x, edge_index, W, A):
    n = x.shape[0]
    e = edge_index.shape[1]
    src = edge_index[0]
    tgt = edge_index[1]
    nodes_transformed = (x @ W).reshape(n, H, OUT_F)
    source_transformed = nodes_transformed[src]  # (E, H, OUT_F)
    target_transformed = nodes_transformed[tgt]  # (E, H, OUT_F)
    attention_pairs = jnp.concatenate([source_transformed, target_transformed], axis=-1)
    attention_pairs = attention_pairs.reshape(e, H * 2 * OUT_F)
    attention_weights = attention_pairs @ A  # (E, H)
    attention_weights = attention_weights - attention_weights.max()
    attention_weights = jax.nn.leaky_relu(attention_weights, negative_slope=0.01)
    attention_exp = jnp.exp(attention_weights)
    # scatter-add softmax denominator over target neighbourhoods
    denom = jax.ops.segment_sum(attention_exp, tgt, num_segments=n)  # (N, H)
    denom_gathered = denom[tgt]  # (E, H)
    normalised = attention_exp / (denom_gathered + 1e-08)
    weighted = normalised.reshape(e, H, 1) * source_transformed  # (E, H, OUT_F)
    output_features = jax.ops.segment_sum(weighted, tgt, num_segments=n)  # (N, H, OUT_F)
    output_features = output_features.reshape(n, H * OUT_F)  # concat=True
    return output_features

if __name__ == "__main__":
    import jax
    _d = setup_inputs()
    print(jax.jit(kernel)(*tuple(_d.values())))

</pallas_src>

<mosaic_0001>
#map = affine_map<(d0, d1) -> (0)>
#map1 = affine_map<(d0, d1) -> (0, 0)>
module attributes {stable_mosaic.version = 14 : i64} {
  func.func @_p3_body(%arg0: i32, %arg1: i32, %arg2: memref<320000xi32, #tpu.memory_space<hbm>>, %arg3: memref<320000xi32, #tpu.memory_space<hbm>>, %arg4: memref<320000x16xf32, #tpu.memory_space<hbm>>, %arg5: memref<10000x256xf32, #tpu.memory_space<hbm>>, %arg6: memref<20032x16xf32, #tpu.memory_space<hbm>>, %arg7: memref<313x256xf32, #tpu.memory_space<hbm>>, %arg8: memref<10016x256xf32, #tpu.memory_space<hbm>>, %arg9: memref<313x256xf32, #tpu.memory_space<vmem>>, %arg10: memref<2000xi32, #tpu.memory_space<vmem>>, %arg11: memref<2000xi32, #tpu.memory_space<vmem>>, %arg12: memref<2016xi32, #tpu.memory_space<vmem>>, %arg13: memref<2016xi32, #tpu.memory_space<vmem>>, %arg14: memref<2016xi32, #tpu.memory_space<vmem>>, %arg15: memref<96x256xf32, #tpu.memory_space<vmem>>, %arg16: memref<96x16xf32, #tpu.memory_space<vmem>>, %arg17: memref<313x16xf32, #tpu.memory_space<vmem>>, %arg18: memref<313x16xf32, #tpu.memory_space<vmem>>, %arg19: memref<!tpu.dma_semaphore, #tpu.memory_space<semaphore_mem>>) attributes {dimension_semantics = [#tpu.dimension_semantics<core_parallel>, #tpu.dimension_semantics<subcore_parallel>], iteration_bounds = array<i64: 2, 16>, scalar_prefetch = 0 : i64, scratch_operands = 11 : i64, tpu.core_type = #tpu.core_type<sc_vector_subcore>, window_params = [{transform_indices = #map}, {transform_indices = #map}, {transform_indices = #map1}, {transform_indices = #map1}, {transform_indices = #map1}, {transform_indices = #map1}, {transform_indices = #map1}]} {
    %mul3A = arith.constant 2 : i32
    %mul3A_0 = arith.muli %arg1, %mul3A : i32
    %add3A = arith.addi %mul3A_0, %arg0 : i32
    %mul3A_1 = arith.constant 313 : i32
    %mul3A_2 = arith.muli %add3A, %mul3A_1 : i32
    %iota3A = tpu.iota {dimensions = array<i32: 0>} : vector<16xi32>
    "tpu.region"() ({
      %run_scoped3A = tpu.sem_alloc : memref<!tpu.dma_semaphore, #tpu.memory_space<semaphore_mem>>
      tpu.enqueue_dma source(%arg7 : memref<313x256xf32, #tpu.memory_space<hbm>>) target(%arg9 : memref<313x256xf32, #tpu.memory_space<vmem>>) target_semaphore(%run_scoped3A : memref<!tpu.dma_semaphore, #tpu.memory_space<semaphore_mem>>)
      tpu.wait_dma2 semaphore(%run_scoped3A : memref<!tpu.dma_semaphore, #tpu.memory_space<semaphore_mem>>) src(%arg7 : memref<313x256xf32, #tpu.memory_space<hbm>>) dst(%arg9 : memref<313x256xf32, #tpu.memory_space<vmem>>)
      tpu.yield
    }) : () -> ()
    %broadcast_in_dim3A = arith.constant 0 : i32
    %broadcast_in_dim3A_3 = vector.broadcast %broadcast_in_dim3A : i32 to vector<16xi32>
    %scan3A = arith.constant 0 : i32
    %scan3A_4 = arith.constant 0 : i32
    %scan3A_5 = arith.constant 126 : i32
    %scan3A_6 = arith.addi %scan3A_4, %scan3A_5 : i32
    %scan3A_7 = arith.constant 1 : i32
    scf.for %scan3A_23 = %scan3A_4 to %scan3A_6 step %scan3A_7  : i32 {
      %mul3A_24 = arith.constant 16 : i32
      %mul3A_25 = arith.muli %scan3A_23, %mul3A_24 : i32
      %swap3A = arith.index_cast %mul3A_25 : i32 to index
      %swap3A_26 = tpu.vector_load %arg12[%swap3A] {strides = array<i32>} : memref<2016xi32, #tpu.memory_space<vmem>>, vector<16xi32>,
      tpu.vector_store %arg12[%swap3A], %broadcast_in_dim3A_3 {strides = array<i32>} : memref<2016xi32, #tpu.memory_space<vmem>>, vector<16xi32>,
      %mul3A_27 = arith.constant 16 : i32
      %mul3A_28 = arith.muli %scan3A_23, %mul3A_27 : i32
      %swap3A_29 = arith.index_cast %mul3A_28 : i32 to index
      %swap3A_30 = tpu.vector_load %arg13[%swap3A_29] {strides = array<i32>} : memref<2016xi32, #tpu.memory_space<vmem>>, vector<16xi32>,
      tpu.vector_store %arg13[%swap3A_29], %broadcast_in_dim3A_3 {strides = array<i32>} : memref<2016xi32, #tpu.memory_space<vmem>>, vector<16xi32>,
      %mul3A_31 = arith.constant 16 : i32
      %mul3A_32 = arith.muli %scan3A_23, %mul3A_31 : i32
      %swap3A_33 = arith.index_cast %mul3A_32 : i32 to index
      %swap3A_34 = tpu.vector_load %arg14[%swap3A_33] {strides = array<i32>} : memref<2016xi32, #tpu.memory_space<vmem>>, vector<16xi32>,
      tpu.vector_store %arg14[%swap3A_33], %broadcast_in_dim3A_3 {strides = array<i32>} : memref<2016xi32, #tpu.memory_space<vmem>>, vector<16xi32>,
    }
    %scan3A_8 = arith.constant 126 : i32
    %scan3A_9 = arith.constant 0 : i32
    %scan3A_10 = arith.constant 0 : i32
    %scan3A_11 = arith.constant 160 : i32
    %scan3A_12 = arith.addi %scan3A_10, %scan3A_11 : i32
    %scan3A_13 = arith.constant 1 : i32
    scf.for %scan3A_23 = %scan3A_10 to %scan3A_12 step %scan3A_13  : i32 {
      %mul3A_24 = arith.constant 2000 : i32
      %mul3A_25 = arith.muli %scan3A_23, %mul3A_24 : i32
      %dma_start3A = tpu.memref_slice %arg3[%mul3A_25] : memref<320000xi32, #tpu.memory_space<hbm>> -> memref<2000xi32, #tpu.memory_space<hbm>>
      %dma_start3A_26 = tpu.memref_slice %arg3[%mul3A_25] : memref<320000xi32, #tpu.memory_space<hbm>> -> memref<2000xi32, #tpu.memory_space<hbm>>
      tpu.enqueue_dma source(%dma_start3A_26 : memref<2000xi32, #tpu.memory_space<hbm>>) target(%arg10 : memref<2000xi32, #tpu.memory_space<vmem>>) target_semaphore(%arg19 : memref<!tpu.dma_semaphore, #tpu.memory_space<semaphore_mem>>)
      %dma_start3A_27 = tpu.memref_slice %arg2[%mul3A_25] : memref<320000xi32, #tpu.memory_space<hbm>> -> memref<2000xi32, #tpu.memory_space<hbm>>
      %dma_start3A_28 = tpu.memref_slice %arg2[%mul3A_25] : memref<320000xi32, #tpu.memory_space<hbm>> -> memref<2000xi32, #tpu.memory_space<hbm>>
      tpu.enqueue_dma source(%dma_start3A_28 : memref<2000xi32, #tpu.memory_space<hbm>>) target(%arg11 : memref<2000xi32, #tpu.memory_space<vmem>>) target_semaphore(%arg19 : memref<!tpu.dma_semaphore, #tpu.memory_space<semaphore_mem>>)
      %dma_wait3A = tpu.memref_slice %arg3[%mul3A_25] : memref<320000xi32, #tpu.memory_space<hbm>> -> memref<2000xi32, #tpu.memory_space<hbm>>
      %dma_wait3A_29 = tpu.memref_slice %arg3[%mul3A_25] : memref<320000xi32, #tpu.memory_space<hbm>> -> memref<2000xi32, #tpu.memory_space<hbm>>
      tpu.wait_dma2 semaphore(%arg19 : memref<!tpu.dma_semaphore, #tpu.memory_space<semaphore_mem>>) src(%dma_wait3A_29 : memref<2000xi32, #tpu.memory_space<hbm>>) dst(%arg10 : memref<2000xi32, #tpu.memory_space<vmem>>)
      %dma_wait3A_30 = tpu.memref_slice %arg2[%mul3A_25] : memref<320000xi32, #tpu.memory_space<hbm>> -> memref<2000xi32, #tpu.memory_space<hbm>>
      %dma_wait3A_31 = tpu.memref_slice %arg2[%mul3A_25] : memref<320000xi32, #tpu.memory_space<hbm>> -> memref<2000xi32, #tpu.memory_space<hbm>>
      tpu.wait_dma2 semaphore(%arg19 : memref<!tpu.dma_semaphore, #tpu.memory_space<semaphore_mem>>) src(%dma_wait3A_31 : memref<2000xi32, #tpu.memory_space<hbm>>) dst(%arg11 : memref<2000xi32, #tpu.memory_space<vmem>>)
      %scan3A_32 = arith.constant 0 : i32
      %scan3A_33 = arith.constant 0 : i32
      %scan3A_34 = arith.constant 125 : i32
      %scan3A_35 = arith.addi %scan3A_33, %scan3A_34 : i32
      %scan3A_36 = arith.constant 1 : i32
      %scan3A_37 = scf.for %scan3A_67 = %scan3A_33 to %scan3A_35 step %scan3A_36 iter_args(%scan3A_68 = %scan3A_32) -> (i32)  : i32 {
        %mul3A_69 = arith.constant 16 : i32
        %mul3A_70 = arith.muli %scan3A_67, %mul3A_69 : i32
        %get3A = arith.index_cast %mul3A_70 : i32 to index
        %get3A_71 = tpu.vector_load %arg10[%get3A] {strides = array<i32>} : memref<2000xi32, #tpu.memory_space<vmem>>, vector<16xi32>,
        %ge3A = vector.broadcast %mul3A_2 : i32 to vector<16xi32>
        %ge3A_72 = arith.cmpi sge, %get3A_71, %ge3A : vector<16xi32>
        %add3A_73 = arith.constant 313 : i32
        %add3A_74 = arith.addi %mul3A_2, %add3A_73 : i32
        %lt3A = vector.broadcast %add3A_74 : i32 to vector<16xi32>
        %lt3A_75 = arith.cmpi slt, %get3A_71, %lt3A : vector<16xi32>
        %and3A_76 = arith.andi %ge3A_72, %lt3A_75 : vector<16xi1>
        %mul3A_77 = arith.constant 16 : i32
        %mul3A_78 = arith.muli %scan3A_67, %mul3A_77 : i32
        %get3A_79 = arith.index_cast %mul3A_78 : i32 to index
        %get3A_80 = tpu.vector_load %arg11[%get3A_79] {strides = array<i32>} : memref<2000xi32, #tpu.memory_space<vmem>>, vector<16xi32>,
        %mul3A_81 = arith.constant 16 : i32
        %mul3A_82 = arith.muli %scan3A_67, %mul3A_81 : i32
        %add3A_83 = arith.addi %mul3A_25, %mul3A_82 : i32
        %broadcast_in_dim3A_84 = vector.broadcast %add3A_83 : i32 to vector<16xi32>
        %add3A_85 = arith.addi %broadcast_in_dim3A_84, %iota3A : vector<16xi32>
        %sub3A_86 = vector.broadcast %mul3A_2 : i32 to vector<16xi32>
        %sub3A_87 = arith.subi %get3A_71, %sub3A_86 : vector<16xi32>
        %swap3A = arith.index_cast %scan3A_68 : i32 to index
        %swap3A_88 = tpu.vector_load %arg13[%swap3A] masked %and3A_76 {strides = array<i32>} : memref<2016xi32, #tpu.memory_space<vmem>>, vector<16xi32>, vector<16xi1>
        tpu.vector_store %arg13[%swap3A], %sub3A_87 masked %and3A_76 {strides = array<i32>} : memref<2016xi32, #tpu.memory_space<vmem>>, vector<16xi32>, vector<16xi1>
        %swap3A_89 = arith.index_cast %scan3A_68 : i32 to index
        %swap3A_90 = tpu.vector_load %arg12[%swap3A_89] masked %and3A_76 {strides = array<i32>} : memref<2016xi32, #tpu.memory_space<vmem>>, vector<16xi32>, vector<16xi1>
        tpu.vector_store %arg12[%swap3A_89], %get3A_80 masked %and3A_76 {strides = array<i32>} : memref<2016xi32, #tpu.memory_space<vmem>>, vector<16xi32>, vector<16xi1>
        %swap3A_91 = arith.index_cast %scan3A_68 : i32 to index
        %swap3A_92 = tpu.vector_load %arg14[%swap3A_91] masked %and3A_76 {strides = array<i32>} : memref<2016xi32, #tpu.memory_space<vmem>>, vector<16xi32>, vector<16xi1>
        tpu.vector_store %arg14[%swap3A_91], %add3A_85 masked %and3A_76 {strides = array<i32>} : memref<2016xi32, #tpu.memory_space<vmem>>, vector<16xi32>, vector<16xi1>
        %all_reduce_population_count3A = tpu.all_reduce %and3A_76 {dim = 0 : i64, kind = #tpu.reduction_kind<sum>} : vector<16xi1> -> vector<16xi32>
        %slice3A = vector.extract_strided_slice %all_reduce_population_count3A {offsets = [0], sizes = [1], strides = [1]} : vector<16xi32> to vector<1xi32>
        %squeeze3A = vector.extract %slice3A[0] : i32 from vector<1xi32>
        %add3A_93 = arith.addi %scan3A_68, %squeeze3A : i32
        scf.yield %add3A_93 : i32
      }
      %scan3A_38 = arith.constant 125 : i32
      %add3A_39 = arith.constant 96 : i32
      %add3A_40 = arith.addi %scan3A_37, %add3A_39 : i32
      %sub3A = arith.constant 1 : i32
      %sub3A_41 = arith.subi %add3A_40, %sub3A : i32
      %jit3A = arith.constant 96 : i32
      %div3A = arith.divsi %sub3A_41, %jit3A : i32
      %sign3A = arith.constant 0 : i32
      %sign3A_42 = arith.cmpi sgt, %sub3A_41, %sign3A : i32
      %sign3A_43 = arith.extui %sign3A_42 : i1 to i32
      %sign3A_44 = arith.constant 0 : i32
      %sign3A_45 = arith.cmpi slt, %sub3A_41, %sign3A_44 : i32
      %sign3A_46 = arith.extui %sign3A_45 : i1 to i32
      %sign3A_47 = arith.subi %sign3A_43, %sign3A_46 : i32
      %sign3A_48 = arith.constant 0 : i32
      %sign3A_49 = arith.cmpi sgt, %jit3A, %sign3A_48 : i32
      %sign3A_50 = arith.extui %sign3A_49 : i1 to i32
      %sign3A_51 = arith.constant 0 : i32
      %sign3A_52 = arith.cmpi slt, %jit3A, %sign3A_51 : i32
      %sign3A_53 = arith.extui %sign3A_52 : i1 to i32
      %sign3A_54 = arith.subi %sign3A_50, %sign3A_53 : i32
      %ne3A = arith.cmpi ne, %sign3A_47, %sign3A_54 : i32
      %rem3A = arith.remsi %sub3A_41, %jit3A : i32
      %ne3A_55 = arith.constant 0 : i32
      %ne3A_56 = arith.cmpi ne, %rem3A, %ne3A_55 : i32
      %and3A = arith.andi %ne3A, %ne3A_56 : i1
      %sub3A_57 = arith.constant 1 : i32
      %sub3A_58 = arith.subi %div3A, %sub3A_57 : i32
      %select_n3A = arith.select %and3A, %sub3A_58, %div3A : i32
      %while3A = arith.constant 0 : i32
      %while3A_59 = arith.subi %select_n3A, %while3A : i32
      %while3A_60 = arith.addi %while3A, %while3A_59 : i32
      %while3A_61 = arith.constant 1 : i32
      %while3A_62 = arith.divsi %while3A_59, %while3A_61 : i32
      %while3A_63 = arith.muli %while3A_62, %while3A_61 : i32
      %while3A_64 = arith.addi %while3A, %while3A_63 : i32
      %while3A_65 = arith.constant 1 : i32
      scf.for %while3A_67 = %while3A to %while3A_64 step %while3A_65  : i32 {
        %mul3A_68 = arith.constant 96 : i32
        %mul3A_69 = arith.muli %while3A_67, %mul3A_68 : i32
        %sub3A_70 = arith.subi %scan3A_37, %mul3A_69 : i32
        %min3A = arith.constant 96 : i32
        %min3A_71 = arith.minsi %min3A, %sub3A_70 : i32
        %dma_start3A_72 = tpu.memref_slice %arg12[%mul3A_69] : memref<2016xi32, #tpu.memory_space<vmem>> -> memref<96xi32, #tpu.memory_space<vmem>>
        %dma_start3A_73 = arith.constant 0 : i32
        %dma_start3A_74 = arith.constant 0 : i32
        %dma_start3A_75 = tpu.memref_slice %arg5[%dma_start3A_73, %dma_start3A_74] : memref<10000x256xf32, #tpu.memory_space<hbm>> -> memref<10000x256xf32, #tpu.memory_space<hbm>>
        tpu.enqueue_indirect_dma source(%dma_start3A_75 : memref<10000x256xf32, #tpu.memory_space<hbm>>) target(%arg15 : memref<96x256xf32, #tpu.memory_space<vmem>>) offsets(%dma_start3A_72 : memref<96xi32, #tpu.memory_space<vmem>>) semaphore(%arg19 : memref<!tpu.dma_semaphore, #tpu.memory_space<semaphore_mem>>)
        %dma_start3A_76 = tpu.memref_slice %arg14[%mul3A_69] : memref<2016xi32, #tpu.memory_space<vmem>> -> memref<96xi32, #tpu.memory_space<vmem>>
        %dma_start3A_77 = arith.constant 0 : i32
        %dma_start3A_78 = arith.constant 0 : i32
        %dma_start3A_79 = tpu.memref_slice %arg4[%dma_start3A_77, %dma_start3A_78] : memref<320000x16xf32, #tpu.memory_space<hbm>> -> memref<320000x16xf32, #tpu.memory_space<hbm>>
        tpu.enqueue_indirect_dma source(%dma_start3A_79 : memref<320000x16xf32, #tpu.memory_space<hbm>>) target(%arg16 : memref<96x16xf32, #tpu.memory_space<vmem>>) offsets(%dma_start3A_76 : memref<96xi32, #tpu.memory_space<vmem>>) semaphore(%arg19 : memref<!tpu.dma_semaphore, #tpu.memory_space<semaphore_mem>>)
        %dma_wait3A_80 = tpu.memref_slice %arg12[%mul3A_69] : memref<2016xi32, #tpu.memory_space<vmem>> -> memref<96xi32, #tpu.memory_space<vmem>>
        %dma_wait3A_81 = arith.constant 0 : i32
        %dma_wait3A_82 = arith.constant 0 : i32
        %dma_wait3A_83 = tpu.memref_slice %arg5[%dma_wait3A_81, %dma_wait3A_82] : memref<10000x256xf32, #tpu.memory_space<hbm>> -> memref<10000x256xf32, #tpu.memory_space<hbm>>
        tpu.wait_indirect_dma semaphore(%arg19 : memref<!tpu.dma_semaphore, #tpu.memory_space<semaphore_mem>>) src(%dma_wait3A_83 : memref<10000x256xf32, #tpu.memory_space<hbm>>) dst(%arg15 : memref<96x256xf32, #tpu.memory_space<vmem>>)
        %dma_wait3A_84 = tpu.memref_slice %arg14[%mul3A_69] : memref<2016xi32, #tpu.memory_space<vmem>> -> memref<96xi32, #tpu.memory_space<vmem>>
        %dma_wait3A_85 = arith.constant 0 : i32
        %dma_wait3A_86 = arith.constant 0 : i32
        %dma_wait3A_87 = tpu.memref_slice %arg4[%dma_wait3A_85, %dma_wait3A_86] : memref<320000x16xf32, #tpu.memory_space<hbm>> -> memref<320000x16xf32, #tpu.memory_space<hbm>>
        tpu.wait_indirect_dma semaphore(%arg19 : memref<!tpu.dma_semaphore, #tpu.memory_space<semaphore_mem>>) src(%dma_wait3A_87 : memref<320000x16xf32, #tpu.memory_space<hbm>>) dst(%arg16 : memref<96x16xf32, #tpu.memory_space<vmem>>)
        %while3A_88 = arith.constant 0 : i32
        %while3A_89 = arith.subi %min3A_71, %while3A_88 : i32
        %while3A_90 = arith.addi %while3A_88, %while3A_89 : i32
        %while3A_91 = arith.constant 1 : i32
        %while3A_92 = arith.divsi %while3A_89, %while3A_91 : i32
        %while3A_93 = arith.muli %while3A_92, %while3A_91 : i32
        %while3A_94 = arith.addi %while3A_88, %while3A_93 : i32
        %while3A_95 = arith.constant 1 : i32
        scf.for %while3A_97 = %while3A_88 to %while3A_94 step %while3A_95  : i32 {
          %add3A_98 = arith.addi %mul3A_69, %while3A_97 : i32
          %broadcast_in_dim3A_99 = vector.broadcast %add3A_98 : i32 to vector<16xi32>
          %gather3A = tpu.vector_load_idx %arg13[%broadcast_in_dim3A_99] : memref<2016xi32, #tpu.memory_space<vmem>>[vector<16xi32>], vector<16xi32>,
          %broadcast_in_dim3A_100 = vector.broadcast %while3A_97 : i32 to vector<16xi32>
          %broadcast_in_dim3A_101 = arith.constant 0 : i32
          %broadcast_in_dim3A_102 = vector.broadcast %broadcast_in_dim3A_101 : i32 to vector<16xi32>
          %gather3A_103 = tpu.vector_load_idx %arg16[%broadcast_in_dim3A_100, %broadcast_in_dim3A_102] : memref<96x16xf32, #tpu.memory_space<vmem>>[vector<16xi32>, vector<16xi32>], vector<16xf32>,
          %broadcast_in_dim3A_104 = arith.constant 0 : i32
          %broadcast_in_dim3A_105 = vector.broadcast %broadcast_in_dim3A_104 : i32 to vector<16xi32>
          %add3A_106 = arith.addi %broadcast_in_dim3A_105, %iota3A : vector<16xi32>
          %broadcast_in_dim3A_107 = vector.broadcast %while3A_97 : i32 to vector<16xi32>
          %gather3A_108 = tpu.vector_load_idx %arg15[%broadcast_in_dim3A_107, %add3A_106] : memref<96x256xf32, #tpu.memory_space<vmem>>[vector<16xi32>, vector<16xi32>], vector<16xf32>,
          %mul3A_109 = arith.mulf %gather3A_108, %gather3A_103 : vector<16xf32>
          tpu.vector_store_idx %arg9[%gather3A, %add3A_106], %mul3A_109 {add = true} : memref<313x256xf32, #tpu.memory_space<vmem>>[vector<16xi32>, vector<16xi32>], vector<16xf32>,
          %broadcast_in_dim3A_110 = arith.constant 16 : i32
          %broadcast_in_dim3A_111 = vector.broadcast %broadcast_in_dim3A_110 : i32 to vector<16xi32>
          %add3A_112 = arith.addi %broadcast_in_dim3A_111, %iota3A : vector<16xi32>
          %broadcast_in_dim3A_113 = vector.broadcast %while3A_97 : i32 to vector<16xi32>
          %gather3A_114 = tpu.vector_load_idx %arg15[%broadcast_in_dim3A_113, %add3A_112] : memref<96x256xf32, #tpu.memory_space<vmem>>[vector<16xi32>, vector<16xi32>], vector<16xf32>,
          %mul3A_115 = arith.mulf %gather3A_114, %gather3A_103 : vector<16xf32>
          tpu.vector_store_idx %arg9[%gather3A, %add3A_112], %mul3A_115 {add = true} : memref<313x256xf32, #tpu.memory_space<vmem>>[vector<16xi32>, vector<16xi32>], vector<16xf32>,
          %broadcast_in_dim3A_116 = vector.broadcast %while3A_97 : i32 to vector<16xi32>
          %broadcast_in_dim3A_117 = arith.constant 1 : i32
          %broadcast_in_dim3A_118 = vector.broadcast %broadcast_in_dim3A_117 : i32 to vector<16xi32>
          %gather3A_119 = tpu.vector_load_idx %arg16[%broadcast_in_dim3A_116, %broadcast_in_dim3A_118] : memref<96x16xf32, #tpu.memory_space<vmem>>[vector<16xi32>, vector<16xi32>], vector<16xf32>,
          %broadcast_in_dim3A_120 = arith.constant 32 : i32
          %broadcast_in_dim3A_121 = vector.broadcast %broadcast_in_dim3A_120 : i32 to vector<16xi32>
          %add3A_122 = arith.addi %broadcast_in_dim3A_121, %iota3A : vector<16xi32>
          %broadcast_in_dim3A_123 = vector.broadcast %while3A_97 : i32 to vector<16xi32>
          %gather3A_124 = tpu.vector_load_idx %arg15[%broadcast_in_dim3A_123, %add3A_122] : memref<96x256xf32, #tpu.memory_space<vmem>>[vector<16xi32>, vector<16xi32>], vector<16xf32>,
          %mul3A_125 = arith.mulf %gather3A_124, %gather3A_119 : vector<16xf32>
          tpu.vector_store_idx %arg9[%gather3A, %add3A_122], %mul3A_125 {add = true} : memref<313x256xf32, #tpu.memory_space<vmem>>[vector<16xi32>, vector<16xi32>], vector<16xf32>,
          %broadcast_in_dim3A_126 = arith.constant 48 : i32
          %broadcast_in_dim3A_127 = vector.broadcast %broadcast_in_dim3A_126 : i32 to vector<16xi32>
          %add3A_128 = arith.addi %broadcast_in_dim3A_127, %iota3A : vector<16xi32>
          %broadcast_in_dim3A_129 = vector.broadcast %while3A_97 : i32 to vector<16xi32>
          %gather3A_130 = tpu.vector_load_idx %arg15[%broadcast_in_dim3A_129, %add3A_128] : memref<96x256xf32, #tpu.memory_space<vmem>>[vector<16xi32>, vector<16xi32>], vector<16xf32>,
          %mul3A_131 = arith.mulf %gather3A_130, %gather3A_119 : vector<16xf32>
          tpu.vector_store_idx %arg9[%gather3A, %add3A_128], %mul3A_131 {add = true} : memref<313x256xf32, #tpu.memory_space<vmem>>[vector<16xi32>, vector<16xi32>], vector<16xf32>,
          %broadcast_in_dim3A_132 = vector.broadcast %while3A_97 : i32 to vector<16xi32>
          %broadcast_in_dim3A_133 = arith.constant 2 : i32
          %broadcast_in_dim3A_134 = vector.broadcast %broadcast_in_dim3A_133 : i32 to vector<16xi32>
          %gather3A_135 = tpu.vector_load_idx %arg16[%broadcast_in_dim3A_132, %broadcast_in_dim3A_134] : memref<96x16xf32, #tpu.memory_space<vmem>>[vector<16xi32>, vector<16xi32>], vector<16xf32>,
          %broadcast_in_dim3A_136 = arith.constant 64 : i32
          %broadcast_in_dim3A_137 = vector.broadcast %broadcast_in_dim3A_136 : i32 to vector<16xi32>
          %add3A_138 = arith.addi %broadcast_in_dim3A_137, %iota3A : vector<16xi32>
          %broadcast_in_dim3A_139 = vector.broadcast %while3A_97 : i32 to vector<16xi32>
          %gather3A_140 = tpu.vector_load_idx %arg15[%broadcast_in_dim3A_139, %add3A_138] : memref<96x256xf32, #tpu.memory_space<vmem>>[vector<16xi32>, vector<16xi32>], vector<16xf32>,
          %mul3A_141 = arith.mulf %gather3A_140, %gather3A_135 : vector<16xf32>
          tpu.vector_store_idx %arg9[%gather3A, %add3A_138], %mul3A_141 {add = true} : memref<313x256xf32, #tpu.memory_space<vmem>>[vector<16xi32>, vector<16xi32>], vector<16xf32>,
          %broadcast_in_dim3A_142 = arith.constant 80 : i32
          %broadcast_in_dim3A_143 = vector.broadcast %broadcast_in_dim3A_142 : i32 to vector<16xi32>
          %add3A_144 = arith.addi %broadcast_in_dim3A_143, %iota3A : vector<16xi32>
          %broadcast_in_dim3A_145 = vector.broadcast %while3A_97 : i32 to vector<16xi32>
          %gather3A_146 = tpu.vector_load_idx %arg15[%broadcast_in_dim3A_145, %add3A_144] : memref<96x256xf32, #tpu.memory_space<vmem>>[vector<16xi32>, vector<16xi32>], vector<16xf32>,
          %mul3A_147 = arith.mulf %gather3A_146, %gather3A_135 : vector<16xf32>
          tpu.vector_store_idx %arg9[%gather3A, %add3A_144], %mul3A_147 {add = true} : memref<313x256xf32, #tpu.memory_space<vmem>>[vector<16xi32>, vector<16xi32>], vector<16xf32>,
          %broadcast_in_dim3A_148 = vector.broadcast %while3A_97 : i32 to vector<16xi32>
          %broadcast_in_dim3A_149 = arith.constant 3 : i32
          %broadcast_in_dim3A_150 = vector.broadcast %broadcast_in_dim3A_149 : i32 to vector<16xi32>
          %gather3A_151 = tpu.vector_load_idx %arg16[%broadcast_in_dim3A_148, %broadcast_in_dim3A_150] : memref<96x16xf32, #tpu.memory_space<vmem>>[vector<16xi32>, vector<16xi32>], vector<16xf32>,
          %broadcast_in_dim3A_152 = arith.constant 96 : i32
          %broadcast_in_dim3A_153 = vector.broadcast %broadcast_in_dim3A_152 : i32 to vector<16xi32>
          %add3A_154 = arith.addi %broadcast_in_dim3A_153, %iota3A : vector<16xi32>
          %broadcast_in_dim3A_155 = vector.broadcast %while3A_97 : i32 to vector<16xi32>
          %gather3A_156 = tpu.vector_load_idx %arg15[%broadcast_in_dim3A_155, %add3A_154] : memref<96x256xf32, #tpu.memory_space<vmem>>[vector<16xi32>, vector<16xi32>], vector<16xf32>,
          %mul3A_157 = arith.mulf %gather3A_156, %gather3A_151 : vector<16xf32>
          tpu.vector_store_idx %arg9[%gather3A, %add3A_154], %mul3A_157 {add = true} : memref<313x256xf32, #tpu.memory_space<vmem>>[vector<16xi32>, vector<16xi32>], vector<16xf32>,
          %broadcast_in_dim3A_158 = arith.constant 112 : i32
          %broadcast_in_dim3A_159 = vector.broadcast %broadcast_in_dim3A_158 : i32 to vector<16xi32>
          %add3A_160 = arith.addi %broadcast_in_dim3A_159, %iota3A : vector<16xi32>
          %broadcast_in_dim3A_161 = vector.broadcast %while3A_97 : i32 to vector<16xi32>
          %gather3A_162 = tpu.vector_load_idx %arg15[%broadcast_in_dim3A_161, %add3A_160] : memref<96x256xf32, #tpu.memory_space<vmem>>[vector<16xi32>, vector<16xi32>], vector<16xf32>,
          %mul3A_163 = arith.mulf %gather3A_162, %gather3A_151 : vector<16xf32>
          tpu.vector_store_idx %arg9[%gather3A, %add3A_160], %mul3A_163 {add = true} : memref<313x256xf32, #tpu.memory_space<vmem>>[vector<16xi32>, vector<16xi32>], vector<16xf32>,
          %broadcast_in_dim3A_164 = vector.broadcast %while3A_97 : i32 to vector<16xi32>
          %broadcast_in_dim3A_165 = arith.constant 4 : i32
          %broadcast_in_dim3A_166 = vector.broadcast %broadcast_in_dim3A_165 : i32 to vector<16xi32>
          %gather3A_167 = tpu.vector_load_idx %arg16[%broadcast_in_dim3A_164, %broadcast_in_dim3A_166] : memref<96x16xf32, #tpu.memory_space<vmem>>[vector<16xi32>, vector<16xi32>], vector<16xf32>,
          %broadcast_in_dim3A_168 = arith.constant 128 : i32
          %broadcast_in_dim3A_169 = vector.broadcast %broadcast_in_dim3A_168 : i32 to vector<16xi32>
          %add3A_170 = arith.addi %broadcast_in_dim3A_169, %iota3A : vector<16xi32>
          %broadcast_in_dim3A_171 = vector.broadcast %while3A_97 : i32 to vector<16xi32>
          %gather3A_172 = tpu.vector_load_idx %arg15[%broadcast_in_dim3A_171, %add3A_170] : memref<96x256xf32, #tpu.memory_space<vmem>>[vector<16xi32>, vector<16xi32>], vector<16xf32>,
          %mul3A_173 = arith.mulf %gather3A_172, %gather3A_167 : vector<16xf32>
          tpu.vector_store_idx %arg9[%gather3A, %add3A_170], %mul3A_173 {add = true} : memref<313x256xf32, #tpu.memory_space<vmem>>[vector<16xi32>, vector<16xi32>], vector<16xf32>,
          %broadcast_in_dim3A_174 = arith.constant 144 : i32
          %broadcast_in_dim3A_175 = vector.broadcast %broadcast_in_dim3A_174 : i32 to vector<16xi32>
          %add3A_176 = arith.addi %broadcast_in_dim3A_175, %iota3A : vector<16xi32>
          %broadcast_in_dim3A_177 = vector.broadcast %while3A_97 : i32 to vector<16xi32>
          %gather3A_178 = tpu.vector_load_idx %arg15[%broadcast_in_dim3A_177, %add3A_176] : memref<96x256xf32, #tpu.memory_space<vmem>>[vector<16xi32>, vector<16xi32>], vector<16xf32>,
          %mul3A_179 = arith.mulf %gather3A_178, %gather3A_167 : vector<16xf32>
          tpu.vector_store_idx %arg9[%gather3A, %add3A_176], %mul3A_179 {add = true} : memref<313x256xf32, #tpu.memory_space<vmem>>[vector<16xi32>, vector<16xi32>], vector<16xf32>,
          %broadcast_in_dim3A_180 = vector.broadcast %while3A_97 : i32 to vector<16xi32>
          %broadcast_in_dim3A_181 = arith.constant 5 : i32
          %broadcast_in_dim3A_182 = vector.broadcast %broadcast_in_dim3A_181 : i32 to vector<16xi32>
          %gather3A_183 = tpu.vector_load_idx %arg16[%broadcast_in_dim3A_180, %broadcast_in_dim3A_182] : memref<96x16xf32, #tpu.memory_space<vmem>>[vector<16xi32>, vector<16xi32>], vector<16xf32>,
          %broadcast_in_dim3A_184 = arith.constant 160 : i32
          %broadcast_in_dim3A_185 = vector.broadcast %broadcast_in_dim3A_184 : i32 to vector<16xi32>
          %add3A_186 = arith.addi %broadcast_in_dim3A_185, %iota3A : vector<16xi32>
          %broadcast_in_dim3A_187 = vector.broadcast %while3A_97 : i32 to vector<16xi32>
          %gather3A_188 = tpu.vector_load_idx %arg15[%broadcast_in_dim3A_187, %add3A_186] : memref<96x256xf32, #tpu.memory_space<vmem>>[vector<16xi32>, vector<16xi32>], vector<16xf32>,
          %mul3A_189 = arith.mulf %gather3A_188, %gather3A_183 : vector<16xf32>
          tpu.vector_store_idx %arg9[%gather3A, %add3A_186], %mul3A_189 {add = true} : memref<313x256xf32, #tpu.memory_space<vmem>>[vector<16xi32>, vector<16xi32>], vector<16xf32>,
          %broadcast_in_dim3A_190 = arith.constant 176 : i32
          %broadcast_in_dim3A_191 = vector.broadcast %broadcast_in_dim3A_190 : i32 to vector<16xi32>
          %add3A_192 = arith.addi %broadcast_in_dim3A_191, %iota3A : vector<16xi32>
          %broadcast_in_dim3A_193 = vector.broadcast %while3A_97 : i32 to vector<16xi32>
          %gather3A_194 = tpu.vector_load_idx %arg15[%broadcast_in_dim3A_193, %add3A_192] : memref<96x256xf32, #tpu.memory_space<vmem>>[vector<16xi32>, vector<16xi32>], vector<16xf32>,
          %mul3A_195 = arith.mulf %gather3A_194, %gather3A_183 : vector<16xf32>
          tpu.vector_store_idx %arg9[%gather3A, %add3A_192], %mul3A_195 {add = true} : memref<313x256xf32, #tpu.memory_space<vmem>>[vector<16xi32>, vector<16xi32>], vector<16xf32>,
          %broadcast_in_dim3A_196 = vector.broadcast %while3A_97 : i32 to vector<16xi32>
          %broadcast_in_dim3A_197 = arith.constant 6 : i32
          %broadcast_in_dim3A_198 = vector.broadcast %broadcast_in_dim3A_197 : i32 to vector<16xi32>
          %gather3A_199 = tpu.vector_load_idx %arg16[%broadcast_in_dim3A_196, %broadcast_in_dim3A_198] : memref<96x16xf32, #tpu.memory_space<vmem>>[vector<16xi32>, vector<16xi32>], vector<16xf32>,
          %broadcast_in_dim3A_200 = arith.constant 192 : i32
          %broadcast_in_dim3A_201 = vector.broadcast %broadcast_in_dim3A_200 : i32 to vector<16xi32>
          %add3A_202 = arith.addi %broadcast_in_dim3A_201, %iota3A : vector<16xi32>
          %broadcast_in_dim3A_203 = vector.broadcast %while3A_97 : i32 to vector<16xi32>
          %gather3A_204 = tpu.vector_load_idx %arg15[%broadcast_in_dim3A_203, %add3A_202] : memref<96x256xf32, #tpu.memory_space<vmem>>[vector<16xi32>, vector<16xi32>], vector<16xf32>,
          %mul3A_205 = arith.mulf %gather3A_204, %gather3A_199 : vector<16xf32>
          tpu.vector_store_idx %arg9[%gather3A, %add3A_202], %mul3A_205 {add = true} : memref<313x256xf32, #tpu.memory_space<vmem>>[vector<16xi32>, vector<16xi32>], vector<16xf32>,
          %broadcast_in_dim3A_206 = arith.constant 208 : i32
          %broadcast_in_dim3A_207 = vector.broadcast %broadcast_in_dim3A_206 : i32 to vector<16xi32>
          %add3A_208 = arith.addi %broadcast_in_dim3A_207, %iota3A : vector<16xi32>
          %broadcast_in_dim3A_209 = vector.broadcast %while3A_97 : i32 to vector<16xi32>
          %gather3A_210 = tpu.vector_load_idx %arg15[%broadcast_in_dim3A_209, %add3A_208] : memref<96x256xf32, #tpu.memory_space<vmem>>[vector<16xi32>, vector<16xi32>], vector<16xf32>,
          %mul3A_211 = arith.mulf %gather3A_210, %gather3A_199 : vector<16xf32>
          tpu.vector_store_idx %arg9[%gather3A, %add3A_208], %mul3A_211 {add = true} : memref<313x256xf32, #tpu.memory_space<vmem>>[vector<16xi32>, vector<16xi32>], vector<16xf32>,
          %broadcast_in_dim3A_212 = vector.broadcast %while3A_97 : i32 to vector<16xi32>
          %broadcast_in_dim3A_213 = arith.constant 7 : i32
          %broadcast_in_dim3A_214 = vector.broadcast %broadcast_in_dim3A_213 : i32 to vector<16xi32>
          %gather3A_215 = tpu.vector_load_idx %arg16[%broadcast_in_dim3A_212, %broadcast_in_dim3A_214] : memref<96x16xf32, #tpu.memory_space<vmem>>[vector<16xi32>, vector<16xi32>], vector<16xf32>,
          %broadcast_in_dim3A_216 = arith.constant 224 : i32
          %broadcast_in_dim3A_217 = vector.broadcast %broadcast_in_dim3A_216 : i32 to vector<16xi32>
          %add3A_218 = arith.addi %broadcast_in_dim3A_217, %iota3A : vector<16xi32>
          %broadcast_in_dim3A_219 = vector.broadcast %while3A_97 : i32 to vector<16xi32>
          %gather3A_220 = tpu.vector_load_idx %arg15[%broadcast_in_dim3A_219, %add3A_218] : memref<96x256xf32, #tpu.memory_space<vmem>>[vector<16xi32>, vector<16xi32>], vector<16xf32>,
          %mul3A_221 = arith.mulf %gather3A_220, %gather3A_215 : vector<16xf32>
          tpu.vector_store_idx %arg9[%gather3A, %add3A_218], %mul3A_221 {add = true} : memref<313x256xf32, #tpu.memory_space<vmem>>[vector<16xi32>, vector<16xi32>], vector<16xf32>,
          %broadcast_in_dim3A_222 = arith.constant 240 : i32
          %broadcast_in_dim3A_223 = vector.broadcast %broadcast_in_dim3A_222 : i32 to vector<16xi32>
          %add3A_224 = arith.addi %broadcast_in_dim3A_223, %iota3A : vector<16xi32>
          %broadcast_in_dim3A_225 = vector.broadcast %while3A_97 : i32 to vector<16xi32>
          %gather3A_226 = tpu.vector_load_idx %arg15[%broadcast_in_dim3A_225, %add3A_224] : memref<96x256xf32, #tpu.memory_space<vmem>>[vector<16xi32>, vector<16xi32>], vector<16xf32>,
          %mul3A_227 = arith.mulf %gather3A_226, %gather3A_215 : vector<16xf32>
          tpu.vector_store_idx %arg9[%gather3A, %add3A_224], %mul3A_227 {add = true} : memref<313x256xf32, #tpu.memory_space<vmem>>[vector<16xi32>, vector<16xi32>], vector<16xf32>,
        }
        %while3A_96 = arith.constant 1 : i32
        scf.for %while3A_97 = %while3A_94 to %while3A_90 step %while3A_96  : i32 {
          %add3A_98 = arith.addi %mul3A_69, %while3A_97 : i32
          %broadcast_in_dim3A_99 = vector.broadcast %add3A_98 : i32 to vector<16xi32>
          %gather3A = tpu.vector_load_idx %arg13[%broadcast_in_dim3A_99] : memref<2016xi32, #tpu.memory_space<vmem>>[vector<16xi32>], vector<16xi32>,
          %broadcast_in_dim3A_100 = vector.broadcast %while3A_97 : i32 to vector<16xi32>
          %broadcast_in_dim3A_101 = arith.constant 0 : i32
          %broadcast_in_dim3A_102 = vector.broadcast %broadcast_in_dim3A_101 : i32 to vector<16xi32>
          %gather3A_103 = tpu.vector_load_idx %arg16[%broadcast_in_dim3A_100, %broadcast_in_dim3A_102] : memref<96x16xf32, #tpu.memory_space<vmem>>[vector<16xi32>, vector<16xi32>], vector<16xf32>,
          %broadcast_in_dim3A_104 = arith.constant 0 : i32
          %broadcast_in_dim3A_105 = vector.broadcast %broadcast_in_dim3A_104 : i32 to vector<16xi32>
          %add3A_106 = arith.addi %broadcast_in_dim3A_105, %iota3A : vector<16xi32>
          %broadcast_in_dim3A_107 = vector.broadcast %while3A_97 : i32 to vector<16xi32>
          %gather3A_108 = tpu.vector_load_idx %arg15[%broadcast_in_dim3A_107, %add3A_106] : memref<96x256xf32, #tpu.memory_space<vmem>>[vector<16xi32>, vector<16xi32>], vector<16xf32>,
          %mul3A_109 = arith.mulf %gather3A_108, %gather3A_103 : vector<16xf32>
          tpu.vector_store_idx %arg9[%gather3A, %add3A_106], %mul3A_109 {add = true} : memref<313x256xf32, #tpu.memory_space<vmem>>[vector<16xi32>, vector<16xi32>], vector<16xf32>,
          %broadcast_in_dim3A_110 = arith.constant 16 : i32
          %broadcast_in_dim3A_111 = vector.broadcast %broadcast_in_dim3A_110 : i32 to vector<16xi32>
          %add3A_112 = arith.addi %broadcast_in_dim3A_111, %iota3A : vector<16xi32>
          %broadcast_in_dim3A_113 = vector.broadcast %while3A_97 : i32 to vector<16xi32>
          %gather3A_114 = tpu.vector_load_idx %arg15[%broadcast_in_dim3A_113, %add3A_112] : memref<96x256xf32, #tpu.memory_space<vmem>>[vector<16xi32>, vector<16xi32>], vector<16xf32>,
          %mul3A_115 = arith.mulf %gather3A_114, %gather3A_103 : vector<16xf32>
          tpu.vector_store_idx %arg9[%gather3A, %add3A_112], %mul3A_115 {add = true} : memref<313x256xf32, #tpu.memory_space<vmem>>[vector<16xi32>, vector<16xi32>], vector<16xf32>,
          %broadcast_in_dim3A_116 = vector.broadcast %while3A_97 : i32 to vector<16xi32>
          %broadcast_in_dim3A_117 = arith.constant 1 : i32
          %broadcast_in_dim3A_118 = vector.broadcast %broadcast_in_dim3A_117 : i32 to vector<16xi32>
          %gather3A_119 = tpu.vector_load_idx %arg16[%broadcast_in_dim3A_116, %broadcast_in_dim3A_118] : memref<96x16xf32, #tpu.memory_space<vmem>>[vector<16xi32>, vector<16xi32>], vector<16xf32>,
          %broadcast_in_dim3A_120 = arith.constant 32 : i32
          %broadcast_in_dim3A_121 = vector.broadcast %broadcast_in_dim3A_120 : i32 to vector<16xi32>
          %add3A_122 = arith.addi %broadcast_in_dim3A_121, %iota3A : vector<16xi32>
          %broadcast_in_dim3A_123 = vector.broadcast %while3A_97 : i32 to vector<16xi32>
          %gather3A_124 = tpu.vector_load_idx %arg15[%broadcast_in_dim3A_123, %add3A_122] : memref<96x256xf32, #tpu.memory_space<vmem>>[vector<16xi32>, vector<16xi32>], vector<16xf32>,
          %mul3A_125 = arith.mulf %gather3A_124, %gather3A_119 : vector<16xf32>
          tpu.vector_store_idx %arg9[%gather3A, %add3A_122], %mul3A_125 {add = true} : memref<313x256xf32, #tpu.memory_space<vmem>>[vector<16xi32>, vector<16xi32>], vector<16xf32>,
          %broadcast_in_dim3A_126 = arith.constant 48 : i32
          %broadcast_in_dim3A_127 = vector.broadcast %broadcast_in_dim3A_126 : i32 to vector<16xi32>
          %add3A_128 = arith.addi %broadcast_in_dim3A_127, %iota3A : vector<16xi32>
          %broadcast_in_dim3A_129 = vector.broadcast %while3A_97 : i32 to vector<16xi32>
          %gather3A_130 = tpu.vector_load_idx %arg15[%broadcast_in_dim3A_129, %add3A_128] : memref<96x256xf32, #tpu.memory_space<vmem>>[vector<16xi32>, vector<16xi32>], vector<16xf32>,
          %mul3A_131 = arith.mulf %gather3A_130, %gather3A_119 : vector<16xf32>
          tpu.vector_store_idx %arg9[%gather3A, %add3A_128], %mul3A_131 {add = true} : memref<313x256xf32, #tpu.memory_space<vmem>>[vector<16xi32>, vector<16xi32>], vector<16xf32>,
          %broadcast_in_dim3A_132 = vector.broadcast %while3A_97 : i32 to vector<16xi32>
          %broadcast_in_dim3A_133 = arith.constant 2 : i32
          %broadcast_in_dim3A_134 = vector.broadcast %broadcast_in_dim3A_133 : i32 to vector<16xi32>
          %gather3A_135 = tpu.vector_load_idx %arg16[%broadcast_in_dim3A_132, %broadcast_in_dim3A_134] : memref<96x16xf32, #tpu.memory_space<vmem>>[vector<16xi32>, vector<16xi32>], vector<16xf32>,
          %broadcast_in_dim3A_136 = arith.constant 64 : i32
          %broadcast_in_dim3A_137 = vector.broadcast %broadcast_in_dim3A_136 : i32 to vector<16xi32>
          %add3A_138 = arith.addi %broadcast_in_dim3A_137, %iota3A : vector<16xi32>
          %broadcast_in_dim3A_139 = vector.broadcast %while3A_97 : i32 to vector<16xi32>
          %gather3A_140 = tpu.vector_load_idx %arg15[%broadcast_in_dim3A_139, %add3A_138] : memref<96x256xf32, #tpu.memory_space<vmem>>[vector<16xi32>, vector<16xi32>], vector<16xf32>,
          %mul3A_141 = arith.mulf %gather3A_140, %gather3A_135 : vector<16xf32>
          tpu.vector_store_idx %arg9[%gather3A, %add3A_138], %mul3A_141 {add = true} : memref<313x256xf32, #tpu.memory_space<vmem>>[vector<16xi32>, vector<16xi32>], vector<16xf32>,
          %broadcast_in_dim3A_142 = arith.constant 80 : i32
          %broadcast_in_dim3A_143 = vector.broadcast %broadcast_in_dim3A_142 : i32 to vector<16xi32>
          %add3A_144 = arith.addi %broadcast_in_dim3A_143, %iota3A : vector<16xi32>
          %broadcast_in_dim3A_145 = vector.broadcast %while3A_97 : i32 to vector<16xi32>
          %gather3A_146 = tpu.vector_load_idx %arg15[%broadcast_in_dim3A_145, %add3A_144] : memref<96x256xf32, #tpu.memory_space<vmem>>[vector<16xi32>, vector<16xi32>], vector<16xf32>,
          %mul3A_147 = arith.mulf %gather3A_146, %gather3A_135 : vector<16xf32>
          tpu.vector_store_idx %arg9[%gather3A, %add3A_144], %mul3A_147 {add = true} : memref<313x256xf32, #tpu.memory_space<vmem>>[vector<16xi32>, vector<16xi32>], vector<16xf32>,
          %broadcast_in_dim3A_148 = vector.broadcast %while3A_97 : i32 to vector<16xi32>
          %broadcast_in_dim3A_149 = arith.constant 3 : i32
          %broadcast_in_dim3A_150 = vector.broadcast %broadcast_in_dim3A_149 : i32 to vector<16xi32>
          %gather3A_151 = tpu.vector_load_idx %arg16[%broadcast_in_dim3A_148, %broadcast_in_dim3A_150] : memref<96x16xf32, #tpu.memory_space<vmem>>[vector<16xi32>, vector<16xi32>], vector<16xf32>,
          %broadcast_in_dim3A_152 = arith.constant 96 : i32
          %broadcast_in_dim3A_153 = vector.broadcast %broadcast_in_dim3A_152 : i32 to vector<16xi32>
          %add3A_154 = arith.addi %broadcast_in_dim3A_153, %iota3A : vector<16xi32>
          %broadcast_in_dim3A_155 = vector.broadcast %while3A_97 : i32 to vector<16xi32>
          %gather3A_156 = tpu.vector_load_idx %arg15[%broadcast_in_dim3A_155, %add3A_154] : memref<96x256xf32, #tpu.memory_space<vmem>>[vector<16xi32>, vector<16xi32>], vector<16xf32>,
          %mul3A_157 = arith.mulf %gather3A_156, %gather3A_151 : vector<16xf32>
          tpu.vector_store_idx %arg9[%gather3A, %add3A_154], %mul3A_157 {add = true} : memref<313x256xf32, #tpu.memory_space<vmem>>[vector<16xi32>, vector<16xi32>], vector<16xf32>,
          %broadcast_in_dim3A_158 = arith.constant 112 : i32
          %broadcast_in_dim3A_159 = vector.broadcast %broadcast_in_dim3A_158 : i32 to vector<16xi32>
          %add3A_160 = arith.addi %broadcast_in_dim3A_159, %iota3A : vector<16xi32>
          %broadcast_in_dim3A_161 = vector.broadcast %while3A_97 : i32 to vector<16xi32>
          %gather3A_162 = tpu.vector_load_idx %arg15[%broadcast_in_dim3A_161, %add3A_160] : memref<96x256xf32, #tpu.memory_space<vmem>>[vector<16xi32>, vector<16xi32>], vector<16xf32>,
          %mul3A_163 = arith.mulf %gather3A_162, %gather3A_151 : vector<16xf32>
          tpu.vector_store_idx %arg9[%gather3A, %add3A_160], %mul3A_163 {add = true} : memref<313x256xf32, #tpu.memory_space<vmem>>[vector<16xi32>, vector<16xi32>], vector<16xf32>,
          %broadcast_in_dim3A_164 = vector.broadcast %while3A_97 : i32 to vector<16xi32>
          %broadcast_in_dim3A_165 = arith.constant 4 : i32
          %broadcast_in_dim3A_166 = vector.broadcast %broadcast_in_dim3A_165 : i32 to vector<16xi32>
          %gather3A_167 = tpu.vector_load_idx %arg16[%broadcast_in_dim3A_164, %broadcast_in_dim3A_166] : memref<96x16xf32, #tpu.memory_space<vmem>>[vector<16xi32>, vector<16xi32>], vector<16xf32>,
          %broadcast_in_dim3A_168 = arith.constant 128 : i32
          %broadcast_in_dim3A_169 = vector.broadcast %broadcast_in_dim3A_168 : i32 to vector<16xi32>
          %add3A_170 = arith.addi %broadcast_in_dim3A_169, %iota3A : vector<16xi32>
          %broadcast_in_dim3A_171 = vector.broadcast %while3A_97 : i32 to vector<16xi32>
          %gather3A_172 = tpu.vector_load_idx %arg15[%broadcast_in_dim3A_171, %add3A_170] : memref<96x256xf32, #tpu.memory_space<vmem>>[vector<16xi32>, vector<16xi32>], vector<16xf32>,
          %mul3A_173 = arith.mulf %gather3A_172, %gather3A_167 : vector<16xf32>
          tpu.vector_store_idx %arg9[%gather3A, %add3A_170], %mul3A_173 {add = true} : memref<313x256xf32, #tpu.memory_space<vmem>>[vector<16xi32>, vector<16xi32>], vector<16xf32>,
          %broadcast_in_dim3A_174 = arith.constant 144 : i32
          %broadcast_in_dim3A_175 = vector.broadcast %broadcast_in_dim3A_174 : i32 to vector<16xi32>
          %add3A_176 = arith.addi %broadcast_in_dim3A_175, %iota3A : vector<16xi32>
          %broadcast_in_dim3A_177 = vector.broadcast %while3A_97 : i32 to vector<16xi32>
          %gather3A_178 = tpu.vector_load_idx %arg15[%broadcast_in_dim3A_177, %add3A_176] : memref<96x256xf32, #tpu.memory_space<vmem>>[vector<16xi32>, vector<16xi32>], vector<16xf32>,
          %mul3A_179 = arith.mulf %gather3A_178, %gather3A_167 : vector<16xf32>
          tpu.vector_store_idx %arg9[%gather3A, %add3A_176], %mul3A_179 {add = true} : memref<313x256xf32, #tpu.memory_space<vmem>>[vector<16xi32>, vector<16xi32>], vector<16xf32>,
          %broadcast_in_dim3A_180 = vector.broadcast %while3A_97 : i32 to vector<16xi32>
          %broadcast_in_dim3A_181 = arith.constant 5 : i32
          %broadcast_in_dim3A_182 = vector.broadcast %broadcast_in_dim3A_181 : i32 to vector<16xi32>
          %gather3A_183 = tpu.vector_load_idx %arg16[%broadcast_in_dim3A_180, %broadcast_in_dim3A_182] : memref<96x16xf32, #tpu.memory_space<vmem>>[vector<16xi32>, vector<16xi32>], vector<16xf32>,
          %broadcast_in_dim3A_184 = arith.constant 160 : i32
          %broadcast_in_dim3A_185 = vector.broadcast %broadcast_in_dim3A_184 : i32 to vector<16xi32>
          %add3A_186 = arith.addi %broadcast_in_dim3A_185, %iota3A : vector<16xi32>
          %broadcast_in_dim3A_187 = vector.broadcast %while3A_97 : i32 to vector<16xi32>
          %gather3A_188 = tpu.vector_load_idx %arg15[%broadcast_in_dim3A_187, %add3A_186] : memref<96x256xf32, #tpu.memory_space<vmem>>[vector<16xi32>, vector<16xi32>], vector<16xf32>,
          %mul3A_189 = arith.mulf %gather3A_188, %gather3A_183 : vector<16xf32>
          tpu.vector_store_idx %arg9[%gather3A, %add3A_186], %mul3A_189 {add = true} : memref<313x256xf32, #tpu.memory_space<vmem>>[vector<16xi32>, vector<16xi32>], vector<16xf32>,
          %broadcast_in_dim3A_190 = arith.constant 176 : i32
          %broadcast_in_dim3A_191 = vector.broadcast %broadcast_in_dim3A_190 : i32 to vector<16xi32>
          %add3A_192 = arith.addi %broadcast_in_dim3A_191, %iota3A : vector<16xi32>
          %broadcast_in_dim3A_193 = vector.broadcast %while3A_97 : i32 to vector<16xi32>
          %gather3A_194 = tpu.vector_load_idx %arg15[%broadcast_in_dim3A_193, %add3A_192] : memref<96x256xf32, #tpu.memory_space<vmem>>[vector<16xi32>, vector<16xi32>], vector<16xf32>,
          %mul3A_195 = arith.mulf %gather3A_194, %gather3A_183 : vector<16xf32>
          tpu.vector_store_idx %arg9[%gather3A, %add3A_192], %mul3A_195 {add = true} : memref<313x256xf32, #tpu.memory_space<vmem>>[vector<16xi32>, vector<16xi32>], vector<16xf32>,
          %broadcast_in_dim3A_196 = vector.broadcast %while3A_97 : i32 to vector<16xi32>
          %broadcast_in_dim3A_197 = arith.constant 6 : i32
          %broadcast_in_dim3A_198 = vector.broadcast %broadcast_in_dim3A_197 : i32 to vector<16xi32>
          %gather3A_199 = tpu.vector_load_idx %arg16[%broadcast_in_dim3A_196, %broadcast_in_dim3A_198] : memref<96x16xf32, #tpu.memory_space<vmem>>[vector<16xi32>, vector<16xi32>], vector<16xf32>,
          %broadcast_in_dim3A_200 = arith.constant 192 : i32
          %broadcast_in_dim3A_201 = vector.broadcast %broadcast_in_dim3A_200 : i32 to vector<16xi32>
          %add3A_202 = arith.addi %broadcast_in_dim3A_201, %iota3A : vector<16xi32>
          %broadcast_in_dim3A_203 = vector.broadcast %while3A_97 : i32 to vector<16xi32>
          %gather3A_204 = tpu.vector_load_idx %arg15[%broadcast_in_dim3A_203, %add3A_202] : memref<96x256xf32, #tpu.memory_space<vmem>>[vector<16xi32>, vector<16xi32>], vector<16xf32>,
          %mul3A_205 = arith.mulf %gather3A_204, %gather3A_199 : vector<16xf32>
          tpu.vector_store_idx %arg9[%gather3A, %add3A_202], %mul3A_205 {add = true} : memref<313x256xf32, #tpu.memory_space<vmem>>[vector<16xi32>, vector<16xi32>], vector<16xf32>,
          %broadcast_in_dim3A_206 = arith.constant 208 : i32
          %broadcast_in_dim3A_207 = vector.broadcast %broadcast_in_dim3A_206 : i32 to vector<16xi32>
          %add3A_208 = arith.addi %broadcast_in_dim3A_207, %iota3A : vector<16xi32>
          %broadcast_in_dim3A_209 = vector.broadcast %while3A_97 : i32 to vector<16xi32>
          %gather3A_210 = tpu.vector_load_idx %arg15[%broadcast_in_dim3A_209, %add3A_208] : memref<96x256xf32, #tpu.memory_space<vmem>>[vector<16xi32>, vector<16xi32>], vector<16xf32>,
          %mul3A_211 = arith.mulf %gather3A_210, %gather3A_199 : vector<16xf32>
          tpu.vector_store_idx %arg9[%gather3A, %add3A_208], %mul3A_211 {add = true} : memref<313x256xf32, #tpu.memory_space<vmem>>[vector<16xi32>, vector<16xi32>], vector<16xf32>,
          %broadcast_in_dim3A_212 = vector.broadcast %while3A_97 : i32 to vector<16xi32>
          %broadcast_in_dim3A_213 = arith.constant 7 : i32
          %broadcast_in_dim3A_214 = vector.broadcast %broadcast_in_dim3A_213 : i32 to vector<16xi32>
          %gather3A_215 = tpu.vector_load_idx %arg16[%broadcast_in_dim3A_212, %broadcast_in_dim3A_214] : memref<96x16xf32, #tpu.memory_space<vmem>>[vector<16xi32>, vector<16xi32>], vector<16xf32>,
          %broadcast_in_dim3A_216 = arith.constant 224 : i32
          %broadcast_in_dim3A_217 = vector.broadcast %broadcast_in_dim3A_216 : i32 to vector<16xi32>
          %add3A_218 = arith.addi %broadcast_in_dim3A_217, %iota3A : vector<16xi32>
          %broadcast_in_dim3A_219 = vector.broadcast %while3A_97 : i32 to vector<16xi32>
          %gather3A_220 = tpu.vector_load_idx %arg15[%broadcast_in_dim3A_219, %add3A_218] : memref<96x256xf32, #tpu.memory_space<vmem>>[vector<16xi32>, vector<16xi32>], vector<16xf32>,
          %mul3A_221 = arith.mulf %gather3A_220, %gather3A_215 : vector<16xf32>
          tpu.vector_store_idx %arg9[%gather3A, %add3A_218], %mul3A_221 {add = true} : memref<313x256xf32, #tpu.memory_space<vmem>>[vector<16xi32>, vector<16xi32>], vector<16xf32>,
          %broadcast_in_dim3A_222 = arith.constant 240 : i32
          %broadcast_in_dim3A_223 = vector.broadcast %broadcast_in_dim3A_222 : i32 to vector<16xi32>
          %add3A_224 = arith.addi %broadcast_in_dim3A_223, %iota3A : vector<16xi32>
          %broadcast_in_dim3A_225 = vector.broadcast %while3A_97 : i32 to vector<16xi32>
          %gather3A_226 = tpu.vector_load_idx %arg15[%broadcast_in_dim3A_225, %add3A_224] : memref<96x256xf32, #tpu.memory_space<vmem>>[vector<16xi32>, vector<16xi32>], vector<16xf32>,
          %mul3A_227 = arith.mulf %gather3A_226, %gather3A_215 : vector<16xf32>
          tpu.vector_store_idx %arg9[%gather3A, %add3A_224], %mul3A_227 {add = true} : memref<313x256xf32, #tpu.memory_space<vmem>>[vector<16xi32>, vector<16xi32>], vector<16xf32>,
        }
      }
      %while3A_66 = arith.constant 1 : i32
      scf.for %while3A_67 = %while3A_64 to %while3A_60 step %while3A_66  : i32 {
        %mul3A_68 = arith.constant 96 : i32
        %mul3A_69 = arith.muli %while3A_67, %mul3A_68 : i32
        %sub3A_70 = arith.subi %scan3A_37, %mul3A_69 : i32
        %min3A = arith.constant 96 : i32
        %min3A_71 = arith.minsi %min3A, %sub3A_70 : i32
        %dma_start3A_72 = tpu.memref_slice %arg12[%mul3A_69] : memref<2016xi32, #tpu.memory_space<vmem>> -> memref<96xi32, #tpu.memory_space<vmem>>
        %dma_start3A_73 = arith.constant 0 : i32
        %dma_start3A_74 = arith.constant 0 : i32
        %dma_start3A_75 = tpu.memref_slice %arg5[%dma_start3A_73, %dma_start3A_74] : memref<10000x256xf32, #tpu.memory_space<hbm>> -> memref<10000x256xf32, #tpu.memory_space<hbm>>
        tpu.enqueue_indirect_dma source(%dma_start3A_75 : memref<10000x256xf32, #tpu.memory_space<hbm>>) target(%arg15 : memref<96x256xf32, #tpu.memory_space<vmem>>) offsets(%dma_start3A_72 : memref<96xi32, #tpu.memory_space<vmem>>) semaphore(%arg19 : memref<!tpu.dma_semaphore, #tpu.memory_space<semaphore_mem>>)
        %dma_start3A_76 = tpu.memref_slice %arg14[%mul3A_69] : memref<2016xi32, #tpu.memory_space<vmem>> -> memref<96xi32, #tpu.memory_space<vmem>>
        %dma_start3A_77 = arith.constant 0 : i32
        %dma_start3A_78 = arith.constant 0 : i32
        %dma_start3A_79 = tpu.memref_slice %arg4[%dma_start3A_77, %dma_start3A_78] : memref<320000x16xf32, #tpu.memory_space<hbm>> -> memref<320000x16xf32, #tpu.memory_space<hbm>>
        tpu.enqueue_indirect_dma source(%dma_start3A_79 : memref<320000x16xf32, #tpu.memory_space<hbm>>) target(%arg16 : memref<96x16xf32, #tpu.memory_space<vmem>>) offsets(%dma_start3A_76 : memref<96xi32, #tpu.memory_space<vmem>>) semaphore(%arg19 : memref<!tpu.dma_semaphore, #tpu.memory_space<semaphore_mem>>)
        %dma_wait3A_80 = tpu.memref_slice %arg12[%mul3A_69] : memref<2016xi32, #tpu.memory_space<vmem>> -> memref<96xi32, #tpu.memory_space<vmem>>
        %dma_wait3A_81 = arith.constant 0 : i32
        %dma_wait3A_82 = arith.constant 0 : i32
        %dma_wait3A_83 = tpu.memref_slice %arg5[%dma_wait3A_81, %dma_wait3A_82] : memref<10000x256xf32, #tpu.memory_space<hbm>> -> memref<10000x256xf32, #tpu.memory_space<hbm>>
        tpu.wait_indirect_dma semaphore(%arg19 : memref<!tpu.dma_semaphore, #tpu.memory_space<semaphore_mem>>) src(%dma_wait3A_83 : memref<10000x256xf32, #tpu.memory_space<hbm>>) dst(%arg15 : memref<96x256xf32, #tpu.memory_space<vmem>>)
        %dma_wait3A_84 = tpu.memref_slice %arg14[%mul3A_69] : memref<2016xi32, #tpu.memory_space<vmem>> -> memref<96xi32, #tpu.memory_space<vmem>>
        %dma_wait3A_85 = arith.constant 0 : i32
        %dma_wait3A_86 = arith.constant 0 : i32
        %dma_wait3A_87 = tpu.memref_slice %arg4[%dma_wait3A_85, %dma_wait3A_86] : memref<320000x16xf32, #tpu.memory_space<hbm>> -> memref<320000x16xf32, #tpu.memory_space<hbm>>
        tpu.wait_indirect_dma semaphore(%arg19 : memref<!tpu.dma_semaphore, #tpu.memory_space<semaphore_mem>>) src(%dma_wait3A_87 : memref<320000x16xf32, #tpu.memory_space<hbm>>) dst(%arg16 : memref<96x16xf32, #tpu.memory_space<vmem>>)
        %while3A_88 = arith.constant 0 : i32
        %while3A_89 = arith.subi %min3A_71, %while3A_88 : i32
        %while3A_90 = arith.addi %while3A_88, %while3A_89 : i32
        %while3A_91 = arith.constant 1 : i32
        %while3A_92 = arith.divsi %while3A_89, %while3A_91 : i32
        %while3A_93 = arith.muli %while3A_92, %while3A_91 : i32
        %while3A_94 = arith.addi %while3A_88, %while3A_93 : i32
        %while3A_95 = arith.constant 1 : i32
        scf.for %while3A_97 = %while3A_88 to %while3A_94 step %while3A_95  : i32 {
          %add3A_98 = arith.addi %mul3A_69, %while3A_97 : i32
          %broadcast_in_dim3A_99 = vector.broadcast %add3A_98 : i32 to vector<16xi32>
          %gather3A = tpu.vector_load_idx %arg13[%broadcast_in_dim3A_99] : memref<2016xi32, #tpu.memory_space<vmem>>[vector<16xi32>], vector<16xi32>,
          %broadcast_in_dim3A_100 = vector.broadcast %while3A_97 : i32 to vector<16xi32>
          %broadcast_in_dim3A_101 = arith.constant 0 : i32
          %broadcast_in_dim3A_102 = vector.broadcast %broadcast_in_dim3A_101 : i32 to vector<16xi32>
          %gather3A_103 = tpu.vector_load_idx %arg16[%broadcast_in_dim3A_100, %broadcast_in_dim3A_102] : memref<96x16xf32, #tpu.memory_space<vmem>>[vector<16xi32>, vector<16xi32>], vector<16xf32>,
          %broadcast_in_dim3A_104 = arith.constant 0 : i32
          %broadcast_in_dim3A_105 = vector.broadcast %broadcast_in_dim3A_104 : i32 to vector<16xi32>
          %add3A_106 = arith.addi %broadcast_in_dim3A_105, %iota3A : vector<16xi32>
          %broadcast_in_dim3A_107 = vector.broadcast %while3A_97 : i32 to vector<16xi32>
          %gather3A_108 = tpu.vector_load_idx %arg15[%broadcast_in_dim3A_107, %add3A_106] : memref<96x256xf32, #tpu.memory_space<vmem>>[vector<16xi32>, vector<16xi32>], vector<16xf32>,
          %mul3A_109 = arith.mulf %gather3A_108, %gather3A_103 : vector<16xf32>
          tpu.vector_store_idx %arg9[%gather3A, %add3A_106], %mul3A_109 {add = true} : memref<313x256xf32, #tpu.memory_space<vmem>>[vector<16xi32>, vector<16xi32>], vector<16xf32>,
          %broadcast_in_dim3A_110 = arith.constant 16 : i32
          %broadcast_in_dim3A_111 = vector.broadcast %broadcast_in_dim3A_110 : i32 to vector<16xi32>
          %add3A_112 = arith.addi %broadcast_in_dim3A_111, %iota3A : vector<16xi32>
          %broadcast_in_dim3A_113 = vector.broadcast %while3A_97 : i32 to vector<16xi32>
          %gather3A_114 = tpu.vector_load_idx %arg15[%broadcast_in_dim3A_113, %add3A_112] : memref<96x256xf32, #tpu.memory_space<vmem>>[vector<16xi32>, vector<16xi32>], vector<16xf32>,
          %mul3A_115 = arith.mulf %gather3A_114, %gather3A_103 : vector<16xf32>
          tpu.vector_store_idx %arg9[%gather3A, %add3A_112], %mul3A_115 {add = true} : memref<313x256xf32, #tpu.memory_space<vmem>>[vector<16xi32>, vector<16xi32>], vector<16xf32>,
          %broadcast_in_dim3A_116 = vector.broadcast %while3A_97 : i32 to vector<16xi32>
          %broadcast_in_dim3A_117 = arith.constant 1 : i32
          %broadcast_in_dim3A_118 = vector.broadcast %broadcast_in_dim3A_117 : i32 to vector<16xi32>
          %gather3A_119 = tpu.vector_load_idx %arg16[%broadcast_in_dim3A_116, %broadcast_in_dim3A_118] : memref<96x16xf32, #tpu.memory_space<vmem>>[vector<16xi32>, vector<16xi32>], vector<16xf32>,
          %broadcast_in_dim3A_120 = arith.constant 32 : i32
          %broadcast_in_dim3A_121 = vector.broadcast %broadcast_in_dim3A_120 : i32 to vector<16xi32>
          %add3A_122 = arith.addi %broadcast_in_dim3A_121, %iota3A : vector<16xi32>
          %broadcast_in_dim3A_123 = vector.broadcast %while3A_97 : i32 to vector<16xi32>
          %gather3A_124 = tpu.vector_load_idx %arg15[%broadcast_in_dim3A_123, %add3A_122] : memref<96x256xf32, #tpu.memory_space<vmem>>[vector<16xi32>, vector<16xi32>], vector<16xf32>,
          %mul3A_125 = arith.mulf %gather3A_124, %gather3A_119 : vector<16xf32>
          tpu.vector_store_idx %arg9[%gather3A, %add3A_122], %mul3A_125 {add = true} : memref<313x256xf32, #tpu.memory_space<vmem>>[vector<16xi32>, vector<16xi32>], vector<16xf32>,
          %broadcast_in_dim3A_126 = arith.constant 48 : i32
          %broadcast_in_dim3A_127 = vector.broadcast %broadcast_in_dim3A_126 : i32 to vector<16xi32>
          %add3A_128 = arith.addi %broadcast_in_dim3A_127, %iota3A : vector<16xi32>
          %broadcast_in_dim3A_129 = vector.broadcast %while3A_97 : i32 to vector<16xi32>
          %gather3A_130 = tpu.vector_load_idx %arg15[%broadcast_in_dim3A_129, %add3A_128] : memref<96x256xf32, #tpu.memory_space<vmem>>[vector<16xi32>, vector<16xi32>], vector<16xf32>,
          %mul3A_131 = arith.mulf %gather3A_130, %gather3A_119 : vector<16xf32>
          tpu.vector_store_idx %arg9[%gather3A, %add3A_128], %mul3A_131 {add = true} : memref<313x256xf32, #tpu.memory_space<vmem>>[vector<16xi32>, vector<16xi32>], vector<16xf32>,
          %broadcast_in_dim3A_132 = vector.broadcast %while3A_97 : i32 to vector<16xi32>
          %broadcast_in_dim3A_133 = arith.constant 2 : i32
          %broadcast_in_dim3A_134 = vector.broadcast %broadcast_in_dim3A_133 : i32 to vector<16xi32>
          %gather3A_135 = tpu.vector_load_idx %arg16[%broadcast_in_dim3A_132, %broadcast_in_dim3A_134] : memref<96x16xf32, #tpu.memory_space<vmem>>[vector<16xi32>, vector<16xi32>], vector<16xf32>,
          %broadcast_in_dim3A_136 = arith.constant 64 : i32
          %broadcast_in_dim3A_137 = vector.broadcast %broadcast_in_dim3A_136 : i32 to vector<16xi32>
          %add3A_138 = arith.addi %broadcast_in_dim3A_137, %iota3A : vector<16xi32>
          %broadcast_in_dim3A_139 = vector.broadcast %while3A_97 : i32 to vector<16xi32>
          %gather3A_140 = tpu.vector_load_idx %arg15[%broadcast_in_dim3A_139, %add3A_138] : memref<96x256xf32, #tpu.memory_space<vmem>>[vector<16xi32>, vector<16xi32>], vector<16xf32>,
          %mul3A_141 = arith.mulf %gather3A_140, %gather3A_135 : vector<16xf32>
          tpu.vector_store_idx %arg9[%gather3A, %add3A_138], %mul3A_141 {add = true} : memref<313x256xf32, #tpu.memory_space<vmem>>[vector<16xi32>, vector<16xi32>], vector<16xf32>,
          %broadcast_in_dim3A_142 = arith.constant 80 : i32
          %broadcast_in_dim3A_143 = vector.broadcast %broadcast_in_dim3A_142 : i32 to vector<16xi32>
          %add3A_144 = arith.addi %broadcast_in_dim3A_143, %iota3A : vector<16xi32>
          %broadcast_in_dim3A_145 = vector.broadcast %while3A_97 : i32 to vector<16xi32>
          %gather3A_146 = tpu.vector_load_idx %arg15[%broadcast_in_dim3A_145, %add3A_144] : memref<96x256xf32, #tpu.memory_space<vmem>>[vector<16xi32>, vector<16xi32>], vector<16xf32>,
          %mul3A_147 = arith.mulf %gather3A_146, %gather3A_135 : vector<16xf32>
          tpu.vector_store_idx %arg9[%gather3A, %add3A_144], %mul3A_147 {add = true} : memref<313x256xf32, #tpu.memory_space<vmem>>[vector<16xi32>, vector<16xi32>], vector<16xf32>,
          %broadcast_in_dim3A_148 = vector.broadcast %while3A_97 : i32 to vector<16xi32>
          %broadcast_in_dim3A_149 = arith.constant 3 : i32
          %broadcast_in_dim3A_150 = vector.broadcast %broadcast_in_dim3A_149 : i32 to vector<16xi32>
          %gather3A_151 = tpu.vector_load_idx %arg16[%broadcast_in_dim3A_148, %broadcast_in_dim3A_150] : memref<96x16xf32, #tpu.memory_space<vmem>>[vector<16xi32>, vector<16xi32>], vector<16xf32>,
          %broadcast_in_dim3A_152 = arith.constant 96 : i32
          %broadcast_in_dim3A_153 = vector.broadcast %broadcast_in_dim3A_152 : i32 to vector<16xi32>
          %add3A_154 = arith.addi %broadcast_in_dim3A_153, %iota3A : vector<16xi32>
          %broadcast_in_dim3A_155 = vector.broadcast %while3A_97 : i32 to vector<16xi32>
          %gather3A_156 = tpu.vector_load_idx %arg15[%broadcast_in_dim3A_155, %add3A_154] : memref<96x256xf32, #tpu.memory_space<vmem>>[vector<16xi32>, vector<16xi32>], vector<16xf32>,
          %mul3A_157 = arith.mulf %gather3A_156, %gather3A_151 : vector<16xf32>
          tpu.vector_store_idx %arg9[%gather3A, %add3A_154], %mul3A_157 {add = true} : memref<313x256xf32, #tpu.memory_space<vmem>>[vector<16xi32>, vector<16xi32>], vector<16xf32>,
          %broadcast_in_dim3A_158 = arith.constant 112 : i32
          %broadcast_in_dim3A_159 = vector.broadcast %broadcast_in_dim3A_158 : i32 to vector<16xi32>
          %add3A_160 = arith.addi %broadcast_in_dim3A_159, %iota3A : vector<16xi32>
          %broadcast_in_dim3A_161 = vector.broadcast %while3A_97 : i32 to vector<16xi32>
          %gather3A_162 = tpu.vector_load_idx %arg15[%broadcast_in_dim3A_161, %add3A_160] : memref<96x256xf32, #tpu.memory_space<vmem>>[vector<16xi32>, vector<16xi32>], vector<16xf32>,
          %mul3A_163 = arith.mulf %gather3A_162, %gather3A_151 : vector<16xf32>
          tpu.vector_store_idx %arg9[%gather3A, %add3A_160], %mul3A_163 {add = true} : memref<313x256xf32, #tpu.memory_space<vmem>>[vector<16xi32>, vector<16xi32>], vector<16xf32>,
          %broadcast_in_dim3A_164 = vector.broadcast %while3A_97 : i32 to vector<16xi32>
          %broadcast_in_dim3A_165 = arith.constant 4 : i32
          %broadcast_in_dim3A_166 = vector.broadcast %broadcast_in_dim3A_165 : i32 to vector<16xi32>
          %gather3A_167 = tpu.vector_load_idx %arg16[%broadcast_in_dim3A_164, %broadcast_in_dim3A_166] : memref<96x16xf32, #tpu.memory_space<vmem>>[vector<16xi32>, vector<16xi32>], vector<16xf32>,
          %broadcast_in_dim3A_168 = arith.constant 128 : i32
          %broadcast_in_dim3A_169 = vector.broadcast %broadcast_in_dim3A_168 : i32 to vector<16xi32>
          %add3A_170 = arith.addi %broadcast_in_dim3A_169, %iota3A : vector<16xi32>
          %broadcast_in_dim3A_171 = vector.broadcast %while3A_97 : i32 to vector<16xi32>
          %gather3A_172 = tpu.vector_load_idx %arg15[%broadcast_in_dim3A_171, %add3A_170] : memref<96x256xf32, #tpu.memory_space<vmem>>[vector<16xi32>, vector<16xi32>], vector<16xf32>,
          %mul3A_173 = arith.mulf %gather3A_172, %gather3A_167 : vector<16xf32>
          tpu.vector_store_idx %arg9[%gather3A, %add3A_170], %mul3A_173 {add = true} : memref<313x256xf32, #tpu.memory_space<vmem>>[vector<16xi32>, vector<16xi32>], vector<16xf32>,
          %broadcast_in_dim3A_174 = arith.constant 144 : i32
          %broadcast_in_dim3A_175 = vector.broadcast %broadcast_in_dim3A_174 : i32 to vector<16xi32>
          %add3A_176 = arith.addi %broadcast_in_dim3A_175, %iota3A : vector<16xi32>
          %broadcast_in_dim3A_177 = vector.broadcast %while3A_97 : i32 to vector<16xi32>
          %gather3A_178 = tpu.vector_load_idx %arg15[%broadcast_in_dim3A_177, %add3A_176] : memref<96x256xf32, #tpu.memory_space<vmem>>[vector<16xi32>, vector<16xi32>], vector<16xf32>,
          %mul3A_179 = arith.mulf %gather3A_178, %gather3A_167 : vector<16xf32>
          tpu.vector_store_idx %arg9[%gather3A, %add3A_176], %mul3A_179 {add = true} : memref<313x256xf32, #tpu.memory_space<vmem>>[vector<16xi32>, vector<16xi32>], vector<16xf32>,
          %broadcast_in_dim3A_180 = vector.broadcast %while3A_97 : i32 to vector<16xi32>
          %broadcast_in_dim3A_181 = arith.constant 5 : i32
          %broadcast_in_dim3A_182 = vector.broadcast %broadcast_in_dim3A_181 : i32 to vector<16xi32>
          %gather3A_183 = tpu.vector_load_idx %arg16[%broadcast_in_dim3A_180, %broadcast_in_dim3A_182] : memref<96x16xf32, #tpu.memory_space<vmem>>[vector<16xi32>, vector<16xi32>], vector<16xf32>,
          %broadcast_in_dim3A_184 = arith.constant 160 : i32
          %broadcast_in_dim3A_185 = vector.broadcast %broadcast_in_dim3A_184 : i32 to vector<16xi32>
          %add3A_186 = arith.addi %broadcast_in_dim3A_185, %iota3A : vector<16xi32>
          %broadcast_in_dim3A_187 = vector.broadcast %while3A_97 : i32 to vector<16xi32>
          %gather3A_188 = tpu.vector_load_idx %arg15[%broadcast_in_dim3A_187, %add3A_186] : memref<96x256xf32, #tpu.memory_space<vmem>>[vector<16xi32>, vector<16xi32>], vector<16xf32>,
          %mul3A_189 = arith.mulf %gather3A_188, %gather3A_183 : vector<16xf32>
          tpu.vector_store_idx %arg9[%gather3A, %add3A_186], %mul3A_189 {add = true} : memref<313x256xf32, #tpu.memory_space<vmem>>[vector<16xi32>, vector<16xi32>], vector<16xf32>,
          %broadcast_in_dim3A_190 = arith.constant 176 : i32
          %broadcast_in_dim3A_191 = vector.broadcast %broadcast_in_dim3A_190 : i32 to vector<16xi32>
          %add3A_192 = arith.addi %broadcast_in_dim3A_191, %iota3A : vector<16xi32>
          %broadcast_in_dim3A_193 = vector.broadcast %while3A_97 : i32 to vector<16xi32>
          %gather3A_194 = tpu.vector_load_idx %arg15[%broadcast_in_dim3A_193, %add3A_192] : memref<96x256xf32, #tpu.memory_space<vmem>>[vector<16xi32>, vector<16xi32>], vector<16xf32>,
          %mul3A_195 = arith.mulf %gather3A_194, %gather3A_183 : vector<16xf32>
          tpu.vector_store_idx %arg9[%gather3A, %add3A_192], %mul3A_195 {add = true} : memref<313x256xf32, #tpu.memory_space<vmem>>[vector<16xi32>, vector<16xi32>], vector<16xf32>,
          %broadcast_in_dim3A_196 = vector.broadcast %while3A_97 : i32 to vector<16xi32>
          %broadcast_in_dim3A_197 = arith.constant 6 : i32
          %broadcast_in_dim3A_198 = vector.broadcast %broadcast_in_dim3A_197 : i32 to vector<16xi32>
          %gather3A_199 = tpu.vector_load_idx %arg16[%broadcast_in_dim3A_196, %broadcast_in_dim3A_198] : memref<96x16xf32, #tpu.memory_space<vmem>>[vector<16xi32>, vector<16xi32>], vector<16xf32>,
          %broadcast_in_dim3A_200 = arith.constant 192 : i32
          %broadcast_in_dim3A_201 = vector.broadcast %broadcast_in_dim3A_200 : i32 to vector<16xi32>
          %add3A_202 = arith.addi %broadcast_in_dim3A_201, %iota3A : vector<16xi32>
          %broadcast_in_dim3A_203 = vector.broadcast %while3A_97 : i32 to vector<16xi32>
          %gather3A_204 = tpu.vector_load_idx %arg15[%broadcast_in_dim3A_203, %add3A_202] : memref<96x256xf32, #tpu.memory_space<vmem>>[vector<16xi32>, vector<16xi32>], vector<16xf32>,
          %mul3A_205 = arith.mulf %gather3A_204, %gather3A_199 : vector<16xf32>
          tpu.vector_store_idx %arg9[%gather3A, %add3A_202], %mul3A_205 {add = true} : memref<313x256xf32, #tpu.memory_space<vmem>>[vector<16xi32>, vector<16xi32>], vector<16xf32>,
          %broadcast_in_dim3A_206 = arith.constant 208 : i32
          %broadcast_in_dim3A_207 = vector.broadcast %broadcast_in_dim3A_206 : i32 to vector<16xi32>
          %add3A_208 = arith.addi %broadcast_in_dim3A_207, %iota3A : vector<16xi32>
          %broadcast_in_dim3A_209 = vector.broadcast %while3A_97 : i32 to vector<16xi32>
          %gather3A_210 = tpu.vector_load_idx %arg15[%broadcast_in_dim3A_209, %add3A_208] : memref<96x256xf32, #tpu.memory_space<vmem>>[vector<16xi32>, vector<16xi32>], vector<16xf32>,
          %mul3A_211 = arith.mulf %gather3A_210, %gather3A_199 : vector<16xf32>
          tpu.vector_store_idx %arg9[%gather3A, %add3A_208], %mul3A_211 {add = true} : memref<313x256xf32, #tpu.memory_space<vmem>>[vector<16xi32>, vector<16xi32>], vector<16xf32>,
          %broadcast_in_dim3A_212 = vector.broadcast %while3A_97 : i32 to vector<16xi32>
          %broadcast_in_dim3A_213 = arith.constant 7 : i32
          %broadcast_in_dim3A_214 = vector.broadcast %broadcast_in_dim3A_213 : i32 to vector<16xi32>
          %gather3A_215 = tpu.vector_load_idx %arg16[%broadcast_in_dim3A_212, %broadcast_in_dim3A_214] : memref<96x16xf32, #tpu.memory_space<vmem>>[vector<16xi32>, vector<16xi32>], vector<16xf32>,
          %broadcast_in_dim3A_216 = arith.constant 224 : i32
          %broadcast_in_dim3A_217 = vector.broadcast %broadcast_in_dim3A_216 : i32 to vector<16xi32>
          %add3A_218 = arith.addi %broadcast_in_dim3A_217, %iota3A : vector<16xi32>
          %broadcast_in_dim3A_219 = vector.broadcast %while3A_97 : i32 to vector<16xi32>
          %gather3A_220 = tpu.vector_load_idx %arg15[%broadcast_in_dim3A_219, %add3A_218] : memref<96x256xf32, #tpu.memory_space<vmem>>[vector<16xi32>, vector<16xi32>], vector<16xf32>,
          %mul3A_221 = arith.mulf %gather3A_220, %gather3A_215 : vector<16xf32>
          tpu.vector_store_idx %arg9[%gather3A, %add3A_218], %mul3A_221 {add = true} : memref<313x256xf32, #tpu.memory_space<vmem>>[vector<16xi32>, vector<16xi32>], vector<16xf32>,
          %broadcast_in_dim3A_222 = arith.constant 240 : i32
          %broadcast_in_dim3A_223 = vector.broadcast %broadcast_in_dim3A_222 : i32 to vector<16xi32>
          %add3A_224 = arith.addi %broadcast_in_dim3A_223, %iota3A : vector<16xi32>
          %broadcast_in_dim3A_225 = vector.broadcast %while3A_97 : i32 to vector<16xi32>
          %gather3A_226 = tpu.vector_load_idx %arg15[%broadcast_in_dim3A_225, %add3A_224] : memref<96x256xf32, #tpu.memory_space<vmem>>[vector<16xi32>, vector<16xi32>], vector<16xf32>,
          %mul3A_227 = arith.mulf %gather3A_226, %gather3A_215 : vector<16xf32>
          tpu.vector_store_idx %arg9[%gather3A, %add3A_224], %mul3A_227 {add = true} : memref<313x256xf32, #tpu.memory_space<vmem>>[vector<16xi32>, vector<16xi32>], vector<16xf32>,
        }
        %while3A_96 = arith.constant 1 : i32
        scf.for %while3A_97 = %while3A_94 to %while3A_90 step %while3A_96  : i32 {
          %add3A_98 = arith.addi %mul3A_69, %while3A_97 : i32
          %broadcast_in_dim3A_99 = vector.broadcast %add3A_98 : i32 to vector<16xi32>
          %gather3A = tpu.vector_load_idx %arg13[%broadcast_in_dim3A_99] : memref<2016xi32, #tpu.memory_space<vmem>>[vector<16xi32>], vector<16xi32>,
          %broadcast_in_dim3A_100 = vector.broadcast %while3A_97 : i32 to vector<16xi32>
          %broadcast_in_dim3A_101 = arith.constant 0 : i32
          %broadcast_in_dim3A_102 = vector.broadcast %broadcast_in_dim3A_101 : i32 to vector<16xi32>
          %gather3A_103 = tpu.vector_load_idx %arg16[%broadcast_in_dim3A_100, %broadcast_in_dim3A_102] : memref<96x16xf32, #tpu.memory_space<vmem>>[vector<16xi32>, vector<16xi32>], vector<16xf32>,
          %broadcast_in_dim3A_104 = arith.constant 0 : i32
          %broadcast_in_dim3A_105 = vector.broadcast %broadcast_in_dim3A_104 : i32 to vector<16xi32>
          %add3A_106 = arith.addi %broadcast_in_dim3A_105, %iota3A : vector<16xi32>
          %broadcast_in_dim3A_107 = vector.broadcast %while3A_97 : i32 to vector<16xi32>
          %gather3A_108 = tpu.vector_load_idx %arg15[%broadcast_in_dim3A_107, %add3A_106] : memref<96x256xf32, #tpu.memory_space<vmem>>[vector<16xi32>, vector<16xi32>], vector<16xf32>,
          %mul3A_109 = arith.mulf %gather3A_108, %gather3A_103 : vector<16xf32>
          tpu.vector_store_idx %arg9[%gather3A, %add3A_106], %mul3A_109 {add = true} : memref<313x256xf32, #tpu.memory_space<vmem>>[vector<16xi32>, vector<16xi32>], vector<16xf32>,
          %broadcast_in_dim3A_110 = arith.constant 16 : i32
          %broadcast_in_dim3A_111 = vector.broadcast %broadcast_in_dim3A_110 : i32 to vector<16xi32>
          %add3A_112 = arith.addi %broadcast_in_dim3A_111, %iota3A : vector<16xi32>
          %broadcast_in_dim3A_113 = vector.broadcast %while3A_97 : i32 to vector<16xi32>
          %gather3A_114 = tpu.vector_load_idx %arg15[%broadcast_in_dim3A_113, %add3A_112] : memref<96x256xf32, #tpu.memory_space<vmem>>[vector<16xi32>, vector<16xi32>], vector<16xf32>,
          %mul3A_115 = arith.mulf %gather3A_114, %gather3A_103 : vector<16xf32>
          tpu.vector_store_idx %arg9[%gather3A, %add3A_112], %mul3A_115 {add = true} : memref<313x256xf32, #tpu.memory_space<vmem>>[vector<16xi32>, vector<16xi32>], vector<16xf32>,
          %broadcast_in_dim3A_116 = vector.broadcast %while3A_97 : i32 to vector<16xi32>
          %broadcast_in_dim3A_117 = arith.constant 1 : i32
          %broadcast_in_dim3A_118 = vector.broadcast %broadcast_in_dim3A_117 : i32 to vector<16xi32>
          %gather3A_119 = tpu.vector_load_idx %arg16[%broadcast_in_dim3A_116, %broadcast_in_dim3A_118] : memref<96x16xf32, #tpu.memory_space<vmem>>[vector<16xi32>, vector<16xi32>], vector<16xf32>,
          %broadcast_in_dim3A_120 = arith.constant 32 : i32
          %broadcast_in_dim3A_121 = vector.broadcast %broadcast_in_dim3A_120 : i32 to vector<16xi32>
          %add3A_122 = arith.addi %broadcast_in_dim3A_121, %iota3A : vector<16xi32>
          %broadcast_in_dim3A_123 = vector.broadcast %while3A_97 : i32 to vector<16xi32>
          %gather3A_124 = tpu.vector_load_idx %arg15[%broadcast_in_dim3A_123, %add3A_122] : memref<96x256xf32, #tpu.memory_space<vmem>>[vector<16xi32>, vector<16xi32>], vector<16xf32>,
          %mul3A_125 = arith.mulf %gather3A_124, %gather3A_119 : vector<16xf32>
          tpu.vector_store_idx %arg9[%gather3A, %add3A_122], %mul3A_125 {add = true} : memref<313x256xf32, #tpu.memory_space<vmem>>[vector<16xi32>, vector<16xi32>], vector<16xf32>,
          %broadcast_in_dim3A_126 = arith.constant 48 : i32
          %broadcast_in_dim3A_127 = vector.broadcast %broadcast_in_dim3A_126 : i32 to vector<16xi32>
          %add3A_128 = arith.addi %broadcast_in_dim3A_127, %iota3A : vector<16xi32>
          %broadcast_in_dim3A_129 = vector.broadcast %while3A_97 : i32 to vector<16xi32>
          %gather3A_130 = tpu.vector_load_idx %arg15[%broadcast_in_dim3A_129, %add3A_128] : memref<96x256xf32, #tpu.memory_space<vmem>>[vector<16xi32>, vector<16xi32>], vector<16xf32>,
          %mul3A_131 = arith.mulf %gather3A_130, %gather3A_119 : vector<16xf32>
          tpu.vector_store_idx %arg9[%gather3A, %add3A_128], %mul3A_131 {add = true} : memref<313x256xf32, #tpu.memory_space<vmem>>[vector<16xi32>, vector<16xi32>], vector<16xf32>,
          %broadcast_in_dim3A_132 = vector.broadcast %while3A_97 : i32 to vector<16xi32>
          %broadcast_in_dim3A_133 = arith.constant 2 : i32
          %broadcast_in_dim3A_134 = vector.broadcast %broadcast_in_dim3A_133 : i32 to vector<16xi32>
          %gather3A_135 = tpu.vector_load_idx %arg16[%broadcast_in_dim3A_132, %broadcast_in_dim3A_134] : memref<96x16xf32, #tpu.memory_space<vmem>>[vector<16xi32>, vector<16xi32>], vector<16xf32>,
          %broadcast_in_dim3A_136 = arith.constant 64 : i32
          %broadcast_in_dim3A_137 = vector.broadcast %broadcast_in_dim3A_136 : i32 to vector<16xi32>
          %add3A_138 = arith.addi %broadcast_in_dim3A_137, %iota3A : vector<16xi32>
          %broadcast_in_dim3A_139 = vector.broadcast %while3A_97 : i32 to vector<16xi32>
          %gather3A_140 = tpu.vector_load_idx %arg15[%broadcast_in_dim3A_139, %add3A_138] : memref<96x256xf32, #tpu.memory_space<vmem>>[vector<16xi32>, vector<16xi32>], vector<16xf32>,
          %mul3A_141 = arith.mulf %gather3A_140, %gather3A_135 : vector<16xf32>
          tpu.vector_store_idx %arg9[%gather3A, %add3A_138], %mul3A_141 {add = true} : memref<313x256xf32, #tpu.memory_space<vmem>>[vector<16xi32>, vector<16xi32>], vector<16xf32>,
          %broadcast_in_dim3A_142 = arith.constant 80 : i32
          %broadcast_in_dim3A_143 = vector.broadcast %broadcast_in_dim3A_142 : i32 to vector<16xi32>
          %add3A_144 = arith.addi %broadcast_in_dim3A_143, %iota3A : vector<16xi32>
          %broadcast_in_dim3A_145 = vector.broadcast %while3A_97 : i32 to vector<16xi32>
          %gather3A_146 = tpu.vector_load_idx %arg15[%broadcast_in_dim3A_145, %add3A_144] : memref<96x256xf32, #tpu.memory_space<vmem>>[vector<16xi32>, vector<16xi32>], vector<16xf32>,
          %mul3A_147 = arith.mulf %gather3A_146, %gather3A_135 : vector<16xf32>
          tpu.vector_store_idx %arg9[%gather3A, %add3A_144], %mul3A_147 {add = true} : memref<313x256xf32, #tpu.memory_space<vmem>>[vector<16xi32>, vector<16xi32>], vector<16xf32>,
          %broadcast_in_dim3A_148 = vector.broadcast %while3A_97 : i32 to vector<16xi32>
          %broadcast_in_dim3A_149 = arith.constant 3 : i32
          %broadcast_in_dim3A_150 = vector.broadcast %broadcast_in_dim3A_149 : i32 to vector<16xi32>
          %gather3A_151 = tpu.vector_load_idx %arg16[%broadcast_in_dim3A_148, %broadcast_in_dim3A_150] : memref<96x16xf32, #tpu.memory_space<vmem>>[vector<16xi32>, vector<16xi32>], vector<16xf32>,
          %broadcast_in_dim3A_152 = arith.constant 96 : i32
          %broadcast_in_dim3A_153 = vector.broadcast %broadcast_in_dim3A_152 : i32 to vector<16xi32>
          %add3A_154 = arith.addi %broadcast_in_dim3A_153, %iota3A : vector<16xi32>
          %broadcast_in_dim3A_155 = vector.broadcast %while3A_97 : i32 to vector<16xi32>
          %gather3A_156 = tpu.vector_load_idx %arg15[%broadcast_in_dim3A_155, %add3A_154] : memref<96x256xf32, #tpu.memory_space<vmem>>[vector<16xi32>, vector<16xi32>], vector<16xf32>,
          %mul3A_157 = arith.mulf %gather3A_156, %gather3A_151 : vector<16xf32>
          tpu.vector_store_idx %arg9[%gather3A, %add3A_154], %mul3A_157 {add = true} : memref<313x256xf32, #tpu.memory_space<vmem>>[vector<16xi32>, vector<16xi32>], vector<16xf32>,
          %broadcast_in_dim3A_158 = arith.constant 112 : i32
          %broadcast_in_dim3A_159 = vector.broadcast %broadcast_in_dim3A_158 : i32 to vector<16xi32>
          %add3A_160 = arith.addi %broadcast_in_dim3A_159, %iota3A : vector<16xi32>
          %broadcast_in_dim3A_161 = vector.broadcast %while3A_97 : i32 to vector<16xi32>
          %gather3A_162 = tpu.vector_load_idx %arg15[%broadcast_in_dim3A_161, %add3A_160] : memref<96x256xf32, #tpu.memory_space<vmem>>[vector<16xi32>, vector<16xi32>], vector<16xf32>,
          %mul3A_163 = arith.mulf %gather3A_162, %gather3A_151 : vector<16xf32>
          tpu.vector_store_idx %arg9[%gather3A, %add3A_160], %mul3A_163 {add = true} : memref<313x256xf32, #tpu.memory_space<vmem>>[vector<16xi32>, vector<16xi32>], vector<16xf32>,
          %broadcast_in_dim3A_164 = vector.broadcast %while3A_97 : i32 to vector<16xi32>
          %broadcast_in_dim3A_165 = arith.constant 4 : i32
          %broadcast_in_dim3A_166 = vector.broadcast %broadcast_in_dim3A_165 : i32 to vector<16xi32>
          %gather3A_167 = tpu.vector_load_idx %arg16[%broadcast_in_dim3A_164, %broadcast_in_dim3A_166] : memref<96x16xf32, #tpu.memory_space<vmem>>[vector<16xi32>, vector<16xi32>], vector<16xf32>,
          %broadcast_in_dim3A_168 = arith.constant 128 : i32
          %broadcast_in_dim3A_169 = vector.broadcast %broadcast_in_dim3A_168 : i32 to vector<16xi32>
          %add3A_170 = arith.addi %broadcast_in_dim3A_169, %iota3A : vector<16xi32>
          %broadcast_in_dim3A_171 = vector.broadcast %while3A_97 : i32 to vector<16xi32>
          %gather3A_172 = tpu.vector_load_idx %arg15[%broadcast_in_dim3A_171, %add3A_170] : memref<96x256xf32, #tpu.memory_space<vmem>>[vector<16xi32>, vector<16xi32>], vector<16xf32>,
          %mul3A_173 = arith.mulf %gather3A_172, %gather3A_167 : vector<16xf32>
          tpu.vector_store_idx %arg9[%gather3A, %add3A_170], %mul3A_173 {add = true} : memref<313x256xf32, #tpu.memory_space<vmem>>[vector<16xi32>, vector<16xi32>], vector<16xf32>,
          %broadcast_in_dim3A_174 = arith.constant 144 : i32
          %broadcast_in_dim3A_175 = vector.broadcast %broadcast_in_dim3A_174 : i32 to vector<16xi32>
          %add3A_176 = arith.addi %broadcast_in_dim3A_175, %iota3A : vector<16xi32>
          %broadcast_in_dim3A_177 = vector.broadcast %while3A_97 : i32 to vector<16xi32>
          %gather3A_178 = tpu.vector_load_idx %arg15[%broadcast_in_dim3A_177, %add3A_176] : memref<96x256xf32, #tpu.memory_space<vmem>>[vector<16xi32>, vector<16xi32>], vector<16xf32>,
          %mul3A_179 = arith.mulf %gather3A_178, %gather3A_167 : vector<16xf32>
          tpu.vector_store_idx %arg9[%gather3A, %add3A_176], %mul3A_179 {add = true} : memref<313x256xf32, #tpu.memory_space<vmem>>[vector<16xi32>, vector<16xi32>], vector<16xf32>,
          %broadcast_in_dim3A_180 = vector.broadcast %while3A_97 : i32 to vector<16xi32>
          %broadcast_in_dim3A_181 = arith.constant 5 : i32
          %broadcast_in_dim3A_182 = vector.broadcast %broadcast_in_dim3A_181 : i32 to vector<16xi32>
          %gather3A_183 = tpu.vector_load_idx %arg16[%broadcast_in_dim3A_180, %broadcast_in_dim3A_182] : memref<96x16xf32, #tpu.memory_space<vmem>>[vector<16xi32>, vector<16xi32>], vector<16xf32>,
          %broadcast_in_dim3A_184 = arith.constant 160 : i32
          %broadcast_in_dim3A_185 = vector.broadcast %broadcast_in_dim3A_184 : i32 to vector<16xi32>
          %add3A_186 = arith.addi %broadcast_in_dim3A_185, %iota3A : vector<16xi32>
          %broadcast_in_dim3A_187 = vector.broadcast %while3A_97 : i32 to vector<16xi32>
          %gather3A_188 = tpu.vector_load_idx %arg15[%broadcast_in_dim3A_187, %add3A_186] : memref<96x256xf32, #tpu.memory_space<vmem>>[vector<16xi32>, vector<16xi32>], vector<16xf32>,
          %mul3A_189 = arith.mulf %gather3A_188, %gather3A_183 : vector<16xf32>
          tpu.vector_store_idx %arg9[%gather3A, %add3A_186], %mul3A_189 {add = true} : memref<313x256xf32, #tpu.memory_space<vmem>>[vector<16xi32>, vector<16xi32>], vector<16xf32>,
          %broadcast_in_dim3A_190 = arith.constant 176 : i32
          %broadcast_in_dim3A_191 = vector.broadcast %broadcast_in_dim3A_190 : i32 to vector<16xi32>
          %add3A_192 = arith.addi %broadcast_in_dim3A_191, %iota3A : vector<16xi32>
          %broadcast_in_dim3A_193 = vector.broadcast %while3A_97 : i32 to vector<16xi32>
          %gather3A_194 = tpu.vector_load_idx %arg15[%broadcast_in_dim3A_193, %add3A_192] : memref<96x256xf32, #tpu.memory_space<vmem>>[vector<16xi32>, vector<16xi32>], vector<16xf32>,
          %mul3A_195 = arith.mulf %gather3A_194, %gather3A_183 : vector<16xf32>
          tpu.vector_store_idx %arg9[%gather3A, %add3A_192], %mul3A_195 {add = true} : memref<313x256xf32, #tpu.memory_space<vmem>>[vector<16xi32>, vector<16xi32>], vector<16xf32>,
          %broadcast_in_dim3A_196 = vector.broadcast %while3A_97 : i32 to vector<16xi32>
          %broadcast_in_dim3A_197 = arith.constant 6 : i32
          %broadcast_in_dim3A_198 = vector.broadcast %broadcast_in_dim3A_197 : i32 to vector<16xi32>
          %gather3A_199 = tpu.vector_load_idx %arg16[%broadcast_in_dim3A_196, %broadcast_in_dim3A_198] : memref<96x16xf32, #tpu.memory_space<vmem>>[vector<16xi32>, vector<16xi32>], vector<16xf32>,
          %broadcast_in_dim3A_200 = arith.constant 192 : i32
          %broadcast_in_dim3A_201 = vector.broadcast %broadcast_in_dim3A_200 : i32 to vector<16xi32>
          %add3A_202 = arith.addi %broadcast_in_dim3A_201, %iota3A : vector<16xi32>
          %broadcast_in_dim3A_203 = vector.broadcast %while3A_97 : i32 to vector<16xi32>
          %gather3A_204 = tpu.vector_load_idx %arg15[%broadcast_in_dim3A_203, %add3A_202] : memref<96x256xf32, #tpu.memory_space<vmem>>[vector<16xi32>, vector<16xi32>], vector<16xf32>,
          %mul3A_205 = arith.mulf %gather3A_204, %gather3A_199 : vector<16xf32>
          tpu.vector_store_idx %arg9[%gather3A, %add3A_202], %mul3A_205 {add = true} : memref<313x256xf32, #tpu.memory_space<vmem>>[vector<16xi32>, vector<16xi32>], vector<16xf32>,
          %broadcast_in_dim3A_206 = arith.constant 208 : i32
          %broadcast_in_dim3A_207 = vector.broadcast %broadcast_in_dim3A_206 : i32 to vector<16xi32>
          %add3A_208 = arith.addi %broadcast_in_dim3A_207, %iota3A : vector<16xi32>
          %broadcast_in_dim3A_209 = vector.broadcast %while3A_97 : i32 to vector<16xi32>
          %gather3A_210 = tpu.vector_load_idx %arg15[%broadcast_in_dim3A_209, %add3A_208] : memref<96x256xf32, #tpu.memory_space<vmem>>[vector<16xi32>, vector<16xi32>], vector<16xf32>,
          %mul3A_211 = arith.mulf %gather3A_210, %gather3A_199 : vector<16xf32>
          tpu.vector_store_idx %arg9[%gather3A, %add3A_208], %mul3A_211 {add = true} : memref<313x256xf32, #tpu.memory_space<vmem>>[vector<16xi32>, vector<16xi32>], vector<16xf32>,
          %broadcast_in_dim3A_212 = vector.broadcast %while3A_97 : i32 to vector<16xi32>
          %broadcast_in_dim3A_213 = arith.constant 7 : i32
          %broadcast_in_dim3A_214 = vector.broadcast %broadcast_in_dim3A_213 : i32 to vector<16xi32>
          %gather3A_215 = tpu.vector_load_idx %arg16[%broadcast_in_dim3A_212, %broadcast_in_dim3A_214] : memref<96x16xf32, #tpu.memory_space<vmem>>[vector<16xi32>, vector<16xi32>], vector<16xf32>,
          %broadcast_in_dim3A_216 = arith.constant 224 : i32
          %broadcast_in_dim3A_217 = vector.broadcast %broadcast_in_dim3A_216 : i32 to vector<16xi32>
          %add3A_218 = arith.addi %broadcast_in_dim3A_217, %iota3A : vector<16xi32>
          %broadcast_in_dim3A_219 = vector.broadcast %while3A_97 : i32 to vector<16xi32>
          %gather3A_220 = tpu.vector_load_idx %arg15[%broadcast_in_dim3A_219, %add3A_218] : memref<96x256xf32, #tpu.memory_space<vmem>>[vector<16xi32>, vector<16xi32>], vector<16xf32>,
          %mul3A_221 = arith.mulf %gather3A_220, %gather3A_215 : vector<16xf32>
          tpu.vector_store_idx %arg9[%gather3A, %add3A_218], %mul3A_221 {add = true} : memref<313x256xf32, #tpu.memory_space<vmem>>[vector<16xi32>, vector<16xi32>], vector<16xf32>,
          %broadcast_in_dim3A_222 = arith.constant 240 : i32
          %broadcast_in_dim3A_223 = vector.broadcast %broadcast_in_dim3A_222 : i32 to vector<16xi32>
          %add3A_224 = arith.addi %broadcast_in_dim3A_223, %iota3A : vector<16xi32>
          %broadcast_in_dim3A_225 = vector.broadcast %while3A_97 : i32 to vector<16xi32>
          %gather3A_226 = tpu.vector_load_idx %arg15[%broadcast_in_dim3A_225, %add3A_224] : memref<96x256xf32, #tpu.memory_space<vmem>>[vector<16xi32>, vector<16xi32>], vector<16xf32>,
          %mul3A_227 = arith.mulf %gather3A_226, %gather3A_215 : vector<16xf32>
          tpu.vector_store_idx %arg9[%gather3A, %add3A_224], %mul3A_227 {add = true} : memref<313x256xf32, #tpu.memory_space<vmem>>[vector<16xi32>, vector<16xi32>], vector<16xf32>,
        }
      }
    }
    %scan3A_14 = arith.constant 160 : i32
    "tpu.region"() ({
      %run_scoped3A = tpu.sem_alloc : memref<!tpu.dma_semaphore, #tpu.memory_space<semaphore_mem>>
      %dma_start3A = arith.constant 0 : i32
      %dma_start3A_23 = tpu.memref_slice %arg6[%mul3A_2, %dma_start3A] : memref<20032x16xf32, #tpu.memory_space<hbm>> -> memref<313x16xf32, #tpu.memory_space<hbm>>
      %dma_start3A_24 = arith.constant 0 : i32
      %dma_start3A_25 = tpu.memref_slice %arg6[%mul3A_2, %dma_start3A_24] : memref<20032x16xf32, #tpu.memory_space<hbm>> -> memref<313x16xf32, #tpu.memory_space<hbm>>
      tpu.enqueue_dma source(%dma_start3A_25 : memref<313x16xf32, #tpu.memory_space<hbm>>) target(%arg17 : memref<313x16xf32, #tpu.memory_space<vmem>>) target_semaphore(%run_scoped3A : memref<!tpu.dma_semaphore, #tpu.memory_space<semaphore_mem>>)
      %dma_wait3A = arith.constant 0 : i32
      %dma_wait3A_26 = tpu.memref_slice %arg6[%mul3A_2, %dma_wait3A] : memref<20032x16xf32, #tpu.memory_space<hbm>> -> memref<313x16xf32, #tpu.memory_space<hbm>>
      %dma_wait3A_27 = arith.constant 0 : i32
      %dma_wait3A_28 = tpu.memref_slice %arg6[%mul3A_2, %dma_wait3A_27] : memref<20032x16xf32, #tpu.memory_space<hbm>> -> memref<313x16xf32, #tpu.memory_space<hbm>>
      tpu.wait_dma2 semaphore(%run_scoped3A : memref<!tpu.dma_semaphore, #tpu.memory_space<semaphore_mem>>) src(%dma_wait3A_28 : memref<313x16xf32, #tpu.memory_space<hbm>>) dst(%arg17 : memref<313x16xf32, #tpu.memory_space<vmem>>)
      tpu.yield
    }) : () -> ()
    %add3A_15 = arith.constant 10016 : i32
    %add3A_16 = arith.addi %add3A_15, %mul3A_2 : i32
    "tpu.region"() ({
      %run_scoped3A = tpu.sem_alloc : memref<!tpu.dma_semaphore, #tpu.memory_space<semaphore_mem>>
      %dma_start3A = arith.constant 0 : i32
      %dma_start3A_23 = tpu.memref_slice %arg6[%add3A_16, %dma_start3A] : memref<20032x16xf32, #tpu.memory_space<hbm>> -> memref<313x16xf32, #tpu.memory_space<hbm>>
      %dma_start3A_24 = arith.constant 0 : i32
      %dma_start3A_25 = tpu.memref_slice %arg6[%add3A_16, %dma_start3A_24] : memref<20032x16xf32, #tpu.memory_space<hbm>> -> memref<313x16xf32, #tpu.memory_space<hbm>>
      tpu.enqueue_dma source(%dma_start3A_25 : memref<313x16xf32, #tpu.memory_space<hbm>>) target(%arg18 : memref<313x16xf32, #tpu.memory_space<vmem>>) target_semaphore(%run_scoped3A : memref<!tpu.dma_semaphore, #tpu.memory_space<semaphore_mem>>)
      %dma_wait3A = arith.constant 0 : i32
      %dma_wait3A_26 = tpu.memref_slice %arg6[%add3A_16, %dma_wait3A] : memref<20032x16xf32, #tpu.memory_space<hbm>> -> memref<313x16xf32, #tpu.memory_space<hbm>>
      %dma_wait3A_27 = arith.constant 0 : i32
      %dma_wait3A_28 = tpu.memref_slice %arg6[%add3A_16, %dma_wait3A_27] : memref<20032x16xf32, #tpu.memory_space<hbm>> -> memref<313x16xf32, #tpu.memory_space<hbm>>
      tpu.wait_dma2 semaphore(%run_scoped3A : memref<!tpu.dma_semaphore, #tpu.memory_space<semaphore_mem>>) src(%dma_wait3A_28 : memref<313x16xf32, #tpu.memory_space<hbm>>) dst(%arg18 : memref<313x16xf32, #tpu.memory_space<vmem>>)
      tpu.yield
    }) : () -> ()
    %scan3A_17 = arith.constant 0 : i32
    %scan3A_18 = arith.constant 0 : i32
    %scan3A_19 = arith.constant 313 : i32
    %scan3A_20 = arith.addi %scan3A_18, %scan3A_19 : i32
    %scan3A_21 = arith.constant 1 : i32
    scf.for %scan3A_23 = %scan3A_18 to %scan3A_20 step %scan3A_21  : i32 {
      %broadcast_in_dim3A_24 = vector.broadcast %scan3A_23 : i32 to vector<16xi32>
      %gather3A = tpu.vector_load_idx %arg17[%broadcast_in_dim3A_24, %iota3A] : memref<313x16xf32, #tpu.memory_space<vmem>>[vector<16xi32>, vector<16xi32>], vector<16xf32>,
      %broadcast_in_dim3A_25 = vector.broadcast %scan3A_23 : i32 to vector<16xi32>
      %gather3A_26 = tpu.vector_load_idx %arg18[%broadcast_in_dim3A_25, %iota3A] : memref<313x16xf32, #tpu.memory_space<vmem>>[vector<16xi32>, vector<16xi32>], vector<16xf32>,
      %add3A_27 = arith.addf %gather3A, %gather3A_26 : vector<16xf32>
      %add3A_28 = arith.constant 9.99999993E-9 : f32
      %add3A_29 = vector.broadcast %add3A_28 : f32 to vector<16xf32>
      %add3A_30 = arith.addf %add3A_27, %add3A_29 : vector<16xf32>
      %div3A = arith.constant 1.000000e+00 : f32
      %div3A_31 = vector.broadcast %div3A : f32 to vector<16xf32>
      %div3A_32 = arith.divf %div3A_31, %add3A_30 : vector<16xf32>
      %broadcast_in_dim3A_33 = arith.constant 0 : i32
      %broadcast_in_dim3A_34 = vector.broadcast %broadcast_in_dim3A_33 : i32 to vector<16x1xi32>
      %gather3A_35 = vector.shape_cast %broadcast_in_dim3A_34 : vector<16x1xi32> to vector<16xi32>
      %gather3A_36 = tpu.dynamic_gather %div3A_32[%gather3A_35] in [0] : vector<16xf32>, vector<16xi32> -> vector<16xf32>
      %broadcast_in_dim3A_37 = arith.constant 0 : i32
      %broadcast_in_dim3A_38 = vector.broadcast %broadcast_in_dim3A_37 : i32 to vector<16xi32>
      %add3A_39 = arith.addi %broadcast_in_dim3A_38, %iota3A : vector<16xi32>
      %broadcast_in_dim3A_40 = vector.broadcast %scan3A_23 : i32 to vector<16xi32>
      %gather3A_41 = tpu.vector_load_idx %arg9[%broadcast_in_dim3A_40, %add3A_39] : memref<313x256xf32, #tpu.memory_space<vmem>>[vector<16xi32>, vector<16xi32>], vector<16xf32>,
      %broadcast_in_dim3A_42 = vector.broadcast %scan3A_23 : i32 to vector<16xi32>
      %mul3A_43 = arith.mulf %gather3A_41, %gather3A_36 : vector<16xf32>
      tpu.vector_store_idx %arg9[%broadcast_in_dim3A_42, %add3A_39], %mul3A_43 : memref<313x256xf32, #tpu.memory_space<vmem>>[vector<16xi32>, vector<16xi32>], vector<16xf32>,
      %broadcast_in_dim3A_44 = arith.constant 16 : i32
      %broadcast_in_dim3A_45 = vector.broadcast %broadcast_in_dim3A_44 : i32 to vector<16xi32>
      %add3A_46 = arith.addi %broadcast_in_dim3A_45, %iota3A : vector<16xi32>
      %broadcast_in_dim3A_47 = vector.broadcast %scan3A_23 : i32 to vector<16xi32>
      %gather3A_48 = tpu.vector_load_idx %arg9[%broadcast_in_dim3A_47, %add3A_46] : memref<313x256xf32, #tpu.memory_space<vmem>>[vector<16xi32>, vector<16xi32>], vector<16xf32>,
      %broadcast_in_dim3A_49 = vector.broadcast %scan3A_23 : i32 to vector<16xi32>
      %mul3A_50 = arith.mulf %gather3A_48, %gather3A_36 : vector<16xf32>
      tpu.vector_store_idx %arg9[%broadcast_in_dim3A_49, %add3A_46], %mul3A_50 : memref<313x256xf32, #tpu.memory_space<vmem>>[vector<16xi32>, vector<16xi32>], vector<16xf32>,
      %broadcast_in_dim3A_51 = arith.constant 1 : i32
      %broadcast_in_dim3A_52 = vector.broadcast %broadcast_in_dim3A_51 : i32 to vector<16x1xi32>
      %gather3A_53 = vector.shape_cast %broadcast_in_dim3A_52 : vector<16x1xi32> to vector<16xi32>
      %gather3A_54 = tpu.dynamic_gather %div3A_32[%gather3A_53] in [0] : vector<16xf32>, vector<16xi32> -> vector<16xf32>
      %broadcast_in_dim3A_55 = arith.constant 32 : i32
      %broadcast_in_dim3A_56 = vector.broadcast %broadcast_in_dim3A_55 : i32 to vector<16xi32>
      %add3A_57 = arith.addi %broadcast_in_dim3A_56, %iota3A : vector<16xi32>
      %broadcast_in_dim3A_58 = vector.broadcast %scan3A_23 : i32 to vector<16xi32>
      %gather3A_59 = tpu.vector_load_idx %arg9[%broadcast_in_dim3A_58, %add3A_57] : memref<313x256xf32, #tpu.memory_space<vmem>>[vector<16xi32>, vector<16xi32>], vector<16xf32>,
      %broadcast_in_dim3A_60 = vector.broadcast %scan3A_23 : i32 to vector<16xi32>
      %mul3A_61 = arith.mulf %gather3A_59, %gather3A_54 : vector<16xf32>
      tpu.vector_store_idx %arg9[%broadcast_in_dim3A_60, %add3A_57], %mul3A_61 : memref<313x256xf32, #tpu.memory_space<vmem>>[vector<16xi32>, vector<16xi32>], vector<16xf32>,
      %broadcast_in_dim3A_62 = arith.constant 48 : i32
      %broadcast_in_dim3A_63 = vector.broadcast %broadcast_in_dim3A_62 : i32 to vector<16xi32>
      %add3A_64 = arith.addi %broadcast_in_dim3A_63, %iota3A : vector<16xi32>
      %broadcast_in_dim3A_65 = vector.broadcast %scan3A_23 : i32 to vector<16xi32>
      %gather3A_66 = tpu.vector_load_idx %arg9[%broadcast_in_dim3A_65, %add3A_64] : memref<313x256xf32, #tpu.memory_space<vmem>>[vector<16xi32>, vector<16xi32>], vector<16xf32>,
      %broadcast_in_dim3A_67 = vector.broadcast %scan3A_23 : i32 to vector<16xi32>
      %mul3A_68 = arith.mulf %gather3A_66, %gather3A_54 : vector<16xf32>
      tpu.vector_store_idx %arg9[%broadcast_in_dim3A_67, %add3A_64], %mul3A_68 : memref<313x256xf32, #tpu.memory_space<vmem>>[vector<16xi32>, vector<16xi32>], vector<16xf32>,
      %broadcast_in_dim3A_69 = arith.constant 2 : i32
      %broadcast_in_dim3A_70 = vector.broadcast %broadcast_in_dim3A_69 : i32 to vector<16x1xi32>
      %gather3A_71 = vector.shape_cast %broadcast_in_dim3A_70 : vector<16x1xi32> to vector<16xi32>
      %gather3A_72 = tpu.dynamic_gather %div3A_32[%gather3A_71] in [0] : vector<16xf32>, vector<16xi32> -> vector<16xf32>
      %broadcast_in_dim3A_73 = arith.constant 64 : i32
      %broadcast_in_dim3A_74 = vector.broadcast %broadcast_in_dim3A_73 : i32 to vector<16xi32>
      %add3A_75 = arith.addi %broadcast_in_dim3A_74, %iota3A : vector<16xi32>
      %broadcast_in_dim3A_76 = vector.broadcast %scan3A_23 : i32 to vector<16xi32>
      %gather3A_77 = tpu.vector_load_idx %arg9[%broadcast_in_dim3A_76, %add3A_75] : memref<313x256xf32, #tpu.memory_space<vmem>>[vector<16xi32>, vector<16xi32>], vector<16xf32>,
      %broadcast_in_dim3A_78 = vector.broadcast %scan3A_23 : i32 to vector<16xi32>
      %mul3A_79 = arith.mulf %gather3A_77, %gather3A_72 : vector<16xf32>
      tpu.vector_store_idx %arg9[%broadcast_in_dim3A_78, %add3A_75], %mul3A_79 : memref<313x256xf32, #tpu.memory_space<vmem>>[vector<16xi32>, vector<16xi32>], vector<16xf32>,
      %broadcast_in_dim3A_80 = arith.constant 80 : i32
      %broadcast_in_dim3A_81 = vector.broadcast %broadcast_in_dim3A_80 : i32 to vector<16xi32>
      %add3A_82 = arith.addi %broadcast_in_dim3A_81, %iota3A : vector<16xi32>
      %broadcast_in_dim3A_83 = vector.broadcast %scan3A_23 : i32 to vector<16xi32>
      %gather3A_84 = tpu.vector_load_idx %arg9[%broadcast_in_dim3A_83, %add3A_82] : memref<313x256xf32, #tpu.memory_space<vmem>>[vector<16xi32>, vector<16xi32>], vector<16xf32>,
      %broadcast_in_dim3A_85 = vector.broadcast %scan3A_23 : i32 to vector<16xi32>
      %mul3A_86 = arith.mulf %gather3A_84, %gather3A_72 : vector<16xf32>
      tpu.vector_store_idx %arg9[%broadcast_in_dim3A_85, %add3A_82], %mul3A_86 : memref<313x256xf32, #tpu.memory_space<vmem>>[vector<16xi32>, vector<16xi32>], vector<16xf32>,
      %broadcast_in_dim3A_87 = arith.constant 3 : i32
      %broadcast_in_dim3A_88 = vector.broadcast %broadcast_in_dim3A_87 : i32 to vector<16x1xi32>
      %gather3A_89 = vector.shape_cast %broadcast_in_dim3A_88 : vector<16x1xi32> to vector<16xi32>
      %gather3A_90 = tpu.dynamic_gather %div3A_32[%gather3A_89] in [0] : vector<16xf32>, vector<16xi32> -> vector<16xf32>
      %broadcast_in_dim3A_91 = arith.constant 96 : i32
      %broadcast_in_dim3A_92 = vector.broadcast %broadcast_in_dim3A_91 : i32 to vector<16xi32>
      %add3A_93 = arith.addi %broadcast_in_dim3A_92, %iota3A : vector<16xi32>
      %broadcast_in_dim3A_94 = vector.broadcast %scan3A_23 : i32 to vector<16xi32>
      %gather3A_95 = tpu.vector_load_idx %arg9[%broadcast_in_dim3A_94, %add3A_93] : memref<313x256xf32, #tpu.memory_space<vmem>>[vector<16xi32>, vector<16xi32>], vector<16xf32>,
      %broadcast_in_dim3A_96 = vector.broadcast %scan3A_23 : i32 to vector<16xi32>
      %mul3A_97 = arith.mulf %gather3A_95, %gather3A_90 : vector<16xf32>
      tpu.vector_store_idx %arg9[%broadcast_in_dim3A_96, %add3A_93], %mul3A_97 : memref<313x256xf32, #tpu.memory_space<vmem>>[vector<16xi32>, vector<16xi32>], vector<16xf32>,
      %broadcast_in_dim3A_98 = arith.constant 112 : i32
      %broadcast_in_dim3A_99 = vector.broadcast %broadcast_in_dim3A_98 : i32 to vector<16xi32>
      %add3A_100 = arith.addi %broadcast_in_dim3A_99, %iota3A : vector<16xi32>
      %broadcast_in_dim3A_101 = vector.broadcast %scan3A_23 : i32 to vector<16xi32>
      %gather3A_102 = tpu.vector_load_idx %arg9[%broadcast_in_dim3A_101, %add3A_100] : memref<313x256xf32, #tpu.memory_space<vmem>>[vector<16xi32>, vector<16xi32>], vector<16xf32>,
      %broadcast_in_dim3A_103 = vector.broadcast %scan3A_23 : i32 to vector<16xi32>
      %mul3A_104 = arith.mulf %gather3A_102, %gather3A_90 : vector<16xf32>
      tpu.vector_store_idx %arg9[%broadcast_in_dim3A_103, %add3A_100], %mul3A_104 : memref<313x256xf32, #tpu.memory_space<vmem>>[vector<16xi32>, vector<16xi32>], vector<16xf32>,
      %broadcast_in_dim3A_105 = arith.constant 4 : i32
      %broadcast_in_dim3A_106 = vector.broadcast %broadcast_in_dim3A_105 : i32 to vector<16x1xi32>
      %gather3A_107 = vector.shape_cast %broadcast_in_dim3A_106 : vector<16x1xi32> to vector<16xi32>
      %gather3A_108 = tpu.dynamic_gather %div3A_32[%gather3A_107] in [0] : vector<16xf32>, vector<16xi32> -> vector<16xf32>
      %broadcast_in_dim3A_109 = arith.constant 128 : i32
      %broadcast_in_dim3A_110 = vector.broadcast %broadcast_in_dim3A_109 : i32 to vector<16xi32>
      %add3A_111 = arith.addi %broadcast_in_dim3A_110, %iota3A : vector<16xi32>
      %broadcast_in_dim3A_112 = vector.broadcast %scan3A_23 : i32 to vector<16xi32>
      %gather3A_113 = tpu.vector_load_idx %arg9[%broadcast_in_dim3A_112, %add3A_111] : memref<313x256xf32, #tpu.memory_space<vmem>>[vector<16xi32>, vector<16xi32>], vector<16xf32>,
      %broadcast_in_dim3A_114 = vector.broadcast %scan3A_23 : i32 to vector<16xi32>
      %mul3A_115 = arith.mulf %gather3A_113, %gather3A_108 : vector<16xf32>
      tpu.vector_store_idx %arg9[%broadcast_in_dim3A_114, %add3A_111], %mul3A_115 : memref<313x256xf32, #tpu.memory_space<vmem>>[vector<16xi32>, vector<16xi32>], vector<16xf32>,
      %broadcast_in_dim3A_116 = arith.constant 144 : i32
      %broadcast_in_dim3A_117 = vector.broadcast %broadcast_in_dim3A_116 : i32 to vector<16xi32>
      %add3A_118 = arith.addi %broadcast_in_dim3A_117, %iota3A : vector<16xi32>
      %broadcast_in_dim3A_119 = vector.broadcast %scan3A_23 : i32 to vector<16xi32>
      %gather3A_120 = tpu.vector_load_idx %arg9[%broadcast_in_dim3A_119, %add3A_118] : memref<313x256xf32, #tpu.memory_space<vmem>>[vector<16xi32>, vector<16xi32>], vector<16xf32>,
      %broadcast_in_dim3A_121 = vector.broadcast %scan3A_23 : i32 to vector<16xi32>
      %mul3A_122 = arith.mulf %gather3A_120, %gather3A_108 : vector<16xf32>
      tpu.vector_store_idx %arg9[%broadcast_in_dim3A_121, %add3A_118], %mul3A_122 : memref<313x256xf32, #tpu.memory_space<vmem>>[vector<16xi32>, vector<16xi32>], vector<16xf32>,
      %broadcast_in_dim3A_123 = arith.constant 5 : i32
      %broadcast_in_dim3A_124 = vector.broadcast %broadcast_in_dim3A_123 : i32 to vector<16x1xi32>
      %gather3A_125 = vector.shape_cast %broadcast_in_dim3A_124 : vector<16x1xi32> to vector<16xi32>
      %gather3A_126 = tpu.dynamic_gather %div3A_32[%gather3A_125] in [0] : vector<16xf32>, vector<16xi32> -> vector<16xf32>
      %broadcast_in_dim3A_127 = arith.constant 160 : i32
      %broadcast_in_dim3A_128 = vector.broadcast %broadcast_in_dim3A_127 : i32 to vector<16xi32>
      %add3A_129 = arith.addi %broadcast_in_dim3A_128, %iota3A : vector<16xi32>
      %broadcast_in_dim3A_130 = vector.broadcast %scan3A_23 : i32 to vector<16xi32>
      %gather3A_131 = tpu.vector_load_idx %arg9[%broadcast_in_dim3A_130, %add3A_129] : memref<313x256xf32, #tpu.memory_space<vmem>>[vector<16xi32>, vector<16xi32>], vector<16xf32>,
      %broadcast_in_dim3A_132 = vector.broadcast %scan3A_23 : i32 to vector<16xi32>
      %mul3A_133 = arith.mulf %gather3A_131, %gather3A_126 : vector<16xf32>
      tpu.vector_store_idx %arg9[%broadcast_in_dim3A_132, %add3A_129], %mul3A_133 : memref<313x256xf32, #tpu.memory_space<vmem>>[vector<16xi32>, vector<16xi32>], vector<16xf32>,
      %broadcast_in_dim3A_134 = arith.constant 176 : i32
      %broadcast_in_dim3A_135 = vector.broadcast %broadcast_in_dim3A_134 : i32 to vector<16xi32>
      %add3A_136 = arith.addi %broadcast_in_dim3A_135, %iota3A : vector<16xi32>
      %broadcast_in_dim3A_137 = vector.broadcast %scan3A_23 : i32 to vector<16xi32>
      %gather3A_138 = tpu.vector_load_idx %arg9[%broadcast_in_dim3A_137, %add3A_136] : memref<313x256xf32, #tpu.memory_space<vmem>>[vector<16xi32>, vector<16xi32>], vector<16xf32>,
      %broadcast_in_dim3A_139 = vector.broadcast %scan3A_23 : i32 to vector<16xi32>
      %mul3A_140 = arith.mulf %gather3A_138, %gather3A_126 : vector<16xf32>
      tpu.vector_store_idx %arg9[%broadcast_in_dim3A_139, %add3A_136], %mul3A_140 : memref<313x256xf32, #tpu.memory_space<vmem>>[vector<16xi32>, vector<16xi32>], vector<16xf32>,
      %broadcast_in_dim3A_141 = arith.constant 6 : i32
      %broadcast_in_dim3A_142 = vector.broadcast %broadcast_in_dim3A_141 : i32 to vector<16x1xi32>
      %gather3A_143 = vector.shape_cast %broadcast_in_dim3A_142 : vector<16x1xi32> to vector<16xi32>
      %gather3A_144 = tpu.dynamic_gather %div3A_32[%gather3A_143] in [0] : vector<16xf32>, vector<16xi32> -> vector<16xf32>
      %broadcast_in_dim3A_145 = arith.constant 192 : i32
      %broadcast_in_dim3A_146 = vector.broadcast %broadcast_in_dim3A_145 : i32 to vector<16xi32>
      %add3A_147 = arith.addi %broadcast_in_dim3A_146, %iota3A : vector<16xi32>
      %broadcast_in_dim3A_148 = vector.broadcast %scan3A_23 : i32 to vector<16xi32>
      %gather3A_149 = tpu.vector_load_idx %arg9[%broadcast_in_dim3A_148, %add3A_147] : memref<313x256xf32, #tpu.memory_space<vmem>>[vector<16xi32>, vector<16xi32>], vector<16xf32>,
      %broadcast_in_dim3A_150 = vector.broadcast %scan3A_23 : i32 to vector<16xi32>
      %mul3A_151 = arith.mulf %gather3A_149, %gather3A_144 : vector<16xf32>
      tpu.vector_store_idx %arg9[%broadcast_in_dim3A_150, %add3A_147], %mul3A_151 : memref<313x256xf32, #tpu.memory_space<vmem>>[vector<16xi32>, vector<16xi32>], vector<16xf32>,
      %broadcast_in_dim3A_152 = arith.constant 208 : i32
      %broadcast_in_dim3A_153 = vector.broadcast %broadcast_in_dim3A_152 : i32 to vector<16xi32>
      %add3A_154 = arith.addi %broadcast_in_dim3A_153, %iota3A : vector<16xi32>
      %broadcast_in_dim3A_155 = vector.broadcast %scan3A_23 : i32 to vector<16xi32>
      %gather3A_156 = tpu.vector_load_idx %arg9[%broadcast_in_dim3A_155, %add3A_154] : memref<313x256xf32, #tpu.memory_space<vmem>>[vector<16xi32>, vector<16xi32>], vector<16xf32>,
      %broadcast_in_dim3A_157 = vector.broadcast %scan3A_23 : i32 to vector<16xi32>
      %mul3A_158 = arith.mulf %gather3A_156, %gather3A_144 : vector<16xf32>
      tpu.vector_store_idx %arg9[%broadcast_in_dim3A_157, %add3A_154], %mul3A_158 : memref<313x256xf32, #tpu.memory_space<vmem>>[vector<16xi32>, vector<16xi32>], vector<16xf32>,
      %broadcast_in_dim3A_159 = arith.constant 7 : i32
      %broadcast_in_dim3A_160 = vector.broadcast %broadcast_in_dim3A_159 : i32 to vector<16x1xi32>
      %gather3A_161 = vector.shape_cast %broadcast_in_dim3A_160 : vector<16x1xi32> to vector<16xi32>
      %gather3A_162 = tpu.dynamic_gather %div3A_32[%gather3A_161] in [0] : vector<16xf32>, vector<16xi32> -> vector<16xf32>
      %broadcast_in_dim3A_163 = arith.constant 224 : i32
      %broadcast_in_dim3A_164 = vector.broadcast %broadcast_in_dim3A_163 : i32 to vector<16xi32>
      %add3A_165 = arith.addi %broadcast_in_dim3A_164, %iota3A : vector<16xi32>
      %broadcast_in_dim3A_166 = vector.broadcast %scan3A_23 : i32 to vector<16xi32>
      %gather3A_167 = tpu.vector_load_idx %arg9[%broadcast_in_dim3A_166, %add3A_165] : memref<313x256xf32, #tpu.memory_space<vmem>>[vector<16xi32>, vector<16xi32>], vector<16xf32>,
      %broadcast_in_dim3A_168 = vector.broadcast %scan3A_23 : i32 to vector<16xi32>
      %mul3A_169 = arith.mulf %gather3A_167, %gather3A_162 : vector<16xf32>
      tpu.vector_store_idx %arg9[%broadcast_in_dim3A_168, %add3A_165], %mul3A_169 : memref<313x256xf32, #tpu.memory_space<vmem>>[vector<16xi32>, vector<16xi32>], vector<16xf32>,
      %broadcast_in_dim3A_170 = arith.constant 240 : i32
      %broadcast_in_dim3A_171 = vector.broadcast %broadcast_in_dim3A_170 : i32 to vector<16xi32>
      %add3A_172 = arith.addi %broadcast_in_dim3A_171, %iota3A : vector<16xi32>
      %broadcast_in_dim3A_173 = vector.broadcast %scan3A_23 : i32 to vector<16xi32>
      %gather3A_174 = tpu.vector_load_idx %arg9[%broadcast_in_dim3A_173, %add3A_172] : memref<313x256xf32, #tpu.memory_space<vmem>>[vector<16xi32>, vector<16xi32>], vector<16xf32>,
      %broadcast_in_dim3A_175 = vector.broadcast %scan3A_23 : i32 to vector<16xi32>
      %mul3A_176 = arith.mulf %gather3A_174, %gather3A_162 : vector<16xf32>
      tpu.vector_store_idx %arg9[%broadcast_in_dim3A_175, %add3A_172], %mul3A_176 : memref<313x256xf32, #tpu.memory_space<vmem>>[vector<16xi32>, vector<16xi32>], vector<16xf32>,
    }
    %scan3A_22 = arith.constant 313 : i32
    "tpu.region"() ({
      %run_scoped3A = tpu.sem_alloc : memref<!tpu.dma_semaphore, #tpu.memory_space<semaphore_mem>>
      %dma_start3A = arith.constant 0 : i32
      %dma_start3A_23 = tpu.memref_slice %arg8[%mul3A_2, %dma_start3A] : memref<10016x256xf32, #tpu.memory_space<hbm>> -> memref<313x256xf32, #tpu.memory_space<hbm>>
      %dma_start3A_24 = arith.constant 0 : i32
      %dma_start3A_25 = tpu.memref_slice %arg8[%mul3A_2, %dma_start3A_24] : memref<10016x256xf32, #tpu.memory_space<hbm>> -> memref<313x256xf32, #tpu.memory_space<hbm>>
      tpu.enqueue_dma source(%arg9 : memref<313x256xf32, #tpu.memory_space<vmem>>) target(%dma_start3A_25 : memref<313x256xf32, #tpu.memory_space<hbm>>) target_semaphore(%run_scoped3A : memref<!tpu.dma_semaphore, #tpu.memory_space<semaphore_mem>>)
      %dma_wait3A = arith.constant 0 : i32
      %dma_wait3A_26 = tpu.memref_slice %arg8[%mul3A_2, %dma_wait3A] : memref<10016x256xf32, #tpu.memory_space<hbm>> -> memref<313x256xf32, #tpu.memory_space<hbm>>
      %dma_wait3A_27 = arith.constant 0 : i32
      %dma_wait3A_28 = tpu.memref_slice %arg8[%mul3A_2, %dma_wait3A_27] : memref<10016x256xf32, #tpu.memory_space<hbm>> -> memref<313x256xf32, #tpu.memory_space<hbm>>
      tpu.wait_dma2 semaphore(%run_scoped3A : memref<!tpu.dma_semaphore, #tpu.memory_space<semaphore_mem>>) src(%arg9 : memref<313x256xf32, #tpu.memory_space<vmem>>) dst(%dma_wait3A_28 : memref<313x256xf32, #tpu.memory_space<hbm>>)
      tpu.yield
    }) : () -> ()
    return
  }
}

#map = affine_map<(d0, d1) -> (0)>
#map1 = affine_map<(d0, d1) -> (0, 0)>
module attributes {stable_mosaic.version = 14 : i64} {
  func.func @_p1_body(%arg0: i32, %arg1: i32, %arg2: memref<320000xi32, #tpu.memory_space<hbm>>, %arg3: memref<320000xi32, #tpu.memory_space<hbm>>, %arg4: memref<10000x16xf32, #tpu.memory_space<hbm>>, %arg5: memref<10000x16xf32, #tpu.memory_space<hbm>>, %arg6: memref<5120000xf32, #tpu.memory_space<hbm>>, %arg7: memref<512xf32, #tpu.memory_space<hbm>>, %arg8: memref<400xi32, #tpu.memory_space<vmem>>, %arg9: memref<400xi32, #tpu.memory_space<vmem>>, %arg10: memref<400x16xf32, #tpu.memory_space<vmem>>, %arg11: memref<400x16xf32, #tpu.memory_space<vmem>>, %arg12: memref<6400xf32, #tpu.memory_space<vmem>>, %arg13: memref<!tpu.dma_semaphore, #tpu.memory_space<semaphore_mem>>) attributes {dimension_semantics = [#tpu.dimension_semantics<core_parallel>, #tpu.dimension_semantics<subcore_parallel>], iteration_bounds = array<i64: 2, 16>, scalar_prefetch = 0 : i64, scratch_operands = 6 : i64, tpu.core_type = #tpu.core_type<sc_vector_subcore>, window_params = [{transform_indices = #map}, {transform_indices = #map}, {transform_indices = #map1}, {transform_indices = #map1}, {transform_indices = #map}, {transform_indices = #map}]} {
    %mul3A = arith.constant 2 : i32
    %mul3A_0 = arith.muli %arg1, %mul3A : i32
    %add3A = arith.addi %mul3A_0, %arg0 : i32
    %mul3A_1 = arith.constant 10000 : i32
    %mul3A_2 = arith.muli %add3A, %mul3A_1 : i32
    %iota3A = tpu.iota {dimensions = array<i32: 0>} : vector<16xi32>
    %lt3A = arith.constant 8 : i32
    %lt3A_3 = vector.broadcast %lt3A : i32 to vector<16xi32>
    %lt3A_4 = arith.cmpi slt, %iota3A, %lt3A_3 : vector<16xi32>
    %broadcast_in_dim3A = arith.constant -3.400000e+38 : f32
    %broadcast_in_dim3A_5 = vector.broadcast %broadcast_in_dim3A : f32 to vector<16xf32>
    %scan3A = arith.constant 0 : i32
    %scan3A_6 = arith.constant 25 : i32
    %scan3A_7 = arith.addi %scan3A, %scan3A_6 : i32
    %scan3A_8 = arith.constant 1 : i32
    %scan3A_9 = scf.for %scan3A_14 = %scan3A to %scan3A_7 step %scan3A_8 iter_args(%scan3A_15 = %broadcast_in_dim3A_5) -> (vector<16xf32>)  : i32 {
      %mul3A_16 = arith.constant 400 : i32
      %mul3A_17 = arith.muli %scan3A_14, %mul3A_16 : i32
      %add3A_18 = arith.addi %mul3A_2, %mul3A_17 : i32
      %dma_start3A = tpu.memref_slice %arg2[%add3A_18] : memref<320000xi32, #tpu.memory_space<hbm>> -> memref<400xi32, #tpu.memory_space<hbm>>
      %dma_start3A_19 = tpu.memref_slice %arg2[%add3A_18] : memref<320000xi32, #tpu.memory_space<hbm>> -> memref<400xi32, #tpu.memory_space<hbm>>
      tpu.enqueue_dma source(%dma_start3A_19 : memref<400xi32, #tpu.memory_space<hbm>>) target(%arg8 : memref<400xi32, #tpu.memory_space<vmem>>) target_semaphore(%arg13 : memref<!tpu.dma_semaphore, #tpu.memory_space<semaphore_mem>>)
      %dma_start3A_20 = tpu.memref_slice %arg3[%add3A_18] : memref<320000xi32, #tpu.memory_space<hbm>> -> memref<400xi32, #tpu.memory_space<hbm>>
      %dma_start3A_21 = tpu.memref_slice %arg3[%add3A_18] : memref<320000xi32, #tpu.memory_space<hbm>> -> memref<400xi32, #tpu.memory_space<hbm>>
      tpu.enqueue_dma source(%dma_start3A_21 : memref<400xi32, #tpu.memory_space<hbm>>) target(%arg9 : memref<400xi32, #tpu.memory_space<vmem>>) target_semaphore(%arg13 : memref<!tpu.dma_semaphore, #tpu.memory_space<semaphore_mem>>)
      %dma_wait3A = tpu.memref_slice %arg2[%add3A_18] : memref<320000xi32, #tpu.memory_space<hbm>> -> memref<400xi32, #tpu.memory_space<hbm>>
      %dma_wait3A_22 = tpu.memref_slice %arg2[%add3A_18] : memref<320000xi32, #tpu.memory_space<hbm>> -> memref<400xi32, #tpu.memory_space<hbm>>
      tpu.wait_dma2 semaphore(%arg13 : memref<!tpu.dma_semaphore, #tpu.memory_space<semaphore_mem>>) src(%dma_wait3A_22 : memref<400xi32, #tpu.memory_space<hbm>>) dst(%arg8 : memref<400xi32, #tpu.memory_space<vmem>>)
      %dma_wait3A_23 = tpu.memref_slice %arg3[%add3A_18] : memref<320000xi32, #tpu.memory_space<hbm>> -> memref<400xi32, #tpu.memory_space<hbm>>
      %dma_wait3A_24 = tpu.memref_slice %arg3[%add3A_18] : memref<320000xi32, #tpu.memory_space<hbm>> -> memref<400xi32, #tpu.memory_space<hbm>>
      tpu.wait_dma2 semaphore(%arg13 : memref<!tpu.dma_semaphore, #tpu.memory_space<semaphore_mem>>) src(%dma_wait3A_24 : memref<400xi32, #tpu.memory_space<hbm>>) dst(%arg9 : memref<400xi32, #tpu.memory_space<vmem>>)
      %dma_start3A_25 = arith.constant 0 : i32
      %dma_start3A_26 = arith.constant 0 : i32
      %dma_start3A_27 = tpu.memref_slice %arg4[%dma_start3A_25, %dma_start3A_26] : memref<10000x16xf32, #tpu.memory_space<hbm>> -> memref<10000x16xf32, #tpu.memory_space<hbm>>
      tpu.enqueue_indirect_dma source(%dma_start3A_27 : memref<10000x16xf32, #tpu.memory_space<hbm>>) target(%arg10 : memref<400x16xf32, #tpu.memory_space<vmem>>) offsets(%arg8 : memref<400xi32, #tpu.memory_space<vmem>>) semaphore(%arg13 : memref<!tpu.dma_semaphore, #tpu.memory_space<semaphore_mem>>)
      %dma_start3A_28 = arith.constant 0 : i32
      %dma_start3A_29 = arith.constant 0 : i32
      %dma_start3A_30 = tpu.memref_slice %arg5[%dma_start3A_28, %dma_start3A_29] : memref<10000x16xf32, #tpu.memory_space<hbm>> -> memref<10000x16xf32, #tpu.memory_space<hbm>>
      tpu.enqueue_indirect_dma source(%dma_start3A_30 : memref<10000x16xf32, #tpu.memory_space<hbm>>) target(%arg11 : memref<400x16xf32, #tpu.memory_space<vmem>>) offsets(%arg9 : memref<400xi32, #tpu.memory_space<vmem>>) semaphore(%arg13 : memref<!tpu.dma_semaphore, #tpu.memory_space<semaphore_mem>>)
      %dma_wait3A_31 = arith.constant 0 : i32
      %dma_wait3A_32 = arith.constant 0 : i32
      %dma_wait3A_33 = tpu.memref_slice %arg4[%dma_wait3A_31, %dma_wait3A_32] : memref<10000x16xf32, #tpu.memory_space<hbm>> -> memref<10000x16xf32, #tpu.memory_space<hbm>>
      tpu.wait_indirect_dma semaphore(%arg13 : memref<!tpu.dma_semaphore, #tpu.memory_space<semaphore_mem>>) src(%dma_wait3A_33 : memref<10000x16xf32, #tpu.memory_space<hbm>>) dst(%arg10 : memref<400x16xf32, #tpu.memory_space<vmem>>)
      %dma_wait3A_34 = arith.constant 0 : i32
      %dma_wait3A_35 = arith.constant 0 : i32
      %dma_wait3A_36 = tpu.memref_slice %arg5[%dma_wait3A_34, %dma_wait3A_35] : memref<10000x16xf32, #tpu.memory_space<hbm>> -> memref<10000x16xf32, #tpu.memory_space<hbm>>
      tpu.wait_indirect_dma semaphore(%arg13 : memref<!tpu.dma_semaphore, #tpu.memory_space<semaphore_mem>>) src(%dma_wait3A_36 : memref<10000x16xf32, #tpu.memory_space<hbm>>) dst(%arg11 : memref<400x16xf32, #tpu.memory_space<vmem>>)
      %scan3A_37 = arith.constant 0 : i32
      %scan3A_38 = arith.constant 400 : i32
      %scan3A_39 = arith.addi %scan3A_37, %scan3A_38 : i32
      %scan3A_40 = arith.constant 1 : i32
      %scan3A_41 = scf.for %scan3A_45 = %scan3A_37 to %scan3A_39 step %scan3A_40 iter_args(%scan3A_46 = %scan3A_15) -> (vector<16xf32>)  : i32 {
        %broadcast_in_dim3A_47 = vector.broadcast %scan3A_45 : i32 to vector<16xi32>
        %gather3A = tpu.vector_load_idx %arg10[%broadcast_in_dim3A_47, %iota3A] : memref<400x16xf32, #tpu.memory_space<vmem>>[vector<16xi32>, vector<16xi32>], vector<16xf32>,
        %broadcast_in_dim3A_48 = vector.broadcast %scan3A_45 : i32 to vector<16xi32>
        %gather3A_49 = tpu.vector_load_idx %arg11[%broadcast_in_dim3A_48, %iota3A] : memref<400x16xf32, #tpu.memory_space<vmem>>[vector<16xi32>, vector<16xi32>], vector<16xf32>,
        %add3A_50 = arith.addf %gather3A, %gather3A_49 : vector<16xf32>
        %mul3A_51 = arith.constant 16 : i32
        %mul3A_52 = arith.muli %scan3A_45, %mul3A_51 : i32
        %swap3A_53 = arith.index_cast %mul3A_52 : i32 to index
        %swap3A_54 = tpu.vector_load %arg12[%swap3A_53] {strides = array<i32>} : memref<6400xf32, #tpu.memory_space<vmem>>, vector<16xf32>,
        tpu.vector_store %arg12[%swap3A_53], %add3A_50 {strides = array<i32>} : memref<6400xf32, #tpu.memory_space<vmem>>, vector<16xf32>,
        %jit3A = arith.constant -3.400000e+38 : f32
        %broadcast_in_dim3A_55 = vector.broadcast %jit3A : f32 to vector<16xf32>
        %select_n3A = arith.select %lt3A_4, %add3A_50, %broadcast_in_dim3A_55 : vector<16xi1>, vector<16xf32>
        %max3A = arith.maximumf %scan3A_46, %select_n3A : vector<16xf32>
        scf.yield %max3A : vector<16xf32>
      }
      %scan3A_42 = arith.constant 400 : i32
      %mul3A_43 = arith.constant 16 : i32
      %mul3A_44 = arith.muli %add3A_18, %mul3A_43 : i32
      "tpu.region"() ({
        %run_scoped3A = tpu.sem_alloc : memref<!tpu.dma_semaphore, #tpu.memory_space<semaphore_mem>>
        %dma_start3A_45 = tpu.memref_slice %arg6[%mul3A_44] : memref<5120000xf32, #tpu.memory_space<hbm>> -> memref<6400xf32, #tpu.memory_space<hbm>>
        %dma_start3A_46 = tpu.memref_slice %arg6[%mul3A_44] : memref<5120000xf32, #tpu.memory_space<hbm>> -> memref<6400xf32, #tpu.memory_space<hbm>>
        tpu.enqueue_dma source(%arg12 : memref<6400xf32, #tpu.memory_space<vmem>>) target(%dma_start3A_46 : memref<6400xf32, #tpu.memory_space<hbm>>) target_semaphore(%run_scoped3A : memref<!tpu.dma_semaphore, #tpu.memory_space<semaphore_mem>>)
        %dma_wait3A_47 = tpu.memref_slice %arg6[%mul3A_44] : memref<5120000xf32, #tpu.memory_space<hbm>> -> memref<6400xf32, #tpu.memory_space<hbm>>
        %dma_wait3A_48 = tpu.memref_slice %arg6[%mul3A_44] : memref<5120000xf32, #tpu.memory_space<hbm>> -> memref<6400xf32, #tpu.memory_space<hbm>>
        tpu.wait_dma2 semaphore(%run_scoped3A : memref<!tpu.dma_semaphore, #tpu.memory_space<semaphore_mem>>) src(%arg12 : memref<6400xf32, #tpu.memory_space<vmem>>) dst(%dma_wait3A_48 : memref<6400xf32, #tpu.memory_space<hbm>>)
        tpu.yield
      }) : () -> ()
      scf.yield %scan3A_41 : vector<16xf32>
    }
    %scan3A_10 = arith.constant 25 : i32
    %swap3A = arith.constant 0 : index
    %swap3A_11 = tpu.vector_load %arg12[%swap3A] {strides = array<i32>} : memref<6400xf32, #tpu.memory_space<vmem>>, vector<16xf32>,
    tpu.vector_store %arg12[%swap3A], %scan3A_9 {strides = array<i32>} : memref<6400xf32, #tpu.memory_space<vmem>>, vector<16xf32>,
    %mul3A_12 = arith.constant 16 : i32
    %mul3A_13 = arith.muli %add3A, %mul3A_12 : i32
    "tpu.region"() ({
      %run_scoped3A = tpu.sem_alloc : memref<!tpu.dma_semaphore, #tpu.memory_space<semaphore_mem>>
      %dma_start3A = arith.constant 0 : i32
      %dma_start3A_14 = tpu.memref_slice %arg12[%dma_start3A] : memref<6400xf32, #tpu.memory_space<vmem>> -> memref<16xf32, #tpu.memory_space<vmem>>
      %dma_start3A_15 = tpu.memref_slice %arg7[%mul3A_13] : memref<512xf32, #tpu.memory_space<hbm>> -> memref<16xf32, #tpu.memory_space<hbm>>
      %dma_start3A_16 = tpu.memref_slice %arg7[%mul3A_13] : memref<512xf32, #tpu.memory_space<hbm>> -> memref<16xf32, #tpu.memory_space<hbm>>
      %dma_start3A_17 = arith.constant 0 : i32
      %dma_start3A_18 = tpu.memref_slice %arg12[%dma_start3A_17] : memref<6400xf32, #tpu.memory_space<vmem>> -> memref<16xf32, #tpu.memory_space<vmem>>
      tpu.enqueue_dma source(%dma_start3A_18 : memref<16xf32, #tpu.memory_space<vmem>>) target(%dma_start3A_16 : memref<16xf32, #tpu.memory_space<hbm>>) target_semaphore(%run_scoped3A : memref<!tpu.dma_semaphore, #tpu.memory_space<semaphore_mem>>)
      %dma_wait3A = arith.constant 0 : i32
      %dma_wait3A_19 = tpu.memref_slice %arg12[%dma_wait3A] : memref<6400xf32, #tpu.memory_space<vmem>> -> memref<16xf32, #tpu.memory_space<vmem>>
      %dma_wait3A_20 = tpu.memref_slice %arg7[%mul3A_13] : memref<512xf32, #tpu.memory_space<hbm>> -> memref<16xf32, #tpu.memory_space<hbm>>
      %dma_wait3A_21 = tpu.memref_slice %arg7[%mul3A_13] : memref<512xf32, #tpu.memory_space<hbm>> -> memref<16xf32, #tpu.memory_space<hbm>>
      %dma_wait3A_22 = arith.constant 0 : i32
      %dma_wait3A_23 = tpu.memref_slice %arg12[%dma_wait3A_22] : memref<6400xf32, #tpu.memory_space<vmem>> -> memref<16xf32, #tpu.memory_space<vmem>>
      tpu.wait_dma2 semaphore(%run_scoped3A : memref<!tpu.dma_semaphore, #tpu.memory_space<semaphore_mem>>) src(%dma_wait3A_23 : memref<16xf32, #tpu.memory_space<vmem>>) dst(%dma_wait3A_21 : memref<16xf32, #tpu.memory_space<hbm>>)
      tpu.yield
    }) : () -> ()
    return
  }
}

#map = affine_map<(d0, d1) -> (0)>
#map1 = affine_map<(d0, d1) -> (0, 0)>
module attributes {stable_mosaic.version = 14 : i64} {
  func.func @_p2_body(%arg0: i32, %arg1: i32, %arg2: memref<320000xi32, #tpu.memory_space<hbm>>, %arg3: memref<5120000xf32, #tpu.memory_space<hbm>>, %arg4: memref<512xf32, #tpu.memory_space<hbm>>, %arg5: memref<626x16xf32, #tpu.memory_space<hbm>>, %arg6: memref<320000x16xf32, #tpu.memory_space<hbm>>, %arg7: memref<20032x16xf32, #tpu.memory_space<hbm>>, %arg8: memref<400xi32, #tpu.memory_space<vmem>>, %arg9: memref<6400xf32, #tpu.memory_space<vmem>>, %arg10: memref<400x16xf32, #tpu.memory_space<vmem>>, %arg11: memref<512xf32, #tpu.memory_space<vmem>>, %arg12: memref<10016x16xf32, #tpu.memory_space<vmem_shared>>, %arg13: memref<!tpu.dma_semaphore, #tpu.memory_space<semaphore_mem>>) attributes {dimension_semantics = [#tpu.dimension_semantics<core_parallel>, #tpu.dimension_semantics<subcore_parallel>], iteration_bounds = array<i64: 2, 16>, scalar_prefetch = 0 : i64, scratch_operands = 6 : i64, tpu.core_type = #tpu.core_type<sc_vector_subcore>, window_params = [{transform_indices = #map}, {transform_indices = #map}, {transform_indices = #map}, {transform_indices = #map1}, {transform_indices = #map1}, {transform_indices = #map1}]} {
    %mul3A = arith.constant 2 : i32
    %mul3A_0 = arith.muli %arg1, %mul3A : i32
    %add3A = arith.addi %mul3A_0, %arg0 : i32
    %mul3A_1 = arith.constant 10000 : i32
    %mul3A_2 = arith.muli %add3A, %mul3A_1 : i32
    %iota3A = tpu.iota {dimensions = array<i32: 0>} : vector<16xi32>
    %lt3A = arith.constant 8 : i32
    %lt3A_3 = vector.broadcast %lt3A : i32 to vector<16xi32>
    %lt3A_4 = arith.cmpi slt, %iota3A, %lt3A_3 : vector<16xi32>
    "tpu.region"() ({
      %run_scoped3A = tpu.sem_alloc : memref<!tpu.dma_semaphore, #tpu.memory_space<semaphore_mem>>
      tpu.enqueue_dma source(%arg4 : memref<512xf32, #tpu.memory_space<hbm>>) target(%arg11 : memref<512xf32, #tpu.memory_space<vmem>>) target_semaphore(%run_scoped3A : memref<!tpu.dma_semaphore, #tpu.memory_space<semaphore_mem>>)
      tpu.wait_dma2 semaphore(%run_scoped3A : memref<!tpu.dma_semaphore, #tpu.memory_space<semaphore_mem>>) src(%arg4 : memref<512xf32, #tpu.memory_space<hbm>>) dst(%arg11 : memref<512xf32, #tpu.memory_space<vmem>>)
      tpu.yield
    }) : () -> ()
    %broadcast_in_dim3A = arith.constant -3.400000e+38 : f32
    %broadcast_in_dim3A_5 = vector.broadcast %broadcast_in_dim3A : f32 to vector<16xf32>
    %scan3A = arith.constant 0 : i32
    %scan3A_6 = arith.constant 32 : i32
    %scan3A_7 = arith.addi %scan3A, %scan3A_6 : i32
    %scan3A_8 = arith.constant 1 : i32
    %scan3A_9 = scf.for %scan3A_31 = %scan3A to %scan3A_7 step %scan3A_8 iter_args(%scan3A_32 = %broadcast_in_dim3A_5) -> (vector<16xf32>)  : i32 {
      %mul3A_33 = arith.constant 16 : i32
      %mul3A_34 = arith.muli %scan3A_31, %mul3A_33 : i32
      %get3A = arith.index_cast %mul3A_34 : i32 to index
      %get3A_35 = tpu.vector_load %arg11[%get3A] {strides = array<i32>} : memref<512xf32, #tpu.memory_space<vmem>>, vector<16xf32>,
      %max3A = arith.maximumf %scan3A_32, %get3A_35 : vector<16xf32>
      scf.yield %max3A : vector<16xf32>
    }
    %scan3A_10 = arith.constant 32 : i32
    %reduce_max3A = arith.constant true
    %reduce_max3A_11 = vector.broadcast %reduce_max3A : i1 to vector<16xi1>
    %reduce_max3A_12 = tpu.scan <max>, %scan3A_9 masked %reduce_max3A_11 : vector<16xf32>, vector<16xi1> -> vector<16xf32>
    %reduce_max3A_13 = vector.extract %reduce_max3A_12[15] : f32 from vector<16xf32>
    %broadcast_in_dim3A_14 = vector.broadcast %reduce_max3A_13 : f32 to vector<16xf32>
    %mul3A_15 = arith.constant 626 : i32
    %mul3A_16 = arith.muli %arg1, %mul3A_15 : i32
    "tpu.region"() ({
      %run_scoped3A = tpu.sem_alloc : memref<!tpu.dma_semaphore, #tpu.memory_space<semaphore_mem>>
      %dma_start3A = arith.constant 0 : i32
      %dma_start3A_31 = tpu.memref_slice %arg12[%mul3A_16, %dma_start3A] : memref<10016x16xf32, #tpu.memory_space<vmem_shared>> -> memref<626x16xf32, #tpu.memory_space<vmem_shared>>
      tpu.enqueue_dma source(%arg5 : memref<626x16xf32, #tpu.memory_space<hbm>>) target(%dma_start3A_31 : memref<626x16xf32, #tpu.memory_space<vmem_shared>>) target_semaphore(%run_scoped3A : memref<!tpu.dma_semaphore, #tpu.memory_space<semaphore_mem>>)
      %dma_wait3A = arith.constant 0 : i32
      %dma_wait3A_32 = tpu.memref_slice %arg12[%mul3A_16, %dma_wait3A] : memref<10016x16xf32, #tpu.memory_space<vmem_shared>> -> memref<626x16xf32, #tpu.memory_space<vmem_shared>>
      tpu.wait_dma2 semaphore(%run_scoped3A : memref<!tpu.dma_semaphore, #tpu.memory_space<semaphore_mem>>) src(%arg5 : memref<626x16xf32, #tpu.memory_space<hbm>>) dst(%dma_wait3A_32 : memref<626x16xf32, #tpu.memory_space<vmem_shared>>)
      tpu.yield
    }) : () -> ()
    %barrier3A = arith.constant 0 : index
    tpu.barrier barrier_id(%barrier3A)
    %scan3A_17 = arith.constant 0 : i32
    %scan3A_18 = arith.constant 0 : i32
    %scan3A_19 = arith.constant 25 : i32
    %scan3A_20 = arith.addi %scan3A_18, %scan3A_19 : i32
    %scan3A_21 = arith.constant 1 : i32
    scf.for %scan3A_31 = %scan3A_18 to %scan3A_20 step %scan3A_21  : i32 {
      %mul3A_32 = arith.constant 400 : i32
      %mul3A_33 = arith.muli %scan3A_31, %mul3A_32 : i32
      %add3A_34 = arith.addi %mul3A_2, %mul3A_33 : i32
      %dma_start3A = tpu.memref_slice %arg2[%add3A_34] : memref<320000xi32, #tpu.memory_space<hbm>> -> memref<400xi32, #tpu.memory_space<hbm>>
      %dma_start3A_35 = tpu.memref_slice %arg2[%add3A_34] : memref<320000xi32, #tpu.memory_space<hbm>> -> memref<400xi32, #tpu.memory_space<hbm>>
      tpu.enqueue_dma source(%dma_start3A_35 : memref<400xi32, #tpu.memory_space<hbm>>) target(%arg8 : memref<400xi32, #tpu.memory_space<vmem>>) target_semaphore(%arg13 : memref<!tpu.dma_semaphore, #tpu.memory_space<semaphore_mem>>)
      %mul3A_36 = arith.constant 16 : i32
      %mul3A_37 = arith.muli %add3A_34, %mul3A_36 : i32
      %dma_start3A_38 = tpu.memref_slice %arg3[%mul3A_37] : memref<5120000xf32, #tpu.memory_space<hbm>> -> memref<6400xf32, #tpu.memory_space<hbm>>
      %dma_start3A_39 = tpu.memref_slice %arg3[%mul3A_37] : memref<5120000xf32, #tpu.memory_space<hbm>> -> memref<6400xf32, #tpu.memory_space<hbm>>
      tpu.enqueue_dma source(%dma_start3A_39 : memref<6400xf32, #tpu.memory_space<hbm>>) target(%arg9 : memref<6400xf32, #tpu.memory_space<vmem>>) target_semaphore(%arg13 : memref<!tpu.dma_semaphore, #tpu.memory_space<semaphore_mem>>)
      %dma_wait3A = tpu.memref_slice %arg2[%add3A_34] : memref<320000xi32, #tpu.memory_space<hbm>> -> memref<400xi32, #tpu.memory_space<hbm>>
      %dma_wait3A_40 = tpu.memref_slice %arg2[%add3A_34] : memref<320000xi32, #tpu.memory_space<hbm>> -> memref<400xi32, #tpu.memory_space<hbm>>
      tpu.wait_dma2 semaphore(%arg13 : memref<!tpu.dma_semaphore, #tpu.memory_space<semaphore_mem>>) src(%dma_wait3A_40 : memref<400xi32, #tpu.memory_space<hbm>>) dst(%arg8 : memref<400xi32, #tpu.memory_space<vmem>>)
      %dma_wait3A_41 = tpu.memref_slice %arg3[%mul3A_37] : memref<5120000xf32, #tpu.memory_space<hbm>> -> memref<6400xf32, #tpu.memory_space<hbm>>
      %dma_wait3A_42 = tpu.memref_slice %arg3[%mul3A_37] : memref<5120000xf32, #tpu.memory_space<hbm>> -> memref<6400xf32, #tpu.memory_space<hbm>>
      tpu.wait_dma2 semaphore(%arg13 : memref<!tpu.dma_semaphore, #tpu.memory_space<semaphore_mem>>) src(%dma_wait3A_42 : memref<6400xf32, #tpu.memory_space<hbm>>) dst(%arg9 : memref<6400xf32, #tpu.memory_space<vmem>>)
      %scan3A_43 = arith.constant 0 : i32
      %scan3A_44 = arith.constant 400 : i32
      %scan3A_45 = arith.addi %scan3A_43, %scan3A_44 : i32
      %scan3A_46 = arith.constant 1 : i32
      scf.for %scan3A_48 = %scan3A_43 to %scan3A_45 step %scan3A_46  : i32 {
        %mul3A_49 = arith.constant 16 : i32
        %mul3A_50 = arith.muli %scan3A_48, %mul3A_49 : i32
        %get3A = arith.index_cast %mul3A_50 : i32 to index
        %get3A_51 = tpu.vector_load %arg9[%get3A] {strides = array<i32>} : memref<6400xf32, #tpu.memory_space<vmem>>, vector<16xf32>,
        %sub3A = arith.subf %get3A_51, %broadcast_in_dim3A_14 : vector<16xf32>
        %ge3A = arith.constant 0.000000e+00 : f32
        %ge3A_52 = vector.broadcast %ge3A : f32 to vector<16xf32>
        %ge3A_53 = arith.cmpf oge, %sub3A, %ge3A_52 : vector<16xf32>
        %mul3A_54 = arith.constant 0.00999999977 : f32
        %mul3A_55 = vector.broadcast %mul3A_54 : f32 to vector<16xf32>
        %mul3A_56 = arith.mulf %sub3A, %mul3A_55 : vector<16xf32>
        %select_n3A = arith.select %ge3A_53, %sub3A, %mul3A_56 : vector<16xi1>, vector<16xf32>
        %exp3A = math.exp %select_n3A : vector<16xf32>
        %jit3A = arith.constant 0.000000e+00 : f32
        %broadcast_in_dim3A_57 = vector.broadcast %jit3A : f32 to vector<16xf32>
        %select_n3A_58 = arith.select %lt3A_4, %exp3A, %broadcast_in_dim3A_57 : vector<16xi1>, vector<16xf32>
        %broadcast_in_dim3A_59 = vector.broadcast %scan3A_48 : i32 to vector<16xi32>
        tpu.vector_store_idx %arg10[%broadcast_in_dim3A_59, %iota3A], %select_n3A_58 : memref<400x16xf32, #tpu.memory_space<vmem>>[vector<16xi32>, vector<16xi32>], vector<16xf32>,
      }
      %scan3A_47 = arith.constant 400 : i32
      "tpu.region"() ({
        %run_scoped3A = tpu.sem_alloc : memref<!tpu.dma_semaphore, #tpu.memory_space<semaphore_mem>>
        %dma_start3A_48 = arith.constant 0 : i32
        %dma_start3A_49 = tpu.memref_slice %arg6[%add3A_34, %dma_start3A_48] : memref<320000x16xf32, #tpu.memory_space<hbm>> -> memref<400x16xf32, #tpu.memory_space<hbm>>
        %dma_start3A_50 = arith.constant 0 : i32
        %dma_start3A_51 = tpu.memref_slice %arg6[%add3A_34, %dma_start3A_50] : memref<320000x16xf32, #tpu.memory_space<hbm>> -> memref<400x16xf32, #tpu.memory_space<hbm>>
        tpu.enqueue_dma source(%arg10 : memref<400x16xf32, #tpu.memory_space<vmem>>) target(%dma_start3A_51 : memref<400x16xf32, #tpu.memory_space<hbm>>) target_semaphore(%run_scoped3A : memref<!tpu.dma_semaphore, #tpu.memory_space<semaphore_mem>>)
        %dma_wait3A_52 = arith.constant 0 : i32
        %dma_wait3A_53 = tpu.memref_slice %arg6[%add3A_34, %dma_wait3A_52] : memref<320000x16xf32, #tpu.memory_space<hbm>> -> memref<400x16xf32, #tpu.memory_space<hbm>>
        %dma_wait3A_54 = arith.constant 0 : i32
        %dma_wait3A_55 = tpu.memref_slice %arg6[%add3A_34, %dma_wait3A_54] : memref<320000x16xf32, #tpu.memory_space<hbm>> -> memref<400x16xf32, #tpu.memory_space<hbm>>
        tpu.wait_dma2 semaphore(%run_scoped3A : memref<!tpu.dma_semaphore, #tpu.memory_space<semaphore_mem>>) src(%arg10 : memref<400x16xf32, #tpu.memory_space<vmem>>) dst(%dma_wait3A_55 : memref<400x16xf32, #tpu.memory_space<hbm>>)
        tpu.yield
      }) : () -> ()
      "tpu.region"() ({
        %run_scoped3A = tpu.sem_alloc : memref<!tpu.dma_semaphore, #tpu.memory_space<semaphore_mem>>
        %dma_start3A_48 = arith.constant 0 : i32
        %dma_start3A_49 = arith.constant 0 : i32
        %dma_start3A_50 = tpu.memref_slice %arg12[%dma_start3A_48, %dma_start3A_49] : memref<10016x16xf32, #tpu.memory_space<vmem_shared>> -> memref<10016x16xf32, #tpu.memory_space<vmem_shared>>
        tpu.enqueue_indirect_dma source(%arg10 : memref<400x16xf32, #tpu.memory_space<vmem>>) target(%dma_start3A_50 : memref<10016x16xf32, #tpu.memory_space<vmem_shared>>) offsets(%arg8 : memref<400xi32, #tpu.memory_space<vmem>>) semaphore(%run_scoped3A : memref<!tpu.dma_semaphore, #tpu.memory_space<semaphore_mem>>) {add = true}
        %dma_wait3A_51 = arith.constant 0 : i32
        %dma_wait3A_52 = arith.constant 0 : i32
        %dma_wait3A_53 = tpu.memref_slice %arg12[%dma_wait3A_51, %dma_wait3A_52] : memref<10016x16xf32, #tpu.memory_space<vmem_shared>> -> memref<10016x16xf32, #tpu.memory_space<vmem_shared>>
        tpu.wait_indirect_dma semaphore(%run_scoped3A : memref<!tpu.dma_semaphore, #tpu.memory_space<semaphore_mem>>) src(%arg10 : memref<400x16xf32, #tpu.memory_space<vmem>>) dst(%dma_wait3A_53 : memref<10016x16xf32, #tpu.memory_space<vmem_shared>>)
        tpu.yield
      }) : () -> ()
    }
    %scan3A_22 = arith.constant 25 : i32
    %barrier3A_23 = arith.constant 0 : index
    tpu.barrier barrier_id(%barrier3A_23)
    %mul3A_24 = arith.constant 626 : i32
    %mul3A_25 = arith.muli %arg1, %mul3A_24 : i32
    %mul3A_26 = arith.constant 10016 : i32
    %mul3A_27 = arith.muli %arg0, %mul3A_26 : i32
    %mul3A_28 = arith.constant 626 : i32
    %mul3A_29 = arith.muli %arg1, %mul3A_28 : i32
    %add3A_30 = arith.addi %mul3A_27, %mul3A_29 : i32
    "tpu.region"() ({
      %run_scoped3A = tpu.sem_alloc : memref<!tpu.dma_semaphore, #tpu.memory_space<semaphore_mem>>
      %dma_start3A = arith.constant 0 : i32
      %dma_start3A_31 = tpu.memref_slice %arg7[%add3A_30, %dma_start3A] : memref<20032x16xf32, #tpu.memory_space<hbm>> -> memref<626x16xf32, #tpu.memory_space<hbm>>
      %dma_start3A_32 = arith.constant 0 : i32
      %dma_start3A_33 = tpu.memref_slice %arg12[%mul3A_25, %dma_start3A_32] : memref<10016x16xf32, #tpu.memory_space<vmem_shared>> -> memref<626x16xf32, #tpu.memory_space<vmem_shared>>
      tpu.enqueue_dma source(%dma_start3A_33 : memref<626x16xf32, #tpu.memory_space<vmem_shared>>) target(%dma_start3A_31 : memref<626x16xf32, #tpu.memory_space<hbm>>) target_semaphore(%run_scoped3A : memref<!tpu.dma_semaphore, #tpu.memory_space<semaphore_mem>>)
      %dma_wait3A = arith.constant 0 : i32
      %dma_wait3A_34 = tpu.memref_slice %arg7[%add3A_30, %dma_wait3A] : memref<20032x16xf32, #tpu.memory_space<hbm>> -> memref<626x16xf32, #tpu.memory_space<hbm>>
      %dma_wait3A_35 = arith.constant 0 : i32
      %dma_wait3A_36 = tpu.memref_slice %arg12[%mul3A_25, %dma_wait3A_35] : memref<10016x16xf32, #tpu.memory_space<vmem_shared>> -> memref<626x16xf32, #tpu.memory_space<vmem_shared>>
      tpu.wait_dma2 semaphore(%run_scoped3A : memref<!tpu.dma_semaphore, #tpu.memory_space<semaphore_mem>>) src(%dma_wait3A_36 : memref<626x16xf32, #tpu.memory_space<vmem_shared>>) dst(%dma_wait3A_34 : memref<626x16xf32, #tpu.memory_space<hbm>>)
      tpu.yield
    }) : () -> ()
    return
  }
}

module attributes {stable_mosaic.version = 14 : i64} {
  func.func @_tc_body(%arg0: i32, %arg1: memref<2000x128xf32, #tpu.memory_space<vmem>>, %arg2: memref<128x256xf32, #tpu.memory_space<vmem>>, %arg3: memref<256x16xf32, #tpu.memory_space<vmem>>, %arg4: memref<256x16xf32, #tpu.memory_space<vmem>>, %arg5: memref<2000x256xf32, #tpu.memory_space<vmem>>, %arg6: memref<2000x16xf32, #tpu.memory_space<vmem>>, %arg7: memref<2000x16xf32, #tpu.memory_space<vmem>>) attributes {dimension_semantics = [#tpu.dimension_semantics<arbitrary>], iteration_bounds = array<i64: 5>, scalar_prefetch = 0 : i64, scratch_operands = 0 : i64, tpu.core_type = #tpu.core_type<tc>, window_params = [{transform_indices = @transform_0, window_bounds = array<i64: 2000, 128>}, {pipeline_mode = #tpu.pipeline_mode<synchronous>, transform_indices = @transform_1, window_bounds = array<i64: 128, 256>}, {pipeline_mode = #tpu.pipeline_mode<synchronous>, transform_indices = @transform_2, window_bounds = array<i64: 256, 16>}, {pipeline_mode = #tpu.pipeline_mode<synchronous>, transform_indices = @transform_3, window_bounds = array<i64: 256, 16>}, {transform_indices = @transform_4, window_bounds = array<i64: 2000, 256>}, {transform_indices = @transform_5, window_bounds = array<i64: 2000, 16>}, {transform_indices = @transform_6, window_bounds = array<i64: 2000, 16>}]} {
    %get3A = arith.constant 0 : index
    %get3A_0 = arith.constant 0 : index
    %get3A_1 = vector.load %arg1[%get3A, %get3A_0] : memref<2000x128xf32, #tpu.memory_space<vmem>>, vector<2000x128xf32>
    %get3A_2 = arith.constant 0 : index
    %get3A_3 = arith.constant 0 : index
    %get3A_4 = vector.load %arg2[%get3A_2, %get3A_3] : memref<128x256xf32, #tpu.memory_space<vmem>>, vector<128x256xf32>
    %dot_general3A = arith.constant dense<0.000000e+00> : vector<2000x256xf32>
    %dot_general3A_5 = tpu.matmul %get3A_1, %get3A_4, %dot_general3A {dimension_numbers = #tpu.dot_dimension_numbers<[1], [0], [0], [1], [0, 0, 1, 1], [], []>, transpose_lhs_hint = false} : vector<2000x128xf32>, vector<128x256xf32>, vector<2000x256xf32> -> vector<2000x256xf32>
    %swap3A = arith.constant 0 : index
    %swap3A_6 = arith.constant 0 : index
    %swap3A_7 = vector.load %arg5[%swap3A, %swap3A_6] : memref<2000x256xf32, #tpu.memory_space<vmem>>, vector<2000x256xf32>
    tpu.vector_store %arg5[%swap3A, %swap3A_6], %dot_general3A_5 {strides = array<i32>} : memref<2000x256xf32, #tpu.memory_space<vmem>>, vector<2000x256xf32>,
    %get3A_8 = arith.constant 0 : index
    %get3A_9 = arith.constant 0 : index
    %get3A_10 = vector.load %arg3[%get3A_8, %get3A_9] : memref<256x16xf32, #tpu.memory_space<vmem>>, vector<256x16xf32>
    %dot_general3A_11 = arith.constant dense<0.000000e+00> : vector<2000x16xf32>
    %dot_general3A_12 = tpu.matmul %dot_general3A_5, %get3A_10, %dot_general3A_11 {dimension_numbers = #tpu.dot_dimension_numbers<[1], [0], [0], [1], [0, 0, 1, 1], [], []>, transpose_lhs_hint = false} : vector<2000x256xf32>, vector<256x16xf32>, vector<2000x16xf32> -> vector<2000x16xf32>
    %swap3A_13 = arith.constant 0 : index
    %swap3A_14 = arith.constant 0 : index
    %swap3A_15 = vector.load %arg6[%swap3A_13, %swap3A_14] : memref<2000x16xf32, #tpu.memory_space<vmem>>, vector<2000x16xf32>
    tpu.vector_store %arg6[%swap3A_13, %swap3A_14], %dot_general3A_12 {strides = array<i32>} : memref<2000x16xf32, #tpu.memory_space<vmem>>, vector<2000x16xf32>,
    %get3A_16 = arith.constant 0 : index
    %get3A_17 = arith.constant 0 : index
    %get3A_18 = vector.load %arg4[%get3A_16, %get3A_17] : memref<256x16xf32, #tpu.memory_space<vmem>>, vector<256x16xf32>
    %dot_general3A_19 = arith.constant dense<0.000000e+00> : vector<2000x16xf32>
    %dot_general3A_20 = tpu.matmul %dot_general3A_5, %get3A_18, %dot_general3A_19 {dimension_numbers = #tpu.dot_dimension_numbers<[1], [0], [0], [1], [0, 0, 1, 1], [], []>, transpose_lhs_hint = false} : vector<2000x256xf32>, vector<256x16xf32>, vector<2000x16xf32> -> vector<2000x16xf32>
    %swap3A_21 = arith.constant 0 : index
    %swap3A_22 = arith.constant 0 : index
    %swap3A_23 = vector.load %arg7[%swap3A_21, %swap3A_22] : memref<2000x16xf32, #tpu.memory_space<vmem>>, vector<2000x16xf32>
    tpu.vector_store %arg7[%swap3A_21, %swap3A_22], %dot_general3A_20 {strides = array<i32>} : memref<2000x16xf32, #tpu.memory_space<vmem>>, vector<2000x16xf32>,
    return
  }
  func.func @transform_0(%arg0: i32) -> (i32, i32) {
    %c0_i32 = arith.constant 0 : i32
    %c0_i32_0 = arith.constant 0 : i32
    return %arg0, %c0_i32 : i32, i32
  }
  func.func @transform_1(%arg0: i32) -> (i32, i32) {
    %c0_i32 = arith.constant 0 : i32
    %c0_i32_0 = arith.constant 0 : i32
    %c0_i32_1 = arith.constant 0 : i32
    return %c0_i32, %c0_i32_0 : i32, i32
  }
  func.func @transform_2(%arg0: i32) -> (i32, i32) {
    %c0_i32 = arith.constant 0 : i32
    %c0_i32_0 = arith.constant 0 : i32
    %c0_i32_1 = arith.constant 0 : i32
    return %c0_i32, %c0_i32_0 : i32, i32
  }
  func.func @transform_3(%arg0: i32) -> (i32, i32) {
    %c0_i32 = arith.constant 0 : i32
    %c0_i32_0 = arith.constant 0 : i32
    %c0_i32_1 = arith.constant 0 : i32
    return %c0_i32, %c0_i32_0 : i32, i32
  }
  func.func @transform_4(%arg0: i32) -> (i32, i32) {
    %c0_i32 = arith.constant 0 : i32
    %c0_i32_0 = arith.constant 0 : i32
    return %arg0, %c0_i32 : i32, i32
  }
  func.func @transform_5(%arg0: i32) -> (i32, i32) {
    %c0_i32 = arith.constant 0 : i32
    %c0_i32_0 = arith.constant 0 : i32
    return %arg0, %c0_i32 : i32, i32
  }
  func.func @transform_6(%arg0: i32) -> (i32, i32) {
    %c0_i32 = arith.constant 0 : i32
    %c0_i32_0 = arith.constant 0 : i32
    return %arg0, %c0_i32 : i32, i32
  }
}

</mosaic_0001>

<sc_bundles>
// kernel: kernel.12.cloned.1.call-start
scs
__scs_entry_jumppad:
0x0: {  	(pc) =	sbr.rel $0x88, $3  }
0x1: {  	(tag) =	ssettag $0x0;
	lr =	simm.s32 $0x1  }
0x2: {  	[smem:$0x3F9D] =	sst lr;
	_ =	strace $0xD0000000  }
0x3: {  	_ = 	snop  }
0x4: {  	_ = 	snop  }
0x5: {  	_ = 	snop  }
0x6: {  	_ = 	snop  }
0x7: {  	_ = 	snop  }
__scs_overlays_trampoline_lowered:
0x8: {  	[smem:$0x3FAC] =	sst s0  }
0x9: {  	[smem:$0x3FAD] =	sst s1  }
0xa: {  	[smem:$0x3FAE] =	sst s2  }
0xb: {  	[smem:$0x3FAF] =	sst s3  }
0xc: {  	[smem:$0x3FB0] =	sst s4  }
0xd: {  	[smem:$0x3FB1] =	sst s5  }
0xe: {  	[smem:$0x3FB2] =	sst s6  }
0xf: {  	[smem:$0x3FB3] =	sst s7  }
0x10: {  	[smem:$0x3FB4] =	sst s8  }
0x11: {  	[smem:$0x3FB5] =	sst s9;
	s0 =	simm.s32 @!p0 $0x0  }
0x12: {  	s1 =	sld [smem:$0x3F9B];
	s0 =	simm.s32 @p0 $0x1  }
0x13: {  	[smem:$0x3FB6] =	sst s0;
	s0 =	simm.s32 @!p1 $0x0  }
0x14: {  	s2 =	sld [smem:$0x3F9A];
	s0 =	simm.s32 @p1 $0x1  }
0x15: {  	[smem:$0x3FB7] =	sst s0;
	s0 =	simm.s32 @!p2 $0x0  }
0x16: {  	s3 =	sld [smem:$0x3FDB];
	s0 =	simm.s32 @p2 $0x1  }
0x17: {  	s4 =	simm.s32 $0x1BF5;
	[smem:$0x3FB9] =	sst s0  }
0x18: {  	s0 =	sld [smem:$0x3F9C];
	_ =	swait.ge [sflag:s4], $0x0  }
0x19: {  	s7 =	sld [smem:$0x3F9D]  }
0x1a: {  	s8 =	sadd.s32 $0xFFFFE003, lr  }
0x1b: {  	s9 =	sadd.s32 $0xFFFFFEF7, lr;
	s5 =	simm.s32 $0xFFFFFFFF;
	p2 =	slt.u32 s8, $0xFFFFF086  }
0x1c: {  	p1 =	slt.u32 s9, $0xF7A;
	s5 =	simm.s32 @!p2 $0x0  }
0x1d: {  	s5 =	simm.s32 @p1 $0x1;
	p0 =	seq.s32 s7, s2  }
0x1e: {  	s7 =	smul.u32 @!p0 $0xF7A, s2;
	p2 =	seq.s32 @!p0 s5, $0x0  }
0x1f: {  	s9 =	smul.u32 $0xF7A, s1;
	s8 =	simm.s32 @!p0 $0x1BF5;
	p2 =	por !p2, p0  }
0x20: {  	[sflag:s8] =	ssyncset.s32 @!p0 $0xFFFFF086;
	s6 =	sadd.s32 @!p0 s3, s7;
	s7 =	simm.s32 @!p0 $0x108  }
0x21: {  	s3 =	sadd.s32 s3, s9;
	s6 =	sadd.s32 @!p0 $0x88, s6;
	s7 =	simm.s32 @p2 $0x1082  }
0x22: {  	[simem:s7], [sflag:s8] =	dma.local @!p0 [hbm:s6], $0xF7A  }
0x23: {  	s9 =	sor.u32 $0xD0000000, s2;
	s6 =	simm.s32 $0x108;
	_ =	swait.ge @!p0 [sflag:s8], $0x0  }
0x24: {  	s3 =	sadd.s32 $0x88, s3;
	s6 =	simm.s32 @!p1 $0x1082;
	[sflag:s4] =	ssyncset.s32 $0xFFFFF086  }
0x25: {  	[simem:s6], [sflag:s4] =	dma.local [hbm:s3], $0xF7A  }
0x26: {  	[smem:$0x3F9D] =	sst s1;
	(tag) =	ssettag s2;
	_ =	strace s9  }
0x27: {  	s1 =	sld [smem:$0x3FAD]  }
0x28: {  	s2 =	sld [smem:$0x3FAE]  }
0x29: {  	s4 =	sld [smem:$0x3FB0]  }
0x2a: {  	p0 =	seq.s32 s5, $0x0;
	s5 =	sld [smem:$0x3FB1]  }
0x2b: {  	s6 =	sld [smem:$0x3FB2]  }
0x2c: {  	s7 =	sld [smem:$0x3FB3]  }
0x2d: {  	s3 =	simm.s32 $0x108;
	s8 =	sld [smem:$0x3FB4]  }
0x2e: {  	s3 =	simm.s32 @!p0 $0x1082;
	s9 =	sld [smem:$0x3FB5]  }
0x2f: {  	lr =	sadd.s32 s0, s3;
	s0 =	sld [smem:$0x3FAC]  }
0x30: {  	s3 =	sld [smem:$0x3FAF]  }
0x31: {  	[smem:$0x3FB8] =	sst s10  }
0x32: {  	s10 =	sld [smem:$0x3FB6];
	_ =	sdelay $0x3  }
0x33: {  	p0 =	seq.s32 s10, $0x1;
	s10 =	sld [smem:$0x3FB8];
	_ =	sdelay $0x3  }
0x34: {  	[smem:$0x3FB8] =	sst s10  }
0x35: {  	s10 =	sld [smem:$0x3FB7];
	_ =	sdelay $0x3  }
0x36: {  	p1 =	seq.s32 s10, $0x1;
	s10 =	sld [smem:$0x3FB8];
	_ =	sdelay $0x3  }
0x37: {  	[smem:$0x3FB8] =	sst s10  }
0x38: {  	s10 =	sld [smem:$0x3FB9]  }
0x39: {  	_ = 	snop;
	(pc) =	sbr.ind lr, $3  }
0x3a: {  	_ = 	snop  }
0x3b: {  	_ = 	snop  }
0x3c: {  	p2 =	seq.s32 s10, $0x1;
	s10 =	sld [smem:$0x3FB8]  }
0x3d: {  	_ =	shalt  }
0x3e: {  	_ =	shalt  }
0x3f: {  	_ =	shalt  }
0x40: {  	_ =	shalt  }
0x41: {  	_ =	shalt  }
0x42: {  	_ =	shalt  }
0x43: {  	_ =	shalt  }
0x44: {  	_ =	shalt  }
0x45: {  	_ =	shalt  }
0x46: {  	_ =	shalt  }
0x47: {  	_ =	shalt  }
0x48: {  	_ =	shalt  }
0x49: {  	_ =	shalt  }
0x4a: {  	_ =	shalt  }
0x4b: {  	_ =	shalt  }
0x4c: {  	_ =	shalt  }
0x4d: {  	_ =	shalt  }
0x4e: {  	_ =	shalt  }
0x4f: {  	_ =	shalt  }
0x50: {  	_ =	shalt  }
0x51: {  	_ =	shalt  }
0x52: {  	_ =	shalt  }
0x53: {  	_ =	shalt  }
0x54: {  	_ =	shalt  }
0x55: {  	_ =	shalt  }
0x56: {  	_ =	shalt  }
0x57: {  	_ =	shalt  }
0x58: {  	_ =	shalt  }
0x59: {  	_ =	shalt  }
0x5a: {  	_ =	shalt  }
0x5b: {  	_ =	shalt  }
0x5c: {  	_ =	shalt  }
0x5d: {  	_ =	shalt  }
0x5e: {  	_ =	shalt  }
0x5f: {  	_ =	shalt  }
0x60: {  	_ =	shalt  }
0x61: {  	_ =	shalt  }
0x62: {  	_ =	shalt  }
0x63: {  	_ =	shalt  }
0x64: {  	_ =	shalt  }
0x65: {  	_ =	shalt  }
0x66: {  	_ =	shalt  }
0x67: {  	_ =	shalt  }
0x68: {  	_ =	shalt  }
0x69: {  	_ =	shalt  }
0x6a: {  	_ =	shalt  }
0x6b: {  	_ =	shalt  }
0x6c: {  	_ =	shalt  }
0x6d: {  	_ =	shalt  }
0x6e: {  	_ =	shalt  }
0x6f: {  	_ =	shalt  }
0x70: {  	_ =	shalt  }
0x71: {  	_ =	shalt  }
0x72: {  	_ =	shalt  }
0x73: {  	_ =	shalt  }
0x74: {  	_ =	shalt  }
0x75: {  	_ =	shalt  }
0x76: {  	_ =	shalt  }
0x77: {  	_ =	shalt  }
0x78: {  	_ =	shalt  }
0x79: {  	_ =	shalt  }
0x7a: {  	_ =	shalt  }
0x7b: {  	_ =	shalt  }
0x7c: {  	_ =	shalt  }
0x7d: {  	_ =	shalt  }
0x7e: {  	_ =	shalt  }
0x7f: {  	_ =	shalt  }
0x80: {  	_ =	shalt  }
0x81: {  	_ =	shalt  }
0x82: {  	_ =	shalt  }
0x83: {  	_ =	shalt  }
0x84: {  	_ =	shalt  }
0x85: {  	_ =	shalt  }
0x86: {  	_ =	shalt  }
0x87: {  	_ =	shalt  }
.Lfunc_end0:
.L_simem_size_0:
called_computation.2_lowered:
.L_overlay_start_0:
0x88: {  	s2 =	sld [smem:$0x3FD9]  }
0x89: {  	s3 =	sld [smem:$0x3FFE];
	_ =	sdelay $0x1  }
0x8a: {  	s1 =	srdreg.scid  }
0x8b: {  	s0 =	sand.u32 $0x1, s1  }
0x8c: {  	s17 =	sshll.u32 s0, $0xA;
	s2 =	sadd.s32 s3, s2  }
0x8d: {  	s2 =	sadd.s32 s2, s17  }
0x8e: {  	[smem:$0x3FC4] =	sst s2  }
0x8f: {  	_ = 	snop  }
0x90: {  	s2 =	sld [smem:$0x3FD0];
	(tm) =	ssettm $0x1  }
0x91: {  	s18 =	sld [smem:$0x3FFB];
	_ =	sdelay $0x3  }
0x92: {  	_ =	strace s18  }
0x93: {  	s3 =	sld [smem:$0x3FFC];
	_ =	sdelay $0x3  }
0x94: {  	_ =	strace s3  }
0x95: {  	s3 =	sld [smem:$0x3FFD];
	_ =	sdelay $0x3  }
0x96: {  	_ =	strace s3  }
0x97: {  	_ =	strace $0x8FFFFFFF  }
0x98: {  	s19 =	sld [smem:$0x3FDB];
	_ =	sdelay $0x1  }
0x99: {  	s4 =	simm.s32 $_scs_section_size  }
0x9a: {  	s5 =	simm.s32 $_size__tile_overlayer_lowered;
	s6 =	simm.s32 $_tile_overlayer_lowered  }
0x9b: {  	s22 =	simm.s32 $0x1BFF;
	s21 =	sshll.u32 s6, $0x1;
	s3 =	sadd.s32 s4, s19  }
0x9c: {  	s7 =	simm.s32 $0x0;
	s20 =	sshll.u32 s5, $0x1;
	s5 =	sadd.s32 s21, s3  }
0x9d: {  	[timem:s7], [sflag:s22] =	dma.local [hbm:s5], s20  }
0x9e: {  	_ =	swait.ge [sflag:s22], s20  }
0x9f: {  	s4 =	ssub.s32 $0x0, s20;
	[sflag:s22] =	ssyncset.done $0x0  }
0xa0: {  	[sflag:s22] =	ssyncadd.s32 s4;
	_ =	sdelay $0x1  }
0xa1: {  	s23 =	simm.s32 $0x1B8B  }
0xa2: {  	_ =	swait.ge [sflag:s23], $0x1  }
0xa3: {  	[sflag:s23] =	ssyncset.done $0x0  }
0xa4: {  	s25 =	simm.s32 $0x1B8E;
	s24 =	sld [smem:$0x3FFE];
	[sflag:s23] =	ssyncadd.s32 $0xFFFFFFFF  }
0xa5: {  	s26 =	simm.s32 $execute0_lowered;
	[smem:$0x3FD2] =	sst s25  }
0xa6: {  	s5 =	sshll.u32 s26, $0x1;
	_ =	strace $0x8000004C;
	[dreg:$0x1] =	wrdreg $0xFFFFFFFF  }
0xa7: {  	s28 =	simm.s32 $_size_execute0_lowered;
	s3 =	sadd.s32 s3, s5;
	[dreg:$0x0] =	wrdreg $0x0  }
0xa8: {  	s5 =	sshll.u32 s28, $0x1;
	[dreg:$0x2] =	wrdreg s3  }
0xa9: {  	[dreg:$0x3] =	wrdreg s5  }
0xaa: {  	[dreg:$0x4] =	wrdreg $0xC0  }
0xab: {  	_ =	task [dreg:s7], $0x5FFFF  }
0xac: {  	[dreg:$0x1] =	wrdreg $0xFFFFFFFF  }
0xad: {  	[dreg:$0x0] =	wrdreg $0x60  }
0xae: {  	[dreg:$0x2] =	wrdreg s24  }
0xaf: {  	[dreg:$0x3] =	wrdreg s2  }
0xb0: {  	[dreg:$0x4] =	wrdreg $0x9  }
0xb1: {  	_ =	task.clear_ibuf [dreg:s7], $0x5FFFF;
	_ =	strace $0x9000004C  }
0xb2: {  	s29 =	simm.s32 $0x9;
	_ =	strace $0x8000004E  }
0xb3: {  	_ =	swait.ge [sflag:s29], $0x1  }
0xb4: {  	[sflag:s29] =	ssyncadd.s32 $0xFFFFFFFF  }
0xb5: {  	_ =	strace $0x9000004E  }
0xb6: {  	_ =	sfence  }
0xb7: {  	s30 =	sld [smem:$0x0];
	_ =	sdelay $0x2  }
0xb8: {  	s31 =	sshll.u32 s1, $0xD;
	s1 =	sshrl.u32 s1, $0x2  }
0xb9: {  	s3 =	sand.u32 $0x4000, s31;
	s1 =	sadd.s32 s1, s30  }
0xba: {  	s0 =	sor.u32 s3, s0;
	s1 =	sshll.u32 s1, $0x11  }
0xbb: {  	s0 =	sor.u32 s1, s0  }
0xbc: {  	s0 =	sadd.s32 $0x8F2B, s0  }
0xbd: {  	[sflag:s0] =	ssyncadd.remote.s32 $0x1  }
0xbe: {  	_ =	sfence.sel $0xFFFF  }
0xbf: {  	[dreg:$0x0] =	wrdreg $0xFFFFFFFF;
	(pc) =	sbr.abs _section_cstart, $3  }
0xc0: {  	[dreg:$0x1] =	wrdreg $0xFFFFFFFF  }
0xc1: {  	_ =	task.clear_ibuf [dreg:s7], $0x2FFFF;
	_ =	strace $0x9FFFFFFF  }
0xc2: {  	(tm) =	ssettm $0x7FFFFFFF  }
0xc3: {  	_ =	shalt  }
tec
execute0_lowered:
.L_overlay_start_1:
0x0: {  	(tag) =	ssettag $0x1  }
0x1: {  	s0 =	rddreg [dreg:$0x0]  }
0x2: {  	s2 =	rddreg [dreg:$0x1];
	s1 =	srdreg.scid  }
0x3: {  	s4 =	stileid.u32;
	s3 =	simm.s32 $0x0;
	s12 =	simm.s32 $0x2  }
0x4: {  	s13 =	simm.s32 $0x13900;
	s14 =	simm.s32 $0x140D0;
	s15 =	simm.s32 $0x1  }
0x5: {  	s16 =	simm.s32 $0x60;
	s17 =	simm.s32 $0x16040;
	s18 =	simm.s32 $0x1C040  }
0x6: {  	s19 =	simm.s32 $0x15080;
	s20 =	simm.s32 $0x1C640;
	s21 =	simm.s32 $0x1D9D0  }
0x7: {  	s22 =	simm.s32 $0x0;
	s1 =	sand.u32 $0x1, s1;
	s4 =	sshll.u32 s4, $0x1  }
0x8: {  	v1 =	vlaneseq.u32;
	v3 =	vimm.s32 $0x0;
	s23 =	simm.s32 $0x0;
	[smem:$0x7FF] =	sst s3;
	s7 =	sor.u32 s1, s4  }
0x9: {  	v19 =	vimm.s32 $0x4;
	v20 =	vimm.s32 $0x1;
	v21 =	vimm.s32 $0x2;
	s5 =	sadd.s32 $0xC200, s0;
	s6 =	sadd.s32 $0xBC400, s0;
	s8 =	smul.u32 $0x139, s7  }
0xa: {  	v22 =	vimm.s32 $0x3;
	v23 =	vimm.s32 $0x5;
	v24 =	vimm.s32 $0x6;
	s9 =	sadd.s32 $0x158800, s0;
	s11 =	sadd.s32 $0x2200, s0;
	s10 =	smul.u32 $0x1390, s7  }
0xb: {  	v25 =	vimm.s32 $0x7;
	v4 =	vor.u32 $0x10, v1;
	v5 =	vor.u32 $0x20, v1;
	_ =	strace $0x8000004D;
	s1 =	ssub.s32 $0x2, s1;
	s29 =	smul.u32 $0x2720, s7  }
0xc: {  	v6 =	vor.u32 $0x30, v1;
	v7 =	vor.u32 $0x40, v1;
	v8 =	vor.u32 $0x50, v1;
	s4 =	sadd.s32 $0x16000, s0;
	s30 =	sshrl.u32 s1, $0x1;
	s7 =	smul.u32 $0x272, s7  }
0xd: {  	v9 =	vor.u32 $0x60, v1;
	v10 =	vor.u32 $0x70, v1;
	v11 =	vor.u32 $0x80, v1;
	[dreg:$0x3] =	wrdreg s11;
	s1 =	ssub.s32 s1, s30;
	s10 =	sshrl.u32 s10, $0x3  }
0xe: {  	v12 =	vor.u32 $0x90, v1;
	v13 =	vor.u32 $0xA0, v1;
	v0 =	vmov s8;
	s8 =	sadd.s32 $0x139, s8;
	s7 =	sadd.s32 s9, s7;
	s10 =	sadd.s32 s9, s10  }
0xf: {  	v14 =	vor.u32 $0xB0, v1;
	v15 =	vor.u32 $0xC0, v1;
	v16 =	vor.u32 $0xD0, v1;
	s0 =	sadd.s32 s29, s0;
	[dreg:$0x4] =	wrdreg s7;
	s31 =	sadd.s32 $0x4E40, s10  }
0x10: {  	v17 =	vor.u32 $0xE0, v1;
	v18 =	vor.u32 $0xF0, v1;
	s11 =	smax.u32 s1, $0x1;
	v2 =	vmov s8;
	s10 =	sadd.s32 $0x1FE00, s0;
	[dreg:$0x5] =	wrdreg s31  }
.LBB2_1:
0x11: {  	s0 =	rddreg [dreg:$0x3]  }
0x12: {  	[tilespmem:s3], [sflag:$0x2] =	stream.linear.gather [hbm4b:s0+s3], $0x13900, $0x38;
	[tilespmem:$0x1ED60] =	vst v63  }
0x13: {  	_ =	swait.ge [sflag:s12], $0x13900  }
0x14: {  	[sflag:s12] =	ssyncset.done $0x0  }
0x15: {  	s1 =	simm.s32 $0x0;
	s0 =	simm.s32 $0x40;
	[sflag:s12] =	ssyncadd.s32 $0xFFFEC700  }
.LBB2_2:
0x16: {  	p0 =	sne.s32 s0, $0x1F40;
	[tilespmem:s1+$0x15860] =	vst v3;
	s7 =	smov.u32 s0;
	s0 =	sadd.s32 $0x40, s0  }
.Ltmp0:
0x17: {  	[tilespmem:s1+$0x148A0] =	vst v3;
	(pc) =	sbr.rel @p0 .LBB2_2-.Ltmp0, $2  }
0x18: {  	[tilespmem:s1+$0x15080] =	vst v3;
	_ =	sdelay $0x2  }
0x19: {  	s1 =	sshra.s32 s7, $0x2  }
.Ltmp1:
0x1a: {  	(pc) =	sbr.rel .LBB2_4-.Ltmp1, $4  }
0x1b: {  	_ = 	snop  }
0x1c: {  	[tilespmem:s1+$0x15860] =	vst v3  }
0x1d: {  	[tilespmem:s1+$0x148A0] =	vst v3  }
0x1e: {  	[tilespmem:s1+$0x15080] =	vst v3;
	s24 =	simm.s32 $0x0;
	s25 =	simm.s32 $0x0  }
.LBB2_12:
0x1f: {  	s25 =	sadd.s32 $0x1, s25  }
0x20: {  	p0 =	sne.s32 s25, $0xA0  }
.Ltmp2:
0x21: {  	_ = 	snop;
	(pc) =	sbr.rel @!p0 .LBB2_13-.Ltmp2, $2  }
0x22: {  	_ =	sdelay $0x2  }
0x23: {  	s24 =	sadd.s32 $0x7D0, s24  }
.LBB2_4:
0x24: {  	s0 =	smul.u32 $0x7D0, s25;
	_ =	sdelay $0x1  }
0x25: {  	s0 =	sshrl.u32 s0, $0x3  }
0x26: {  	s1 =	sadd.s32 s5, s0  }
0x27: {  	[tilespmem:s13], [sflag:$0x1] =	stream.linear.gather [hbm4b:s1+s23], $0x7D0, $0x38;
	[tilespmem:$0x1ED60] =	vst v63  }
0x28: {  	s0 =	sadd.s32 s4, s0  }
0x29: {  	[tilespmem:s14], [sflag:$0x1] =	stream.linear.gather [hbm4b:s0+s23], $0x7D0, $0x38;
	[tilespmem:$0x1ED60] =	vst v63  }
0x2a: {  	_ =	swait.ge [sflag:s15], $0x7D0  }
0x2b: {  	[sflag:s15] =	ssyncset.done $0x0  }
0x2c: {  	[sflag:s15] =	ssyncadd.s32 $0xFFFFF830  }
0x2d: {  	_ =	swait.ge [sflag:s15], $0x7D0  }
0x2e: {  	[sflag:s15] =	ssyncset.done $0x0  }
0x2f: {  	s31 =	simm.s32 $0x0;
	[sflag:s15] =	ssyncadd.s32 $0xFFFFF830  }
0x30: {  	v26 =	vld [tilespmem:s31+$0x13900];
	_ =	sdelay $0x4  }
0x31: {  	vm0 =	vge.s32 v26, v0;
	vm1 =	vlt.s32 v26, v2  }
0x32: {  	v26 =	vsub.s32 v26, v0;
	vm0 =	vmand vm0, vm1  }
0x33: {  	v27 =	vld [tilespmem:s31+$0x140D0];
	[tilespmem:s23+$0x15080] =	vst.msk vm0, v26;
	v26 =	vmpcnt.ones.xlane vm0;
	_ =	sdelay $0x1  }
0x34: {  	(v2sf) =	vpush v26, $0x0;
	_ =	sdelay $0x3  }
0x35: {  	v28 =	vor.u32 s24, v1;
	[tilespmem:s23+$0x148A0] =	vst.msk vm0, v27  }
0x36: {  	s26 =	simm.s32 $0x10;
	[tilespmem:s23+$0x15860] =	vst.msk vm0, v28  }
0x37: {  	s7 =	simm.s32 $0x80;
	s1 =	simm.s32 $0x0;
	s0 =	smov.u32 s24;
	v26 =	vld [tilespmem:s26+$0x140D0]  }
.LBB2_5:
0x38: {  	p0 =	sne.s32 s7, $0x1F00;
	v27 =	vld [tilespmem:s26+$0x13900];
	_ =	sdelay $0x4  }
0x39: {  	vm0 =	vge.s32 v27, v0;
	vm1 =	vlt.s32 v27, v2;
	v27 =	vsub.s32 v27, v0  }
0x3a: {  	vm0 =	vmand vm0, vm1  }
0x3b: {  	v28 =	vmpcnt.ones.xlane vm0  }
0x3c: {  	s26 =	spop (v2sf)  }
0x3d: {  	(v2sf) =	vpush v28, $0x0;
	s1 =	sadd.s32 s1, s26  }
0x3e: {  	s0 =	sadd.s32 $0x10, s0;
	[tilespmem:s1+$0x15080] =	vst.msk vm0, v27  }
.Ltmp3:
0x3f: {  	v27 =	vor.u32 s0, v1;
	[tilespmem:s1+$0x148A0] =	vst.msk vm0, v26;
	(pc) =	sbr.rel @p0 .LBB2_5-.Ltmp3, $3  }
0x40: {  	s26 =	sshra.s32 s7, $0x2;
	[tilespmem:s1+$0x15860] =	vst.msk vm0, v27  }
0x41: {  	v26 =	vld [tilespmem:s26+$0x140D0];
	_ =	sdelay $0x1  }
0x42: {  	s7 =	sadd.s32 $0x40, s7  }
0x43: {  	v27 =	vld [tilespmem:s26+$0x13900];
	_ =	sdelay $0x4  }
0x44: {  	vm0 =	vge.s32 v27, v0;
	vm1 =	vlt.s32 v27, v2  }
0x45: {  	vm0 =	vmand vm0, vm1  }
0x46: {  	v28 =	vmpcnt.ones.xlane vm0;
	_ =	sdelay $0x1  }
0x47: {  	(v2sf) =	vpush v28, $0x0;
	_ =	sdelay $0xd  }
0x48: {  	s7 =	spop (v2sf)  }
0x49: {  	s1 =	sadd.s32 s1, s7;
	s26 =	spop (v2sf)  }
0x4a: {  	s26 =	sadd.s32 s1, s26  }
0x4b: {  	s7 =	sadd.s32 $0x5F, s26  }
0x4c: {  	s28 =	smulhi.u32 $0x2AAAAAAB, s7;
	s29 =	sshra.s32 s7, $0x1F  }
0x4d: {  	s29 =	smul.u32 $0x2AAAAAAB, s29;
	_ =	sdelay $0x1  }
0x4e: {  	s28 =	sadd.s32 s29, s28  }
0x4f: {  	s29 =	sshrl.u32 s28, $0x1F;
	s28 =	sshra.s32 s28, $0x4  }
0x50: {  	s28 =	sadd.s32 s29, s28  }
0x51: {  	s29 =	smul.u32 $0xFFFFFFA0, s28  }
0x52: {  	s30 =	ssub.s32 $0xFFFFFFA1, s26  }
0x53: {  	p0 =	slt.s32 s7, $0x1;
	p1 =	sne.s32 s29, s30  }
0x54: {  	p0 =	por !p0, !p1  }
0x55: {  	s7 =	simm.s32 $0x1;
	p0 =	por !p0, !p0  }
0x56: {  	s7 =	simm.s32 @!p0 $0x0  }
0x57: {  	s28 =	ssub.s32 s28, s7  }
0x58: {  	p0 =	slt.s32 s28, $0x1  }
.Ltmp4:
0x59: {  	_ = 	snop;
	(pc) =	sbr.rel @!p0 .LBB2_7-.Ltmp4, $4  }
.Ltmp5:
0x5a: {  	v27 =	vsub.s32 v27, v0;
	(pc) =	sbr.rel @p0 .LBB2_12-.Ltmp5, $4  }
0x5b: {  	s0 =	sadd.s32 $0x10, s0;
	[tilespmem:s1+$0x15080] =	vst.msk vm0, v27  }
0x5c: {  	v27 =	vor.u32 s0, v1;
	s0 =	simm.s32 $0x0;
	[tilespmem:s1+$0x148A0] =	vst.msk vm0, v26  }
0x5d: {  	[tilespmem:s1+$0x15860] =	vst.msk vm0, v27;
	s31 =	smov.u32 s26;
	s29 =	simm.s32 $0x0;
	s30 =	simm.s32 $0x0  }
0x5e: {  	_ = 	snop  }
.LBB2_10:
0x5f: {  	_ =	sdelay $0x1  }
0x60: {  	v26 =	vmul.f32 v29, v28;
	_ =	sdelay $0x1  }
0x61: {  	[tilespmem:v27+s3+$0x0] =	vst.idx.add.f32.msk $0xffff, v26  }
.LBB2_11:
0x62: {  	s0 =	sadd.s32 $0x1, s0  }
0x63: {  	p0 =	sne.s32 s0, s28  }
.Ltmp6:
0x64: {  	_ = 	snop;
	(pc) =	sbr.rel @!p0 .LBB2_12-.Ltmp6, $2  }
0x65: {  	_ =	sdelay $0x2  }
0x66: {  	s31 =	sadd.s32 $0xFFFFFFA0, s31;
	s30 =	sadd.s32 $0x60, s30  }
.LBB2_7:
0x67: {  	s1 =	smul.u32 $0x60, s0;
	_ =	sdelay $0x1  }
0x68: {  	s7 =	sadd.s32 $0x148A0, s1  }
0x69: {  	[tilespmem:s17], [sflag:$0x1] =	stream.indirect.gather [hbm4b:s2+s16], $0x100, s7, s16, $0xb8;
	[tilespmem:$0x1ED60] =	vst v63  }
0x6a: {  	s9 =	sadd.s32 $0x15860, s1;
	s1 =	ssub.s32 s26, s1  }
0x6b: {  	[tilespmem:s18], [sflag:$0x1] =	stream.indirect.gather [hbm4b:s6+s16], $0x10, s9, s16, $0xb8;
	[tilespmem:$0x1ED60] =	vst v63  }
0x6c: {  	p0 =	slt.s32 s1, $0x1;
	_ =	swait.ge [sflag:s15], $0x6000  }
.Ltmp7:
0x6d: {  	[sflag:s15] =	ssyncset.done $0x0;
	(pc) =	sbr.rel @p0 .LBB2_11-.Ltmp7, $4  }
0x6e: {  	[sflag:s15] =	ssyncadd.s32 $0xFFFFA000  }
0x6f: {  	_ =	swait.ge [sflag:s15], $0x600  }
0x70: {  	[sflag:s15] =	ssyncset.done $0x0  }
0x71: {  	[sflag:s15] =	ssyncadd.s32 $0xFFFFFA00  }
0x72: {  	s1 =	sadd.s32 $0x0, s30  }
0x73: {  	v26 =	vmov s1;
	_ =	sdelay $0x1  }
0x74: {  	v27 =	vmov s29  }
0x75: {  	v29 =	vshll.u32 v27, $0x8;
	v27 =	vshll.u32 v27, $0x4  }
0x76: {  	v28 =	vor.u32 v1, v29  }
0x77: {  	v26 =	vld.idx.msk [tilespmem:v26+s19+$0x0], $0xffff;
	_ =	sdelay $0x2  }
0x78: {  	v30 =	vld.idx.msk [tilespmem:v27+s18+$0x0], $0xffff  }
0x79: {  	v28 =	vld.idx.msk [tilespmem:v28+s17+$0x0], $0xffff  }
0x7a: {  	v26 =	vshll.u32 v26, $0x8  }
0x7b: {  	v31 =	vor.u32 v1, v26  }
0x7c: {  	v32 =	vor.u32 v4, v29;
	_ =	sdelay $0x1  }
0x7d: {  	v28 =	vmul.f32 v28, v30;
	_ =	sdelay $0x1  }
0x7e: {  	[tilespmem:v31+s3+$0x0] =	vst.idx.add.f32.msk $0xffff, v28  }
0x7f: {  	v28 =	vld.idx.msk [tilespmem:v32+s17+$0x0], $0xffff;
	_ =	sdelay $0x1  }
0x80: {  	v31 =	vor.u32 v4, v26  }
0x81: {  	v46 =	vor.u32 $0x1, v27  }
0x82: {  	v33 =	vor.u32 v5, v29  }
0x83: {  	v28 =	vmul.f32 v28, v30;
	_ =	sdelay $0x1  }
0x84: {  	[tilespmem:v31+s3+$0x0] =	vst.idx.add.f32.msk $0xffff, v28  }
0x85: {  	v28 =	vld.idx.msk [tilespmem:v46+s18+$0x0], $0xffff  }
0x86: {  	v30 =	vld.idx.msk [tilespmem:v33+s17+$0x0], $0xffff;
	_ =	sdelay $0x1  }
0x87: {  	v31 =	vor.u32 v5, v26  }
0x88: {  	v47 =	vor.u32 v6, v29;
	_ =	sdelay $0x1  }
0x89: {  	v30 =	vmul.f32 v30, v28;
	_ =	sdelay $0x1  }
0x8a: {  	[tilespmem:v31+s3+$0x0] =	vst.idx.add.f32.msk $0xffff, v30  }
0x8b: {  	v30 =	vld.idx.msk [tilespmem:v47+s17+$0x0], $0xffff;
	_ =	sdelay $0x1  }
0x8c: {  	v31 =	vor.u32 v6, v26  }
0x8d: {  	v48 =	vor.u32 $0x2, v27  }
0x8e: {  	v49 =	vor.u32 v7, v29  }
0x8f: {  	v28 =	vmul.f32 v30, v28;
	_ =	sdelay $0x1  }
0x90: {  	[tilespmem:v31+s3+$0x0] =	vst.idx.add.f32.msk $0xffff, v28  }
0x91: {  	v28 =	vld.idx.msk [tilespmem:v48+s18+$0x0], $0xffff  }
0x92: {  	v30 =	vld.idx.msk [tilespmem:v49+s17+$0x0], $0xffff;
	_ =	sdelay $0x1  }
0x93: {  	v31 =	vor.u32 v7, v26  }
0x94: {  	v50 =	vor.u32 v8, v29;
	_ =	sdelay $0x1  }
0x95: {  	v30 =	vmul.f32 v30, v28;
	_ =	sdelay $0x1  }
0x96: {  	[tilespmem:v31+s3+$0x0] =	vst.idx.add.f32.msk $0xffff, v30  }
0x97: {  	v30 =	vld.idx.msk [tilespmem:v50+s17+$0x0], $0xffff;
	_ =	sdelay $0x1  }
0x98: {  	v31 =	vor.u32 v8, v26  }
0x99: {  	v51 =	vor.u32 $0x3, v27  }
0x9a: {  	v52 =	vor.u32 v9, v29  }
0x9b: {  	v28 =	vmul.f32 v30, v28;
	_ =	sdelay $0x1  }
0x9c: {  	[tilespmem:v31+s3+$0x0] =	vst.idx.add.f32.msk $0xffff, v28  }
0x9d: {  	v28 =	vld.idx.msk [tilespmem:v51+s18+$0x0], $0xffff  }
0x9e: {  	v30 =	vld.idx.msk [tilespmem:v52+s17+$0x0], $0xffff;
	_ =	sdelay $0x1  }
0x9f: {  	v31 =	vor.u32 v9, v26  }
0xa0: {  	v53 =	vor.u32 v10, v29;
	_ =	sdelay $0x1  }
0xa1: {  	v30 =	vmul.f32 v30, v28;
	_ =	sdelay $0x1  }
0xa2: {  	[tilespmem:v31+s3+$0x0] =	vst.idx.add.f32.msk $0xffff, v30  }
0xa3: {  	v30 =	vld.idx.msk [tilespmem:v53+s17+$0x0], $0xffff;
	_ =	sdelay $0x1  }
0xa4: {  	v31 =	vor.u32 v10, v26  }
0xa5: {  	v54 =	vor.u32 $0x4, v27  }
0xa6: {  	v55 =	vor.u32 v11, v29  }
0xa7: {  	v28 =	vmul.f32 v30, v28;
	_ =	sdelay $0x1  }
0xa8: {  	[tilespmem:v31+s3+$0x0] =	vst.idx.add.f32.msk $0xffff, v28  }
0xa9: {  	v28 =	vld.idx.msk [tilespmem:v54+s18+$0x0], $0xffff  }
0xaa: {  	v30 =	vld.idx.msk [tilespmem:v55+s17+$0x0], $0xffff;
	_ =	sdelay $0x1  }
0xab: {  	v31 =	vor.u32 v11, v26  }
0xac: {  	v56 =	vor.u32 v12, v29;
	_ =	sdelay $0x1  }
0xad: {  	v30 =	vmul.f32 v30, v28;
	_ =	sdelay $0x1  }
0xae: {  	[tilespmem:v31+s3+$0x0] =	vst.idx.add.f32.msk $0xffff, v30  }
0xaf: {  	v30 =	vld.idx.msk [tilespmem:v56+s17+$0x0], $0xffff;
	_ =	sdelay $0x1  }
0xb0: {  	v31 =	vor.u32 v12, v26  }
0xb1: {  	v57 =	vor.u32 $0x5, v27  }
0xb2: {  	v58 =	vor.u32 v13, v29  }
0xb3: {  	v28 =	vmul.f32 v30, v28;
	_ =	sdelay $0x1  }
0xb4: {  	[tilespmem:v31+s3+$0x0] =	vst.idx.add.f32.msk $0xffff, v28  }
0xb5: {  	v28 =	vld.idx.msk [tilespmem:v57+s18+$0x0], $0xffff  }
0xb6: {  	v30 =	vld.idx.msk [tilespmem:v58+s17+$0x0], $0xffff;
	_ =	sdelay $0x1  }
0xb7: {  	v31 =	vor.u32 v13, v26  }
0xb8: {  	v59 =	vor.u32 v14, v29;
	_ =	sdelay $0x1  }
0xb9: {  	v30 =	vmul.f32 v30, v28;
	_ =	sdelay $0x1  }
0xba: {  	[tilespmem:v31+s3+$0x0] =	vst.idx.add.f32.msk $0xffff, v30  }
0xbb: {  	v30 =	vld.idx.msk [tilespmem:v59+s17+$0x0], $0xffff;
	_ =	sdelay $0x1  }
0xbc: {  	v31 =	vor.u32 v14, v26  }
0xbd: {  	v60 =	vor.u32 $0x6, v27  }
0xbe: {  	v61 =	vor.u32 v15, v29  }
0xbf: {  	v28 =	vmul.f32 v30, v28;
	_ =	sdelay $0x1  }
0xc0: {  	[tilespmem:v31+s3+$0x0] =	vst.idx.add.f32.msk $0xffff, v28  }
0xc1: {  	v28 =	vld.idx.msk [tilespmem:v60+s18+$0x0], $0xffff  }
0xc2: {  	v30 =	vld.idx.msk [tilespmem:v61+s17+$0x0], $0xffff;
	_ =	sdelay $0x1  }
0xc3: {  	v31 =	vor.u32 v15, v26  }
0xc4: {  	v62 =	vor.u32 v16, v29;
	_ =	sdelay $0x1  }
0xc5: {  	v30 =	vmul.f32 v30, v28;
	_ =	sdelay $0x1  }
0xc6: {  	[tilespmem:v31+s3+$0x0] =	vst.idx.add.f32.msk $0xffff, v30  }
0xc7: {  	v30 =	vld.idx.msk [tilespmem:v62+s17+$0x0], $0xffff;
	_ =	sdelay $0x1  }
0xc8: {  	v31 =	vor.u32 v16, v26  }
0xc9: {  	v27 =	vor.u32 $0x7, v27  }
0xca: {  	v63 =	vor.u32 v17, v29  }
0xcb: {  	v28 =	vmul.f32 v30, v28;
	_ =	sdelay $0x1  }
0xcc: {  	[tilespmem:v31+s3+$0x0] =	vst.idx.add.f32.msk $0xffff, v28  }
0xcd: {  	v28 =	vld.idx.msk [tilespmem:v27+s18+$0x0], $0xffff  }
0xce: {  	v27 =	vld.idx.msk [tilespmem:v63+s17+$0x0], $0xffff;
	_ =	sdelay $0x1  }
0xcf: {  	p0 =	sgt.s32 s31, $0x1;
	s1 =	smov.u32 s31;
	v30 =	vor.u32 v17, v26  }
0xd0: {  	v29 =	vor.u32 v18, v29;
	s1 =	simm.s32 @!p0 $0x1  }
0xd1: {  	s1 =	smin.u32 s1, $0x60  }
0xd2: {  	p0 =	sne.s32 s1, $0x1;
	v27 =	vmul.f32 v27, v28  }
.Ltmp8:
0xd3: {  	_ = 	snop;
	(pc) =	sbr.rel @!p0 .LBB2_10-.Ltmp8, $3  }
0xd4: {  	[tilespmem:v30+s3+$0x0] =	vst.idx.add.f32.msk $0xffff, v27  }
0xd5: {  	v29 =	vld.idx.msk [tilespmem:v29+s17+$0x0], $0xffff;
	_ =	sdelay $0x1  }
0xd6: {  	s7 =	simm.s32 $0x1;
	v27 =	vor.u32 v18, v26  }
.LBB2_9:
0xd7: {  	s8 =	smov.u32 s7;
	s7 =	sadd.s32 $0x1, s7  }
0xd8: {  	p0 =	sne.s32 s1, s7  }
0xd9: {  	s9 =	sadd.s32 s8, s30  }
0xda: {  	v30 =	vmov s9  }
0xdb: {  	v31 =	vmov s8  }
0xdc: {  	v29 =	vmul.f32 v29, v28;
	v26 =	vshll.u32 v31, $0x8  }
0xdd: {  	v32 =	vor.u32 v1, v26  }
0xde: {  	v28 =	vshll.u32 v31, $0x4;
	[tilespmem:v27+s3+$0x0] =	vst.idx.add.f32.msk $0xffff, v29  }
0xdf: {  	v27 =	vld.idx.msk [tilespmem:v30+s19+$0x0], $0xffff;
	_ =	sdelay $0x2  }
0xe0: {  	v29 =	vld.idx.msk [tilespmem:v32+s17+$0x0], $0xffff  }
0xe1: {  	v30 =	vld.idx.msk [tilespmem:v28+s18+$0x0], $0xffff;
	_ =	sdelay $0x1  }
0xe2: {  	v27 =	vshll.u32 v27, $0x8  }
0xe3: {  	v31 =	vor.u32 v1, v27  }
0xe4: {  	v32 =	vor.u32 v4, v26;
	_ =	sdelay $0x1  }
0xe5: {  	v29 =	vmul.f32 v29, v30;
	_ =	sdelay $0x1  }
0xe6: {  	[tilespmem:v31+s3+$0x0] =	vst.idx.add.f32.msk $0xffff, v29  }
0xe7: {  	v29 =	vld.idx.msk [tilespmem:v32+s17+$0x0], $0xffff;
	_ =	sdelay $0x2  }
0xe8: {  	v31 =	vor.u32 v4, v27  }
0xe9: {  	v33 =	vor.u32 v5, v26;
	v32 =	vor.u32 $0x1, v28;
	_ =	sdelay $0x1  }
0xea: {  	v29 =	vmul.f32 v29, v30;
	_ =	sdelay $0x1  }
0xeb: {  	[tilespmem:v31+s3+$0x0] =	vst.idx.add.f32.msk $0xffff, v29  }
0xec: {  	v29 =	vld.idx.msk [tilespmem:v32+s18+$0x0], $0xffff  }
0xed: {  	v30 =	vld.idx.msk [tilespmem:v33+s17+$0x0], $0xffff;
	_ =	sdelay $0x1  }
0xee: {  	v31 =	vor.u32 v5, v27  }
0xef: {  	v32 =	vor.u32 v6, v26;
	_ =	sdelay $0x2  }
0xf0: {  	v30 =	vmul.f32 v30, v29;
	_ =	sdelay $0x1  }
0xf1: {  	[tilespmem:v31+s3+$0x0] =	vst.idx.add.f32.msk $0xffff, v30  }
0xf2: {  	v30 =	vld.idx.msk [tilespmem:v32+s17+$0x0], $0xffff;
	_ =	sdelay $0x1  }
0xf3: {  	v31 =	vor.u32 v6, v27;
	_ =	sdelay $0x1  }
0xf4: {  	v33 =	vor.u32 v7, v26;
	v32 =	vor.u32 $0x2, v28;
	_ =	sdelay $0x1  }
0xf5: {  	v29 =	vmul.f32 v30, v29;
	_ =	sdelay $0x1  }
0xf6: {  	[tilespmem:v31+s3+$0x0] =	vst.idx.add.f32.msk $0xffff, v29  }
0xf7: {  	v29 =	vld.idx.msk [tilespmem:v32+s18+$0x0], $0xffff  }
0xf8: {  	v30 =	vld.idx.msk [tilespmem:v33+s17+$0x0], $0xffff  }
0xf9: {  	v31 =	vor.u32 v7, v27  }
0xfa: {  	v32 =	vor.u32 v8, v26;
	_ =	sdelay $0x3  }
0xfb: {  	v30 =	vmul.f32 v30, v29;
	_ =	sdelay $0x1  }
0xfc: {  	[tilespmem:v31+s3+$0x0] =	vst.idx.add.f32.msk $0xffff, v30  }
0xfd: {  	v30 =	vld.idx.msk [tilespmem:v32+s17+$0x0], $0xffff  }
0xfe: {  	v31 =	vor.u32 v8, v27;
	_ =	sdelay $0x2  }
0xff: {  	v33 =	vor.u32 v9, v26;
	v32 =	vor.u32 $0x3, v28;
	_ =	sdelay $0x1  }
0x100: {  	v29 =	vmul.f32 v30, v29;
	_ =	sdelay $0x1  }
0x101: {  	[tilespmem:v31+s3+$0x0] =	vst.idx.add.f32.msk $0xffff, v29  }
0x102: {  	v29 =	vld.idx.msk [tilespmem:v32+s18+$0x0], $0xffff  }
0x103: {  	v31 =	vor.u32 v9, v27;
	v30 =	vld.idx.msk [tilespmem:v33+s17+$0x0], $0xffff  }
0x104: {  	v32 =	vor.u32 v10, v26;
	_ =	sdelay $0x4  }
0x105: {  	v30 =	vmul.f32 v30, v29;
	_ =	sdelay $0x1  }
0x106: {  	[tilespmem:v31+s3+$0x0] =	vst.idx.add.f32.msk $0xffff, v30  }
0x107: {  	v31 =	vor.u32 v10, v27;
	v30 =	vld.idx.msk [tilespmem:v32+s17+$0x0], $0xffff;
	_ =	sdelay $0x3  }
0x108: {  	v33 =	vor.u32 v11, v26;
	v32 =	vor.u32 $0x4, v28;
	_ =	sdelay $0x1  }
0x109: {  	v29 =	vmul.f32 v30, v29;
	_ =	sdelay $0x1  }
0x10a: {  	[tilespmem:v31+s3+$0x0] =	vst.idx.add.f32.msk $0xffff, v29  }
0x10b: {  	v30 =	vor.u32 v11, v27;
	v29 =	vld.idx.msk [tilespmem:v32+s18+$0x0], $0xffff  }
0x10c: {  	v32 =	vor.u32 v12, v26;
	v31 =	vld.idx.msk [tilespmem:v33+s17+$0x0], $0xffff;
	_ =	sdelay $0x5  }
0x10d: {  	v31 =	vmul.f32 v31, v29;
	_ =	sdelay $0x1  }
0x10e: {  	[tilespmem:v30+s3+$0x0] =	vst.idx.add.f32.msk $0xffff, v31;
	v30 =	vor.u32 v12, v27  }
0x10f: {  	v31 =	vld.idx.msk [tilespmem:v32+s17+$0x0], $0xffff;
	_ =	sdelay $0x3  }
0x110: {  	v33 =	vor.u32 v13, v26;
	v32 =	vor.u32 $0x5, v28;
	_ =	sdelay $0x1  }
0x111: {  	v29 =	vmul.f32 v31, v29;
	_ =	sdelay $0x1  }
0x112: {  	[tilespmem:v30+s3+$0x0] =	vst.idx.add.f32.msk $0xffff, v29;
	v29 =	vor.u32 v13, v27  }
0x113: {  	v31 =	vor.u32 v14, v26;
	v30 =	vld.idx.msk [tilespmem:v32+s18+$0x0], $0xffff  }
0x114: {  	v32 =	vld.idx.msk [tilespmem:v33+s17+$0x0], $0xffff;
	_ =	sdelay $0x5  }
0x115: {  	v32 =	vmul.f32 v32, v30  }
0x116: {  	v33 =	vor.u32 v14, v27  }
0x117: {  	[tilespmem:v29+s3+$0x0] =	vst.idx.add.f32.msk $0xffff, v32  }
0x118: {  	v29 =	vld.idx.msk [tilespmem:v31+s17+$0x0], $0xffff;
	_ =	sdelay $0x3  }
0x119: {  	v32 =	vor.u32 v15, v26;
	v31 =	vor.u32 $0x6, v28;
	_ =	sdelay $0x1  }
0x11a: {  	v29 =	vmul.f32 v29, v30  }
0x11b: {  	v30 =	vor.u32 v15, v27  }
0x11c: {  	[tilespmem:v33+s3+$0x0] =	vst.idx.add.f32.msk $0xffff, v29;
	v29 =	vor.u32 v16, v26  }
0x11d: {  	v31 =	vld.idx.msk [tilespmem:v31+s18+$0x0], $0xffff  }
0x11e: {  	v32 =	vld.idx.msk [tilespmem:v32+s17+$0x0], $0xffff;
	_ =	sdelay $0x5  }
0x11f: {  	v33 =	vor.u32 v16, v27;
	v32 =	vmul.f32 v32, v31;
	_ =	sdelay $0x1  }
0x120: {  	[tilespmem:v30+s3+$0x0] =	vst.idx.add.f32.msk $0xffff, v32  }
0x121: {  	v29 =	vld.idx.msk [tilespmem:v29+s17+$0x0], $0xffff;
	_ =	sdelay $0x3  }
0x122: {  	v28 =	vor.u32 $0x7, v28;
	v30 =	vor.u32 v17, v26;
	_ =	sdelay $0x1  }
0x123: {  	v29 =	vmul.f32 v29, v31;
	v31 =	vor.u32 v17, v27  }
0x124: {  	v26 =	vor.u32 v18, v26  }
0x125: {  	[tilespmem:v33+s3+$0x0] =	vst.idx.add.f32.msk $0xffff, v29  }
0x126: {  	v28 =	vld.idx.msk [tilespmem:v28+s18+$0x0], $0xffff  }
0x127: {  	v29 =	vld.idx.msk [tilespmem:v30+s17+$0x0], $0xffff;
	_ =	sdelay $0x4  }
.Ltmp9:
0x128: {  	v27 =	vor.u32 v18, v27;
	(pc) =	sbr.rel @p0 .LBB2_9-.Ltmp9, $3  }
0x129: {  	v29 =	vmul.f32 v29, v28;
	_ =	sdelay $0x1  }
0x12a: {  	[tilespmem:v31+s3+$0x0] =	vst.idx.add.f32.msk $0xffff, v29  }
0x12b: {  	v29 =	vld.idx.msk [tilespmem:v26+s17+$0x0], $0xffff  }
.Ltmp10:
0x12c: {  	_ = 	snop;
	(pc) =	sbr.rel .LBB2_10-.Ltmp10, $1  }
0x12d: {  	_ =	sdelay $0x3  }
.LBB2_13:
0x12e: {  	s0 =	simm.s32 $0x0;
	s1 =	rddreg [dreg:$0x4]  }
0x12f: {  	[tilespmem:s20], [sflag:$0x2] =	stream.linear.gather [hbm4b:s1+s0], $0x1390, $0x38;
	[tilespmem:$0x1ED60] =	vst v63  }
0x130: {  	v26 =	vmov s0;
	_ =	swait.ge [sflag:s12], $0x1390  }
0x131: {  	v27 =	vshll.u32 v26, $0x4;
	[sflag:s12] =	ssyncset.done $0x0  }
0x132: {  	v27 =	vor.u32 v1, v27;
	s30 =	rddreg [dreg:$0x5];
	[sflag:s12] =	ssyncadd.s32 $0xFFFFEC70  }
0x133: {  	[tilespmem:s21], [sflag:$0x2] =	stream.linear.gather [hbm4b:s30+s0], $0x1390, $0x38;
	[tilespmem:$0x1ED60] =	vst v63  }
0x134: {  	_ =	swait.ge [sflag:s12], $0x1390  }
0x135: {  	[sflag:s12] =	ssyncset.done $0x0  }
0x136: {  	[sflag:s12] =	ssyncadd.s32 $0xFFFFEC70  }
0x137: {  	v28 =	vld.idx.msk [tilespmem:v27+s20+$0x0], $0xffff  }
0x138: {  	v27 =	vld.idx.msk [tilespmem:v27+s21+$0x0], $0xffff;
	_ =	sdelay $0x4  }
0x139: {  	v27 =	vadd.f32 v27, v28;
	_ =	sdelay $0x1  }
0x13a: {  	v27 =	vadd.f32 $9.999999930e-09, v27;
	_ =	sdelay $0x1  }
0x13b: {  	(erf) = vrcp.f32 v27  }
0x13c: {  	v26 =	vshll.u32 v26, $0x8  }
0x13d: {  	v27 =	vor.u32 v1, v26;
	_ =	sdelay $0x4  }
0x13e: {  	v28 =	vld.idx.msk [tilespmem:v27+s3+$0x0], $0xffff;
	_ =	sdelay $0x1  }
0x13f: {  	v29 =	vpop (erf)  }
0x140: {  	v30 =	vor.u32 v4, v26;
	v31 =	vperm.xlane v29, v3;
	_ =	sdelay $0x1  }
0x141: {  	v28 =	vmul.f32 v28, v31;
	_ =	sdelay $0x1  }
0x142: {  	[tilespmem:v27+s3+$0x0] =	vst.idx.msk $0xffff, v28  }
0x143: {  	v27 =	vld.idx.msk [tilespmem:v30+s3+$0x0], $0xffff;
	_ =	sdelay $0x2  }
0x144: {  	v28 =	vor.u32 v5, v26;
	_ =	sdelay $0x1  }
0x145: {  	v27 =	vmul.f32 v27, v31;
	_ =	sdelay $0x1  }
0x146: {  	[tilespmem:v30+s3+$0x0] =	vst.idx.msk $0xffff, v27  }
0x147: {  	v27 =	vld.idx.msk [tilespmem:v28+s3+$0x0], $0xffff;
	_ =	sdelay $0x2  }
0x148: {  	v31 =	vor.u32 v6, v26;
	v30 =	vperm.xlane v29, v20;
	_ =	sdelay $0x1  }
0x149: {  	v27 =	vmul.f32 v27, v30;
	_ =	sdelay $0x1  }
0x14a: {  	[tilespmem:v28+s3+$0x0] =	vst.idx.msk $0xffff, v27  }
0x14b: {  	v27 =	vld.idx.msk [tilespmem:v31+s3+$0x0], $0xffff;
	_ =	sdelay $0x2  }
0x14c: {  	v28 =	vor.u32 v7, v26;
	_ =	sdelay $0x1  }
0x14d: {  	v27 =	vmul.f32 v27, v30;
	_ =	sdelay $0x1  }
0x14e: {  	[tilespmem:v31+s3+$0x0] =	vst.idx.msk $0xffff, v27  }
0x14f: {  	v27 =	vld.idx.msk [tilespmem:v28+s3+$0x0], $0xffff;
	_ =	sdelay $0x2  }
0x150: {  	v30 =	vperm.xlane v29, v21;
	v31 =	vor.u32 v8, v26;
	_ =	sdelay $0x1  }
0x151: {  	v27 =	vmul.f32 v27, v30;
	_ =	sdelay $0x1  }
0x152: {  	[tilespmem:v28+s3+$0x0] =	vst.idx.msk $0xffff, v27  }
0x153: {  	v27 =	vld.idx.msk [tilespmem:v31+s3+$0x0], $0xffff;
	_ =	sdelay $0x2  }
0x154: {  	v28 =	vor.u32 v9, v26;
	_ =	sdelay $0x1  }
0x155: {  	v27 =	vmul.f32 v27, v30;
	_ =	sdelay $0x1  }
0x156: {  	[tilespmem:v31+s3+$0x0] =	vst.idx.msk $0xffff, v27  }
0x157: {  	v27 =	vld.idx.msk [tilespmem:v28+s3+$0x0], $0xffff;
	_ =	sdelay $0x2  }
0x158: {  	v30 =	vperm.xlane v29, v22;
	v31 =	vor.u32 v10, v26;
	_ =	sdelay $0x1  }
0x159: {  	v27 =	vmul.f32 v27, v30;
	_ =	sdelay $0x1  }
0x15a: {  	[tilespmem:v28+s3+$0x0] =	vst.idx.msk $0xffff, v27  }
0x15b: {  	v27 =	vld.idx.msk [tilespmem:v31+s3+$0x0], $0xffff;
	_ =	sdelay $0x2  }
0x15c: {  	v28 =	vor.u32 v11, v26;
	_ =	sdelay $0x1  }
0x15d: {  	v27 =	vmul.f32 v27, v30;
	_ =	sdelay $0x1  }
0x15e: {  	[tilespmem:v31+s3+$0x0] =	vst.idx.msk $0xffff, v27  }
0x15f: {  	v27 =	vld.idx.msk [tilespmem:v28+s3+$0x0], $0xffff;
	_ =	sdelay $0x2  }
0x160: {  	v30 =	vperm.xlane v29, v19;
	v31 =	vor.u32 v12, v26;
	_ =	sdelay $0x1  }
0x161: {  	v27 =	vmul.f32 v27, v30;
	_ =	sdelay $0x1  }
0x162: {  	[tilespmem:v28+s3+$0x0] =	vst.idx.msk $0xffff, v27  }
0x163: {  	v27 =	vld.idx.msk [tilespmem:v31+s3+$0x0], $0xffff;
	_ =	sdelay $0x2  }
0x164: {  	v28 =	vor.u32 v13, v26;
	_ =	sdelay $0x1  }
0x165: {  	v27 =	vmul.f32 v27, v30;
	_ =	sdelay $0x1  }
0x166: {  	[tilespmem:v31+s3+$0x0] =	vst.idx.msk $0xffff, v27  }
0x167: {  	v27 =	vld.idx.msk [tilespmem:v28+s3+$0x0], $0xffff;
	_ =	sdelay $0x2  }
0x168: {  	v30 =	vperm.xlane v29, v23;
	v31 =	vor.u32 v14, v26;
	_ =	sdelay $0x1  }
0x169: {  	v27 =	vmul.f32 v27, v30;
	_ =	sdelay $0x1  }
0x16a: {  	[tilespmem:v28+s3+$0x0] =	vst.idx.msk $0xffff, v27  }
0x16b: {  	v27 =	vld.idx.msk [tilespmem:v31+s3+$0x0], $0xffff;
	_ =	sdelay $0x2  }
0x16c: {  	v28 =	vor.u32 v15, v26;
	_ =	sdelay $0x1  }
0x16d: {  	v27 =	vmul.f32 v27, v30;
	_ =	sdelay $0x1  }
0x16e: {  	[tilespmem:v31+s3+$0x0] =	vst.idx.msk $0xffff, v27  }
0x16f: {  	v27 =	vld.idx.msk [tilespmem:v28+s3+$0x0], $0xffff;
	_ =	sdelay $0x2  }
0x170: {  	v30 =	vperm.xlane v29, v24;
	v31 =	vor.u32 v16, v26;
	_ =	sdelay $0x1  }
0x171: {  	v27 =	vmul.f32 v27, v30;
	_ =	sdelay $0x1  }
0x172: {  	[tilespmem:v28+s3+$0x0] =	vst.idx.msk $0xffff, v27  }
0x173: {  	v27 =	vld.idx.msk [tilespmem:v31+s3+$0x0], $0xffff;
	_ =	sdelay $0x2  }
0x174: {  	v28 =	vor.u32 v17, v26;
	_ =	sdelay $0x1  }
0x175: {  	v27 =	vmul.f32 v27, v30;
	_ =	sdelay $0x1  }
0x176: {  	[tilespmem:v31+s3+$0x0] =	vst.idx.msk $0xffff, v27  }
0x177: {  	v30 =	vld.idx.msk [tilespmem:v28+s3+$0x0], $0xffff;
	_ =	sdelay $0x2  }
0x178: {  	v29 =	vperm.xlane v29, v25;
	v27 =	vor.u32 v18, v26;
	_ =	sdelay $0x1  }
0x179: {  	v26 =	vmul.f32 v30, v29;
	_ =	sdelay $0x1  }
0x17a: {  	[tilespmem:v28+s3+$0x0] =	vst.idx.msk $0xffff, v26  }
0x17b: {  	s31 =	simm.s32 $0x1;
	v30 =	vld.idx.msk [tilespmem:v27+s3+$0x0], $0xffff  }
0x17c: {  	v26 =	vmov s31  }
0x17d: {  	v28 =	vshll.u32 v26, $0x4  }
0x17e: {  	v28 =	vor.u32 v1, v28;
	_ =	sdelay $0x1  }
0x17f: {  	s0 =	simm.s32 $0x2;
	v26 =	vshll.u32 v26, $0x8;
	v29 =	vmul.f32 v30, v29  }
.LBB2_14:
0x180: {  	p0 =	sne.s32 s0, $0x138;
	s1 =	smov.u32 s0;
	s0 =	sadd.s32 $0x1, s0  }
0x181: {  	[tilespmem:v27+s3+$0x0] =	vst.idx.msk $0xffff, v29  }
0x182: {  	v27 =	vld.idx.msk [tilespmem:v28+s20+$0x0], $0xffff  }
0x183: {  	v28 =	vld.idx.msk [tilespmem:v28+s21+$0x0], $0xffff;
	_ =	sdelay $0x5  }
0x184: {  	v27 =	vadd.f32 v28, v27;
	_ =	sdelay $0x1  }
0x185: {  	v27 =	vadd.f32 $9.999999930e-09, v27;
	_ =	sdelay $0x1  }
0x186: {  	v28 =	vor.u32 v1, v26;
	(erf) = vrcp.f32 v27;
	_ =	sdelay $0x4  }
0x187: {  	v29 =	vld.idx.msk [tilespmem:v28+s3+$0x0], $0xffff;
	_ =	sdelay $0x3  }
0x188: {  	v30 =	vor.u32 v4, v26;
	v27 =	vpop (erf)  }
0x189: {  	v31 =	vperm.xlane v27, v3;
	_ =	sdelay $0x1  }
0x18a: {  	v29 =	vmul.f32 v29, v31;
	_ =	sdelay $0x1  }
0x18b: {  	[tilespmem:v28+s3+$0x0] =	vst.idx.msk $0xffff, v29  }
0x18c: {  	v28 =	vld.idx.msk [tilespmem:v30+s3+$0x0], $0xffff;
	_ =	sdelay $0x2  }
0x18d: {  	v29 =	vor.u32 v5, v26;
	_ =	sdelay $0x2  }
0x18e: {  	v28 =	vmul.f32 v28, v31;
	_ =	sdelay $0x1  }
0x18f: {  	[tilespmem:v30+s3+$0x0] =	vst.idx.msk $0xffff, v28  }
0x190: {  	v28 =	vld.idx.msk [tilespmem:v29+s3+$0x0], $0xffff;
	_ =	sdelay $0x2  }
0x191: {  	v31 =	vor.u32 v6, v26;
	v30 =	vperm.xlane v27, v20;
	_ =	sdelay $0x2  }
0x192: {  	v28 =	vmul.f32 v28, v30;
	_ =	sdelay $0x1  }
0x193: {  	[tilespmem:v29+s3+$0x0] =	vst.idx.msk $0xffff, v28  }
0x194: {  	v28 =	vld.idx.msk [tilespmem:v31+s3+$0x0], $0xffff;
	_ =	sdelay $0x2  }
0x195: {  	v29 =	vor.u32 v7, v26;
	_ =	sdelay $0x2  }
0x196: {  	v28 =	vmul.f32 v28, v30;
	_ =	sdelay $0x1  }
0x197: {  	[tilespmem:v31+s3+$0x0] =	vst.idx.msk $0xffff, v28  }
0x198: {  	v28 =	vld.idx.msk [tilespmem:v29+s3+$0x0], $0xffff;
	_ =	sdelay $0x2  }
0x199: {  	v30 =	vperm.xlane v27, v21;
	v31 =	vor.u32 v8, v26;
	_ =	sdelay $0x2  }
0x19a: {  	v28 =	vmul.f32 v28, v30;
	_ =	sdelay $0x1  }
0x19b: {  	[tilespmem:v29+s3+$0x0] =	vst.idx.msk $0xffff, v28  }
0x19c: {  	v28 =	vld.idx.msk [tilespmem:v31+s3+$0x0], $0xffff;
	_ =	sdelay $0x2  }
0x19d: {  	v29 =	vor.u32 v9, v26;
	_ =	sdelay $0x2  }
0x19e: {  	v28 =	vmul.f32 v28, v30;
	_ =	sdelay $0x1  }
0x19f: {  	[tilespmem:v31+s3+$0x0] =	vst.idx.msk $0xffff, v28  }
0x1a0: {  	v28 =	vld.idx.msk [tilespmem:v29+s3+$0x0], $0xffff;
	_ =	sdelay $0x2  }
0x1a1: {  	v30 =	vperm.xlane v27, v22;
	v31 =	vor.u32 v10, v26;
	_ =	sdelay $0x2  }
0x1a2: {  	v28 =	vmul.f32 v28, v30;
	_ =	sdelay $0x1  }
0x1a3: {  	[tilespmem:v29+s3+$0x0] =	vst.idx.msk $0xffff, v28  }
0x1a4: {  	v28 =	vld.idx.msk [tilespmem:v31+s3+$0x0], $0xffff;
	_ =	sdelay $0x2  }
0x1a5: {  	v29 =	vor.u32 v11, v26;
	_ =	sdelay $0x2  }
0x1a6: {  	v28 =	vmul.f32 v28, v30;
	_ =	sdelay $0x1  }
0x1a7: {  	[tilespmem:v31+s3+$0x0] =	vst.idx.msk $0xffff, v28  }
0x1a8: {  	v28 =	vld.idx.msk [tilespmem:v29+s3+$0x0], $0xffff;
	_ =	sdelay $0x2  }
0x1a9: {  	v30 =	vperm.xlane v27, v19;
	v31 =	vor.u32 v12, v26;
	_ =	sdelay $0x2  }
0x1aa: {  	v28 =	vmul.f32 v28, v30;
	_ =	sdelay $0x1  }
0x1ab: {  	[tilespmem:v29+s3+$0x0] =	vst.idx.msk $0xffff, v28  }
0x1ac: {  	v28 =	vld.idx.msk [tilespmem:v31+s3+$0x0], $0xffff;
	_ =	sdelay $0x2  }
0x1ad: {  	v29 =	vor.u32 v13, v26;
	_ =	sdelay $0x2  }
0x1ae: {  	v28 =	vmul.f32 v28, v30;
	_ =	sdelay $0x1  }
0x1af: {  	[tilespmem:v31+s3+$0x0] =	vst.idx.msk $0xffff, v28  }
0x1b0: {  	v28 =	vld.idx.msk [tilespmem:v29+s3+$0x0], $0xffff;
	_ =	sdelay $0x2  }
0x1b1: {  	v30 =	vperm.xlane v27, v23;
	v31 =	vor.u32 v14, v26;
	_ =	sdelay $0x2  }
0x1b2: {  	v28 =	vmul.f32 v28, v30;
	_ =	sdelay $0x1  }
0x1b3: {  	[tilespmem:v29+s3+$0x0] =	vst.idx.msk $0xffff, v28  }
0x1b4: {  	v28 =	vld.idx.msk [tilespmem:v31+s3+$0x0], $0xffff;
	_ =	sdelay $0x2  }
0x1b5: {  	v29 =	vor.u32 v15, v26;
	_ =	sdelay $0x2  }
0x1b6: {  	v28 =	vmul.f32 v28, v30;
	_ =	sdelay $0x1  }
0x1b7: {  	[tilespmem:v31+s3+$0x0] =	vst.idx.msk $0xffff, v28  }
0x1b8: {  	v28 =	vld.idx.msk [tilespmem:v29+s3+$0x0], $0xffff;
	_ =	sdelay $0x2  }
0x1b9: {  	v30 =	vperm.xlane v27, v24;
	v31 =	vor.u32 v16, v26;
	_ =	sdelay $0x2  }
0x1ba: {  	v28 =	vmul.f32 v28, v30;
	_ =	sdelay $0x1  }
0x1bb: {  	[tilespmem:v29+s3+$0x0] =	vst.idx.msk $0xffff, v28  }
0x1bc: {  	v28 =	vld.idx.msk [tilespmem:v31+s3+$0x0], $0xffff;
	_ =	sdelay $0x2  }
0x1bd: {  	v29 =	vor.u32 v17, v26;
	_ =	sdelay $0x2  }
0x1be: {  	v28 =	vmul.f32 v28, v30;
	_ =	sdelay $0x1  }
0x1bf: {  	[tilespmem:v31+s3+$0x0] =	vst.idx.msk $0xffff, v28  }
0x1c0: {  	v28 =	vld.idx.msk [tilespmem:v29+s3+$0x0], $0xffff;
	_ =	sdelay $0x2  }
0x1c1: {  	v30 =	vperm.xlane v27, v25;
	v27 =	vor.u32 v18, v26;
	_ =	sdelay $0x2  }
0x1c2: {  	v26 =	vmul.f32 v28, v30;
	_ =	sdelay $0x1  }
0x1c3: {  	[tilespmem:v29+s3+$0x0] =	vst.idx.msk $0xffff, v26  }
0x1c4: {  	v29 =	vld.idx.msk [tilespmem:v27+s3+$0x0], $0xffff;
	_ =	sdelay $0x1  }
.Ltmp11:
0x1c5: {  	v26 =	vmov s1;
	(pc) =	sbr.rel @p0 .LBB2_14-.Ltmp11, $3  }
0x1c6: {  	v28 =	vshll.u32 v26, $0x4;
	v26 =	vshll.u32 v26, $0x8  }
0x1c7: {  	v28 =	vor.u32 v1, v28;
	_ =	sdelay $0x1  }
0x1c8: {  	v29 =	vmul.f32 v29, v30  }
0x1c9: {  	_ =	sdelay $0x3  }
0x1ca: {  	[tilespmem:v27+s3+$0x0] =	vst.idx.msk $0xffff, v29  }
0x1cb: {  	v27 =	vld.idx.msk [tilespmem:v28+s20+$0x0], $0xffff  }
0x1cc: {  	v42 =	vld.idx.msk [tilespmem:v28+s21+$0x0], $0xffff;
	_ =	sdelay $0x4  }
0x1cd: {  	v27 =	vadd.f32 v42, v27;
	_ =	sdelay $0x1  }
0x1ce: {  	v27 =	vadd.f32 $9.999999930e-09, v27;
	_ =	sdelay $0x1  }
0x1cf: {  	(erf) = vrcp.f32 v27;
	_ =	sdelay $0x1  }
0x1d0: {  	v27 =	vor.u32 v1, v26;
	_ =	sdelay $0x4  }
0x1d1: {  	v43 =	vld.idx.msk [tilespmem:v27+s3+$0x0], $0xffff;
	_ =	sdelay $0x1  }
0x1d2: {  	v44 =	vpop (erf)  }
0x1d3: {  	v30 =	vor.u32 v4, v26;
	v31 =	vperm.xlane v44, v3;
	_ =	sdelay $0x1  }
0x1d4: {  	v28 =	vmul.f32 v43, v31;
	_ =	sdelay $0x1  }
0x1d5: {  	[tilespmem:v27+s3+$0x0] =	vst.idx.msk $0xffff, v28  }
0x1d6: {  	v27 =	vld.idx.msk [tilespmem:v30+s3+$0x0], $0xffff;
	_ =	sdelay $0x2  }
0x1d7: {  	v45 =	vor.u32 v5, v26;
	_ =	sdelay $0x1  }
0x1d8: {  	v27 =	vmul.f32 v27, v31;
	_ =	sdelay $0x1  }
0x1d9: {  	[tilespmem:v30+s3+$0x0] =	vst.idx.msk $0xffff, v27  }
0x1da: {  	v27 =	vld.idx.msk [tilespmem:v45+s3+$0x0], $0xffff;
	_ =	sdelay $0x2  }
0x1db: {  	v47 =	vor.u32 v6, v26;
	v46 =	vperm.xlane v44, v20;
	_ =	sdelay $0x1  }
0x1dc: {  	v27 =	vmul.f32 v27, v46;
	_ =	sdelay $0x1  }
0x1dd: {  	[tilespmem:v45+s3+$0x0] =	vst.idx.msk $0xffff, v27  }
0x1de: {  	v27 =	vld.idx.msk [tilespmem:v47+s3+$0x0], $0xffff;
	_ =	sdelay $0x2  }
0x1df: {  	v48 =	vor.u32 v7, v26;
	_ =	sdelay $0x1  }
0x1e0: {  	v27 =	vmul.f32 v27, v46;
	_ =	sdelay $0x1  }
0x1e1: {  	[tilespmem:v47+s3+$0x0] =	vst.idx.msk $0xffff, v27  }
0x1e2: {  	v27 =	vld.idx.msk [tilespmem:v48+s3+$0x0], $0xffff;
	_ =	sdelay $0x2  }
0x1e3: {  	v50 =	vor.u32 v8, v26;
	v49 =	vperm.xlane v44, v21;
	_ =	sdelay $0x1  }
0x1e4: {  	v27 =	vmul.f32 v27, v49;
	_ =	sdelay $0x1  }
0x1e5: {  	[tilespmem:v48+s3+$0x0] =	vst.idx.msk $0xffff, v27  }
0x1e6: {  	v27 =	vld.idx.msk [tilespmem:v50+s3+$0x0], $0xffff;
	_ =	sdelay $0x2  }
0x1e7: {  	v51 =	vor.u32 v9, v26;
	_ =	sdelay $0x1  }
0x1e8: {  	v27 =	vmul.f32 v27, v49;
	_ =	sdelay $0x1  }
0x1e9: {  	[tilespmem:v50+s3+$0x0] =	vst.idx.msk $0xffff, v27  }
0x1ea: {  	v27 =	vld.idx.msk [tilespmem:v51+s3+$0x0], $0xffff;
	_ =	sdelay $0x2  }
0x1eb: {  	v53 =	vor.u32 v10, v26;
	v52 =	vperm.xlane v44, v22;
	_ =	sdelay $0x1  }
0x1ec: {  	v27 =	vmul.f32 v27, v52;
	_ =	sdelay $0x1  }
0x1ed: {  	[tilespmem:v51+s3+$0x0] =	vst.idx.msk $0xffff, v27  }
0x1ee: {  	v27 =	vld.idx.msk [tilespmem:v53+s3+$0x0], $0xffff;
	_ =	sdelay $0x2  }
0x1ef: {  	v54 =	vor.u32 v11, v26;
	_ =	sdelay $0x1  }
0x1f0: {  	v27 =	vmul.f32 v27, v52;
	_ =	sdelay $0x1  }
0x1f1: {  	[tilespmem:v53+s3+$0x0] =	vst.idx.msk $0xffff, v27  }
0x1f2: {  	v27 =	vld.idx.msk [tilespmem:v54+s3+$0x0], $0xffff;
	_ =	sdelay $0x2  }
0x1f3: {  	v56 =	vor.u32 v12, v26;
	v55 =	vperm.xlane v44, v19;
	_ =	sdelay $0x1  }
0x1f4: {  	v27 =	vmul.f32 v27, v55;
	_ =	sdelay $0x1  }
0x1f5: {  	[tilespmem:v54+s3+$0x0] =	vst.idx.msk $0xffff, v27  }
0x1f6: {  	v27 =	vld.idx.msk [tilespmem:v56+s3+$0x0], $0xffff;
	_ =	sdelay $0x2  }
0x1f7: {  	v57 =	vor.u32 v13, v26;
	_ =	sdelay $0x1  }
0x1f8: {  	v27 =	vmul.f32 v27, v55;
	_ =	sdelay $0x1  }
0x1f9: {  	[tilespmem:v56+s3+$0x0] =	vst.idx.msk $0xffff, v27  }
0x1fa: {  	v27 =	vld.idx.msk [tilespmem:v57+s3+$0x0], $0xffff;
	_ =	sdelay $0x2  }
0x1fb: {  	v59 =	vor.u32 v14, v26;
	v58 =	vperm.xlane v44, v23;
	_ =	sdelay $0x1  }
0x1fc: {  	v27 =	vmul.f32 v27, v58;
	_ =	sdelay $0x1  }
0x1fd: {  	[tilespmem:v57+s3+$0x0] =	vst.idx.msk $0xffff, v27  }
0x1fe: {  	v27 =	vld.idx.msk [tilespmem:v59+s3+$0x0], $0xffff;
	_ =	sdelay $0x2  }
0x1ff: {  	v60 =	vor.u32 v15, v26;
	_ =	sdelay $0x1  }
0x200: {  	v27 =	vmul.f32 v27, v58;
	_ =	sdelay $0x1  }
0x201: {  	[tilespmem:v59+s3+$0x0] =	vst.idx.msk $0xffff, v27  }
0x202: {  	v27 =	vld.idx.msk [tilespmem:v60+s3+$0x0], $0xffff;
	_ =	sdelay $0x2  }
0x203: {  	v62 =	vor.u32 v16, v26;
	v61 =	vperm.xlane v44, v24;
	_ =	sdelay $0x1  }
0x204: {  	v27 =	vmul.f32 v27, v61;
	_ =	sdelay $0x1  }
0x205: {  	[tilespmem:v60+s3+$0x0] =	vst.idx.msk $0xffff, v27  }
0x206: {  	v27 =	vld.idx.msk [tilespmem:v62+s3+$0x0], $0xffff;
	_ =	sdelay $0x2  }
0x207: {  	v63 =	vor.u32 v17, v26;
	_ =	sdelay $0x1  }
0x208: {  	v27 =	vmul.f32 v27, v61;
	_ =	sdelay $0x1  }
0x209: {  	[tilespmem:v62+s3+$0x0] =	vst.idx.msk $0xffff, v27  }
0x20a: {  	v27 =	vld.idx.msk [tilespmem:v63+s3+$0x0], $0xffff;
	_ =	sdelay $0x2  }
0x20b: {  	v26 =	vor.u32 v18, v26;
	v29 =	vperm.xlane v44, v25;
	_ =	sdelay $0x1  }
0x20c: {  	v27 =	vmul.f32 v27, v29;
	_ =	sdelay $0x1  }
0x20d: {  	[tilespmem:v63+s3+$0x0] =	vst.idx.msk $0xffff, v27  }
0x20e: {  	v27 =	vld.idx.msk [tilespmem:v26+s3+$0x0], $0xffff;
	_ =	sdelay $0x4  }
0x20f: {  	s22 =	sadd.s32 $0x1, s22;
	v27 =	vmul.f32 v27, v29  }
0x210: {  	p0 =	sne.s32 s22, s11  }
.Ltmp12:
0x211: {  	[tilespmem:v26+s3+$0x0] =	vst.idx.msk $0xffff, v27;
	(pc) =	sbr.rel @p0 .LBB2_1-.Ltmp12, $4  }
0x212: {  	[hbm4b:s10+s3] =	stream.linear.scatter [tilespmem:s3], [sflag:$0x2], $0x13900, $0x38;
	[tilespmem:$0x1ED60] =	vst v63  }
0x213: {  	_ =	swait.ge [sflag:s12], $0x13900  }
0x214: {  	[sflag:s12] =	ssyncset.done $0x0  }
0x215: {  	[sflag:s12] =	ssyncadd.s32 $0xFFFEC700  }
0x216: {  	_ =	sfence.sel $0x180000  }
0x217: {  	[bflag:$0x0] =	sbarrier.arrive $0xFFFF  }
0x218: {  	_ =	strace $0x9000004D  }
0x219: {  	s0 =	stileid.u32;
	[bflag:$0x2] =	sbarrier.arrive $0xFFFF  }
0x21a: {  	p0 =	sne.s32 s0, $0x0;
	s0 =	rddreg [dreg:$0x2]  }
0x21b: {  	s0 =	sadd.s32 @!p0 $0x100000, s0  }
0x21c: {  	[sflag:s0] =	ssyncadd.tile.s32 @!p0 $0x1;
	_ =	shalt  }
.Lfunc_end2:
_tile_overlayer_lowered:
.L_overlay_start_2:
0x21d: {  	(tag) =	ssettag $0x2  }
0x21e: {  	s0 =	rddreg [dreg:$0x0];
	s2 =	stileid.u32  }
0x21f: {  	s1 =	rddreg [dreg:$0x1];
	p0 =	sne.s32 s2, $0x0  }
0x220: {  	s3 =	rddreg [dreg:$0x2];
	[bflag:$0x3] =	sbarrier.arrive $0xFFFF;
	s2 =	simm.s32 @!p0 $0x1C02  }
0x221: {  	[timem:s3], [sflag:s2] =	dma.local @!p0 [hbm:s0], s1  }
0x222: {  	s0 =	simm.s32 @!p0 $0x2  }
0x223: {  	_ =	swait.ge @!p0 [sflag:s0], s1  }
0x224: {  	s1 =	ssub.s32 @!p0 $0x0, s1;
	[sflag:s0] =	ssyncset.done @!p0 $0x0  }
0x225: {  	[sflag:s0] =	ssyncadd.s32 @!p0 s1  }
0x226: {  	[bflag:$0x3] =	sbarrier.arrive $0xFFFF  }
0x227: {  	_ =	shalt  }

// kernel: kernel.6.cloned.1.call-start
scs
__scs_entry_jumppad:
0x0: {  	(pc) =	sbr.rel $0x88, $3  }
0x1: {  	(tag) =	ssettag $0x0;
	lr =	simm.s32 $0x1  }
0x2: {  	[smem:$0x3F9D] =	sst lr;
	_ =	strace $0xD0000000  }
0x3: {  	_ = 	snop  }
0x4: {  	_ = 	snop  }
0x5: {  	_ = 	snop  }
0x6: {  	_ = 	snop  }
0x7: {  	_ = 	snop  }
__scs_overlays_trampoline_lowered:
0x8: {  	[smem:$0x3FAC] =	sst s0  }
0x9: {  	[smem:$0x3FAD] =	sst s1  }
0xa: {  	[smem:$0x3FAE] =	sst s2  }
0xb: {  	[smem:$0x3FAF] =	sst s3  }
0xc: {  	[smem:$0x3FB0] =	sst s4  }
0xd: {  	[smem:$0x3FB1] =	sst s5  }
0xe: {  	[smem:$0x3FB2] =	sst s6  }
0xf: {  	[smem:$0x3FB3] =	sst s7  }
0x10: {  	[smem:$0x3FB4] =	sst s8  }
0x11: {  	[smem:$0x3FB5] =	sst s9;
	s0 =	simm.s32 @!p0 $0x0  }
0x12: {  	s1 =	sld [smem:$0x3F9B];
	s0 =	simm.s32 @p0 $0x1  }
0x13: {  	[smem:$0x3FB6] =	sst s0;
	s0 =	simm.s32 @!p1 $0x0  }
0x14: {  	s2 =	sld [smem:$0x3F9A];
	s0 =	simm.s32 @p1 $0x1  }
0x15: {  	[smem:$0x3FB7] =	sst s0;
	s0 =	simm.s32 @!p2 $0x0  }
0x16: {  	s3 =	sld [smem:$0x3FDB];
	s0 =	simm.s32 @p2 $0x1  }
0x17: {  	s4 =	simm.s32 $0x1BF5;
	[smem:$0x3FB9] =	sst s0  }
0x18: {  	s0 =	sld [smem:$0x3F9C];
	_ =	swait.ge [sflag:s4], $0x0  }
0x19: {  	s7 =	sld [smem:$0x3F9D]  }
0x1a: {  	s8 =	sadd.s32 $0xFFFFE003, lr  }
0x1b: {  	s9 =	sadd.s32 $0xFFFFFEF7, lr;
	s5 =	simm.s32 $0xFFFFFFFF;
	p2 =	slt.u32 s8, $0xFFFFF086  }
0x1c: {  	p1 =	slt.u32 s9, $0xF7A;
	s5 =	simm.s32 @!p2 $0x0  }
0x1d: {  	s5 =	simm.s32 @p1 $0x1;
	p0 =	seq.s32 s7, s2  }
0x1e: {  	s7 =	smul.u32 @!p0 $0xF7A, s2;
	p2 =	seq.s32 @!p0 s5, $0x0  }
0x1f: {  	s9 =	smul.u32 $0xF7A, s1;
	s8 =	simm.s32 @!p0 $0x1BF5;
	p2 =	por !p2, p0  }
0x20: {  	[sflag:s8] =	ssyncset.s32 @!p0 $0xFFFFF086;
	s6 =	sadd.s32 @!p0 s3, s7;
	s7 =	simm.s32 @!p0 $0x108  }
0x21: {  	s3 =	sadd.s32 s3, s9;
	s6 =	sadd.s32 @!p0 $0x88, s6;
	s7 =	simm.s32 @p2 $0x1082  }
0x22: {  	[simem:s7], [sflag:s8] =	dma.local @!p0 [hbm:s6], $0xF7A  }
0x23: {  	s9 =	sor.u32 $0xD0000000, s2;
	s6 =	simm.s32 $0x108;
	_ =	swait.ge @!p0 [sflag:s8], $0x0  }
0x24: {  	s3 =	sadd.s32 $0x88, s3;
	s6 =	simm.s32 @!p1 $0x1082;
	[sflag:s4] =	ssyncset.s32 $0xFFFFF086  }
0x25: {  	[simem:s6], [sflag:s4] =	dma.local [hbm:s3], $0xF7A  }
0x26: {  	[smem:$0x3F9D] =	sst s1;
	(tag) =	ssettag s2;
	_ =	strace s9  }
0x27: {  	s1 =	sld [smem:$0x3FAD]  }
0x28: {  	s2 =	sld [smem:$0x3FAE]  }
0x29: {  	s4 =	sld [smem:$0x3FB0]  }
0x2a: {  	p0 =	seq.s32 s5, $0x0;
	s5 =	sld [smem:$0x3FB1]  }
0x2b: {  	s6 =	sld [smem:$0x3FB2]  }
0x2c: {  	s7 =	sld [smem:$0x3FB3]  }
0x2d: {  	s3 =	simm.s32 $0x108;
	s8 =	sld [smem:$0x3FB4]  }
0x2e: {  	s3 =	simm.s32 @!p0 $0x1082;
	s9 =	sld [smem:$0x3FB5]  }
0x2f: {  	lr =	sadd.s32 s0, s3;
	s0 =	sld [smem:$0x3FAC]  }
0x30: {  	s3 =	sld [smem:$0x3FAF]  }
0x31: {  	[smem:$0x3FB8] =	sst s10  }
0x32: {  	s10 =	sld [smem:$0x3FB6];
	_ =	sdelay $0x3  }
0x33: {  	p0 =	seq.s32 s10, $0x1;
	s10 =	sld [smem:$0x3FB8];
	_ =	sdelay $0x3  }
0x34: {  	[smem:$0x3FB8] =	sst s10  }
0x35: {  	s10 =	sld [smem:$0x3FB7];
	_ =	sdelay $0x3  }
0x36: {  	p1 =	seq.s32 s10, $0x1;
	s10 =	sld [smem:$0x3FB8];
	_ =	sdelay $0x3  }
0x37: {  	[smem:$0x3FB8] =	sst s10  }
0x38: {  	s10 =	sld [smem:$0x3FB9]  }
0x39: {  	_ = 	snop;
	(pc) =	sbr.ind lr, $3  }
0x3a: {  	_ = 	snop  }
0x3b: {  	_ = 	snop  }
0x3c: {  	p2 =	seq.s32 s10, $0x1;
	s10 =	sld [smem:$0x3FB8]  }
0x3d: {  	_ =	shalt  }
0x3e: {  	_ =	shalt  }
0x3f: {  	_ =	shalt  }
0x40: {  	_ =	shalt  }
0x41: {  	_ =	shalt  }
0x42: {  	_ =	shalt  }
0x43: {  	_ =	shalt  }
0x44: {  	_ =	shalt  }
0x45: {  	_ =	shalt  }
0x46: {  	_ =	shalt  }
0x47: {  	_ =	shalt  }
0x48: {  	_ =	shalt  }
0x49: {  	_ =	shalt  }
0x4a: {  	_ =	shalt  }
0x4b: {  	_ =	shalt  }
0x4c: {  	_ =	shalt  }
0x4d: {  	_ =	shalt  }
0x4e: {  	_ =	shalt  }
0x4f: {  	_ =	shalt  }
0x50: {  	_ =	shalt  }
0x51: {  	_ =	shalt  }
0x52: {  	_ =	shalt  }
0x53: {  	_ =	shalt  }
0x54: {  	_ =	shalt  }
0x55: {  	_ =	shalt  }
0x56: {  	_ =	shalt  }
0x57: {  	_ =	shalt  }
0x58: {  	_ =	shalt  }
0x59: {  	_ =	shalt  }
0x5a: {  	_ =	shalt  }
0x5b: {  	_ =	shalt  }
0x5c: {  	_ =	shalt  }
0x5d: {  	_ =	shalt  }
0x5e: {  	_ =	shalt  }
0x5f: {  	_ =	shalt  }
0x60: {  	_ =	shalt  }
0x61: {  	_ =	shalt  }
0x62: {  	_ =	shalt  }
0x63: {  	_ =	shalt  }
0x64: {  	_ =	shalt  }
0x65: {  	_ =	shalt  }
0x66: {  	_ =	shalt  }
0x67: {  	_ =	shalt  }
0x68: {  	_ =	shalt  }
0x69: {  	_ =	shalt  }
0x6a: {  	_ =	shalt  }
0x6b: {  	_ =	shalt  }
0x6c: {  	_ =	shalt  }
0x6d: {  	_ =	shalt  }
0x6e: {  	_ =	shalt  }
0x6f: {  	_ =	shalt  }
0x70: {  	_ =	shalt  }
0x71: {  	_ =	shalt  }
0x72: {  	_ =	shalt  }
0x73: {  	_ =	shalt  }
0x74: {  	_ =	shalt  }
0x75: {  	_ =	shalt  }
0x76: {  	_ =	shalt  }
0x77: {  	_ =	shalt  }
0x78: {  	_ =	shalt  }
0x79: {  	_ =	shalt  }
0x7a: {  	_ =	shalt  }
0x7b: {  	_ =	shalt  }
0x7c: {  	_ =	shalt  }
0x7d: {  	_ =	shalt  }
0x7e: {  	_ =	shalt  }
0x7f: {  	_ =	shalt  }
0x80: {  	_ =	shalt  }
0x81: {  	_ =	shalt  }
0x82: {  	_ =	shalt  }
0x83: {  	_ =	shalt  }
0x84: {  	_ =	shalt  }
0x85: {  	_ =	shalt  }
0x86: {  	_ =	shalt  }
0x87: {  	_ =	shalt  }
.Lfunc_end0:
.L_simem_size_0:
called_computation_lowered:
.L_overlay_start_0:
0x88: {  	s2 =	sld [smem:$0x3FD9]  }
0x89: {  	s3 =	sld [smem:$0x3FFE];
	_ =	sdelay $0x1  }
0x8a: {  	s1 =	srdreg.scid  }
0x8b: {  	s0 =	sand.u32 $0x1, s1  }
0x8c: {  	s16 =	sshll.u32 s0, $0xA;
	s2 =	sadd.s32 s3, s2  }
0x8d: {  	s2 =	sadd.s32 s2, s16  }
0x8e: {  	[smem:$0x3FC4] =	sst s2  }
0x8f: {  	_ = 	snop  }
0x90: {  	(tm) =	ssettm $0x1  }
0x91: {  	s17 =	sld [smem:$0x3FFB];
	_ =	sdelay $0x3  }
0x92: {  	_ =	strace s17  }
0x93: {  	s2 =	sld [smem:$0x3FFC];
	_ =	sdelay $0x3  }
0x94: {  	_ =	strace s2  }
0x95: {  	s2 =	sld [smem:$0x3FFD];
	_ =	sdelay $0x3  }
0x96: {  	_ =	strace s2  }
0x97: {  	_ =	strace $0x8FFFFFFF  }
0x98: {  	s18 =	sld [smem:$0x3FDB];
	_ =	sdelay $0x1  }
0x99: {  	s19 =	simm.s32 $_scs_section_size  }
0x9a: {  	s4 =	simm.s32 $_size__tile_overlayer_lowered;
	s5 =	simm.s32 $_tile_overlayer_lowered  }
0x9b: {  	s22 =	simm.s32 $0x1BFF;
	s21 =	sshll.u32 s5, $0x1;
	s2 =	sadd.s32 s19, s18  }
0x9c: {  	s6 =	simm.s32 $0x0;
	s20 =	sshll.u32 s4, $0x1;
	s4 =	sadd.s32 s21, s2  }
0x9d: {  	[timem:s6], [sflag:s22] =	dma.local [hbm:s4], s20  }
0x9e: {  	_ =	swait.ge [sflag:s22], s20  }
0x9f: {  	s3 =	ssub.s32 $0x0, s20;
	[sflag:s22] =	ssyncset.done $0x0  }
0xa0: {  	[sflag:s22] =	ssyncadd.s32 s3;
	_ =	sdelay $0x1  }
0xa1: {  	s23 =	simm.s32 $0x1B8B  }
0xa2: {  	_ =	swait.ge [sflag:s23], $0x1  }
0xa3: {  	[sflag:s23] =	ssyncset.done $0x0  }
0xa4: {  	s25 =	simm.s32 $0x1B8E;
	s24 =	sld [smem:$0x3FFE];
	[sflag:s23] =	ssyncadd.s32 $0xFFFFFFFF  }
0xa5: {  	s26 =	simm.s32 $execute0_lowered;
	[smem:$0x3FD2] =	sst s25  }
0xa6: {  	s4 =	sshll.u32 s26, $0x1;
	_ =	strace $0x80000046;
	[dreg:$0x1] =	wrdreg $0xFFFFFFFF  }
0xa7: {  	s28 =	simm.s32 $_size_execute0_lowered;
	s2 =	sadd.s32 s2, s4;
	[dreg:$0x0] =	wrdreg $0x0  }
0xa8: {  	s4 =	sshll.u32 s28, $0x1;
	[dreg:$0x2] =	wrdreg s2  }
0xa9: {  	[dreg:$0x3] =	wrdreg s4  }
0xaa: {  	[dreg:$0x4] =	wrdreg $0xC0  }
0xab: {  	_ =	task [dreg:s6], $0x5FFFF  }
0xac: {  	[dreg:$0x1] =	wrdreg $0xFFFFFFFF  }
0xad: {  	[dreg:$0x0] =	wrdreg $0x60  }
0xae: {  	[dreg:$0x2] =	wrdreg s24  }
0xaf: {  	[dreg:$0x3] =	wrdreg $0x9  }
0xb0: {  	_ =	task.clear_ibuf [dreg:s6], $0x4FFFF;
	_ =	strace $0x90000046  }
0xb1: {  	s29 =	simm.s32 $0x9;
	_ =	strace $0x80000048  }
0xb2: {  	_ =	swait.ge [sflag:s29], $0x1  }
0xb3: {  	[sflag:s29] =	ssyncadd.s32 $0xFFFFFFFF  }
0xb4: {  	_ =	strace $0x90000048  }
0xb5: {  	_ =	sfence  }
0xb6: {  	s30 =	sld [smem:$0x0];
	_ =	sdelay $0x2  }
0xb7: {  	s31 =	sshll.u32 s1, $0xD;
	s1 =	sshrl.u32 s1, $0x2  }
0xb8: {  	s3 =	sand.u32 $0x4000, s31;
	s1 =	sadd.s32 s1, s30  }
0xb9: {  	s0 =	sor.u32 s3, s0;
	s1 =	sshll.u32 s1, $0x11  }
0xba: {  	s0 =	sor.u32 s1, s0  }
0xbb: {  	s0 =	sadd.s32 $0x8F2B, s0  }
0xbc: {  	[sflag:s0] =	ssyncadd.remote.s32 $0x1  }
0xbd: {  	_ =	sfence.sel $0xFFFF  }
0xbe: {  	[dreg:$0x0] =	wrdreg $0xFFFFFFFF;
	(pc) =	sbr.abs _section_cstart, $3  }
0xbf: {  	[dreg:$0x1] =	wrdreg $0xFFFFFFFF  }
0xc0: {  	_ =	task.clear_ibuf [dreg:s6], $0x2FFFF;
	_ =	strace $0x9FFFFFFF  }
0xc1: {  	(tm) =	ssettm $0x7FFFFFFF  }
tec
execute0_lowered:
.L_overlay_start_1:
0x0: {  	(tag) =	ssettag $0x1  }
0x1: {  	s8 =	rddreg [dreg:$0x0]  }
0x2: {  	s0 =	rddreg [dreg:$0x1];
	s1 =	simm.s32 $0x0  }
0x3: {  	s6 =	srdreg.scid;
	s2 =	stileid.u32;
	s13 =	simm.s32 $0x320  }
0x4: {  	s14 =	simm.s32 $0x1C20;
	s15 =	simm.s32 $0x3520;
	s16 =	simm.s32 $0x2  }
0x5: {  	s17 =	simm.s32 $0x0;
	[smem:$0x7FF] =	sst s1;
	s3 =	sadd.s32 $0x16000, s8  }
0x6: {  	s4 =	sadd.s32 $0xC200, s8;
	s7 =	sand.u32 $0x1, s6;
	s9 =	sshll.u32 s2, $0x1  }
0x7: {  	s5 =	sadd.s32 $0x7200, s8;
	s6 =	sadd.s32 $0x2200, s8;
	s9 =	sor.u32 s7, s9  }
0x8: {  	_ =	strace $0x80000047;
	s10 =	ssub.s32 $0x2, s7;
	s11 =	sshll.u32 s9, $0x1  }
0x9: {  	s7 =	sadd.s32 $0x1FE00, s8;
	s12 =	sshrl.u32 s10, $0x1;
	s11 =	sadd.s32 s11, s8  }
0xa: {  	s10 =	ssub.s32 s10, s12;
	s8 =	smul.u32 $0x2710, s9;
	s12 =	simm.s32 $0x1  }
0xb: {  	v0 =	vlaneseq.u32;
	vm0 =	vmmov $0xff;
	s9 =	sadd.s32 $0xBC200, s11;
	s10 =	smax.u32 s10, $0x1;
	s11 =	simm.s32 $0x190  }
.LBB2_1:
0xc: {  	v1 =	vimm.f32 $-3.399999950e+38;
	s18 =	simm.s32 $0x0  }
.LBB2_2:
0xd: {  	s19 =	smul.u32 $0x190, s18;
	_ =	sdelay $0x1  }
0xe: {  	s19 =	sadd.s32 s8, s19  }
0xf: {  	s20 =	sshrl.u32 s19, $0x3  }
0x10: {  	s22 =	simm.s32 $0x0;
	s21 =	sadd.s32 s3, s20  }
0x11: {  	[tilespmem:s22], [sflag:$0x1] =	stream.linear.gather [hbm4b:s21+s22], $0x190, $0x38;
	[tilespmem:$0x4E20] =	vst v63  }
0x12: {  	s20 =	sadd.s32 s4, s20  }
0x13: {  	[tilespmem:s11], [sflag:$0x1] =	stream.linear.gather [hbm4b:s20+s22], $0x190, $0x38;
	[tilespmem:$0x4E20] =	vst v63  }
0x14: {  	_ =	swait.ge [sflag:s12], $0x190  }
0x15: {  	[sflag:s12] =	ssyncset.done $0x0  }
0x16: {  	[sflag:s12] =	ssyncadd.s32 $0xFFFFFE70  }
0x17: {  	_ =	swait.ge [sflag:s12], $0x190  }
0x18: {  	[sflag:s12] =	ssyncset.done $0x0  }
0x19: {  	[sflag:s12] =	ssyncadd.s32 $0xFFFFFE70  }
0x1a: {  	[tilespmem:s13], [sflag:$0x1] =	stream.indirect.gather [hbm4b:s5+s11], $0x10, s22, s11, $0xb8;
	[tilespmem:$0x4E20] =	vst v63  }
0x1b: {  	_ = 	snop  }
0x1c: {  	[tilespmem:s14], [sflag:$0x1] =	stream.indirect.gather [hbm4b:s6+s11], $0x10, s11, s11, $0xb8;
	[tilespmem:$0x4E20] =	vst v63  }
0x1d: {  	s30 =	simm.s32 $0x0;
	_ =	swait.ge [sflag:s12], $0x1900  }
0x1e: {  	v2 =	vor.u32 s30, v0;
	[sflag:s12] =	ssyncset.done $0x0  }
0x1f: {  	[sflag:s12] =	ssyncadd.s32 $0xFFFFE700  }
0x20: {  	_ =	swait.ge [sflag:s12], $0x1900  }
0x21: {  	[sflag:s12] =	ssyncset.done $0x0  }
0x22: {  	[sflag:s12] =	ssyncadd.s32 $0xFFFFE700  }
0x23: {  	v3 =	vld.idx.msk [tilespmem:v2+s14+$0x0], $0xffff  }
0x24: {  	v2 =	vld.idx.msk [tilespmem:v2+s13+$0x0], $0xffff;
	_ =	sdelay $0x1  }
0x25: {  	s31 =	simm.s32 $0x10  }
0x26: {  	v4 =	vor.u32 s31, v0;
	_ =	sdelay $0x1  }
0x27: {  	v2 =	vadd.f32 v3, v2  }
0x28: {  	s20 =	simm.s32 $0x3520  }
0x29: {  	[tilespmem:s20+$0x0] =	vst v2  }
0x2a: {  	v3 =	vnsel vm0, $0xFF7FC99E, v2;
	v2 =	vld.idx.msk [tilespmem:v4+s14+$0x0], $0xffff  }
0x2b: {  	v1 =	vmax.f32 v1, v3;
	v3 =	vld.idx.msk [tilespmem:v4+s13+$0x0], $0xffff;
	_ =	sdelay $0x1  }
0x2c: {  	s21 =	simm.s32 $0x3;
	s22 =	simm.s32 $0x20  }
.LBB2_3:
0x2d: {  	p0 =	sne.s32 s21, $0x18F;
	v4 =	vor.u32 s22, v0;
	_ =	sdelay $0x1  }
0x2e: {  	v2 =	vadd.f32 v2, v3  }
0x2f: {  	s20 =	sadd.s32 $0x10, s20  }
0x30: {  	v3 =	vnsel vm0, $0xFF7FC99E, v2;
	[tilespmem:s20+$0x0] =	vst v2  }
.Ltmp0:
0x31: {  	v1 =	vmax.f32 v1, v3;
	v2 =	vld.idx.msk [tilespmem:v4+s14+$0x0], $0xffff;
	(pc) =	sbr.rel @p0 .LBB2_3-.Ltmp0, $2  }
0x32: {  	v3 =	vld.idx.msk [tilespmem:v4+s13+$0x0], $0xffff;
	_ =	sdelay $0x2  }
0x33: {  	s22 =	sshll.u32 s21, $0x4;
	s21 =	sadd.s32 $0x1, s21  }
0x34: {  	v4 =	vor.u32 s22, v0;
	_ =	sdelay $0x1  }
0x35: {  	v2 =	vadd.f32 v2, v3  }
0x36: {  	s20 =	sadd.s32 $0x10, s20  }
0x37: {  	[tilespmem:s20+$0x0] =	vst v2  }
0x38: {  	v3 =	vld.idx.msk [tilespmem:v4+s14+$0x0], $0xffff  }
0x39: {  	v4 =	vld.idx.msk [tilespmem:v4+s13+$0x0], $0xffff;
	_ =	sdelay $0x4  }
0x3a: {  	s18 =	sadd.s32 $0x1, s18;
	v3 =	vadd.f32 v3, v4  }
0x3b: {  	s19 =	sshll.u32 s19, $0x1;
	p0 =	sne.s32 s18, $0x19;
	s20 =	sadd.s32 $0x10, s20  }
.Ltmp1:
0x3c: {  	s19 =	sadd.s32 s7, s19;
	[tilespmem:s20+$0x0] =	vst v3;
	(pc) =	sbr.rel @p0 .LBB2_2-.Ltmp1, $4  }
0x3d: {  	[hbm4b:s19+s1] =	stream.linear.scatter [tilespmem:s15], [sflag:$0x2], $0x1900, $0x38;
	[tilespmem:$0x4E20] =	vst v63  }
0x3e: {  	v2 =	vnsel vm0, $0xFF7FC99E, v2;
	_ =	swait.ge [sflag:s16], $0x1900  }
0x3f: {  	v1 =	vmax.f32 v1, v2;
	v2 =	vnsel vm0, $0xFF7FC99E, v3;
	[sflag:s16] =	ssyncset.done $0x0  }
0x40: {  	v1 =	vmax.f32 v1, v2;
	[sflag:s16] =	ssyncadd.s32 $0xFFFFE700  }
0x41: {  	s17 =	sadd.s32 $0x1, s17  }
0x42: {  	p0 =	sne.s32 s17, s10  }
.Ltmp2:
0x43: {  	[tilespmem:$0x3520] =	vst v1;
	(pc) =	sbr.rel @p0 .LBB2_1-.Ltmp2, $4  }
0x44: {  	[hbm4b:s9+s1] =	stream.linear.scatter [tilespmem:s15], [sflag:$0x2], $0x10, $0x38;
	[tilespmem:$0x4E20] =	vst v63  }
0x45: {  	_ =	swait.ge [sflag:s16], $0x10  }
0x46: {  	[sflag:s16] =	ssyncset.done $0x0  }
0x47: {  	[sflag:s16] =	ssyncadd.s32 $0xFFFFFFF0  }
0x48: {  	_ =	sfence.sel $0x180000  }
0x49: {  	[bflag:$0x0] =	sbarrier.arrive $0xFFFF  }
0x4a: {  	p0 =	sne.s32 s2, $0x0;
	_ =	strace $0x90000047  }
0x4b: {  	s0 =	sadd.s32 @!p0 $0x100000, s0;
	[bflag:$0x2] =	sbarrier.arrive $0xFFFF  }
0x4c: {  	[sflag:s0] =	ssyncadd.tile.s32 @!p0 $0x1;
	_ =	shalt  }
.Lfunc_end2:
_tile_overlayer_lowered:
.L_overlay_start_2:
0x4d: {  	(tag) =	ssettag $0x2  }
0x4e: {  	s0 =	rddreg [dreg:$0x0];
	s2 =	stileid.u32  }
0x4f: {  	s1 =	rddreg [dreg:$0x1];
	p0 =	sne.s32 s2, $0x0  }
0x50: {  	s3 =	rddreg [dreg:$0x2];
	[bflag:$0x3] =	sbarrier.arrive $0xFFFF;
	s2 =	simm.s32 @!p0 $0x1C02  }
0x51: {  	[timem:s3], [sflag:s2] =	dma.local @!p0 [hbm:s0], s1  }
0x52: {  	s0 =	simm.s32 @!p0 $0x2  }
0x53: {  	_ =	swait.ge @!p0 [sflag:s0], s1  }
0x54: {  	s1 =	ssub.s32 @!p0 $0x0, s1;
	[sflag:s0] =	ssyncset.done @!p0 $0x0  }
0x55: {  	[sflag:s0] =	ssyncadd.s32 @!p0 s1  }
0x56: {  	[bflag:$0x3] =	sbarrier.arrive $0xFFFF  }
0x57: {  	_ =	shalt  }

// kernel: kernel.9.cloned.1.call-start
scs
__scs_entry_jumppad:
0x0: {  	(pc) =	sbr.rel $0x88, $3  }
0x1: {  	(tag) =	ssettag $0x0;
	lr =	simm.s32 $0x1  }
0x2: {  	[smem:$0x3F9D] =	sst lr;
	_ =	strace $0xD0000000  }
0x3: {  	_ = 	snop  }
0x4: {  	_ = 	snop  }
0x5: {  	_ = 	snop  }
0x6: {  	_ = 	snop  }
0x7: {  	_ = 	snop  }
__scs_overlays_trampoline_lowered:
0x8: {  	[smem:$0x3FAC] =	sst s0  }
0x9: {  	[smem:$0x3FAD] =	sst s1  }
0xa: {  	[smem:$0x3FAE] =	sst s2  }
0xb: {  	[smem:$0x3FAF] =	sst s3  }
0xc: {  	[smem:$0x3FB0] =	sst s4  }
0xd: {  	[smem:$0x3FB1] =	sst s5  }
0xe: {  	[smem:$0x3FB2] =	sst s6  }
0xf: {  	[smem:$0x3FB3] =	sst s7  }
0x10: {  	[smem:$0x3FB4] =	sst s8  }
0x11: {  	[smem:$0x3FB5] =	sst s9;
	s0 =	simm.s32 @!p0 $0x0  }
0x12: {  	s1 =	sld [smem:$0x3F9B];
	s0 =	simm.s32 @p0 $0x1  }
0x13: {  	[smem:$0x3FB6] =	sst s0;
	s0 =	simm.s32 @!p1 $0x0  }
0x14: {  	s2 =	sld [smem:$0x3F9A];
	s0 =	simm.s32 @p1 $0x1  }
0x15: {  	[smem:$0x3FB7] =	sst s0;
	s0 =	simm.s32 @!p2 $0x0  }
0x16: {  	s3 =	sld [smem:$0x3FDB];
	s0 =	simm.s32 @p2 $0x1  }
0x17: {  	s4 =	simm.s32 $0x1BF5;
	[smem:$0x3FB9] =	sst s0  }
0x18: {  	s0 =	sld [smem:$0x3F9C];
	_ =	swait.ge [sflag:s4], $0x0  }
0x19: {  	s7 =	sld [smem:$0x3F9D]  }
0x1a: {  	s8 =	sadd.s32 $0xFFFFE003, lr  }
0x1b: {  	s9 =	sadd.s32 $0xFFFFFEF7, lr;
	s5 =	simm.s32 $0xFFFFFFFF;
	p2 =	slt.u32 s8, $0xFFFFF086  }
0x1c: {  	p1 =	slt.u32 s9, $0xF7A;
	s5 =	simm.s32 @!p2 $0x0  }
0x1d: {  	s5 =	simm.s32 @p1 $0x1;
	p0 =	seq.s32 s7, s2  }
0x1e: {  	s7 =	smul.u32 @!p0 $0xF7A, s2;
	p2 =	seq.s32 @!p0 s5, $0x0  }
0x1f: {  	s9 =	smul.u32 $0xF7A, s1;
	s8 =	simm.s32 @!p0 $0x1BF5;
	p2 =	por !p2, p0  }
0x20: {  	[sflag:s8] =	ssyncset.s32 @!p0 $0xFFFFF086;
	s6 =	sadd.s32 @!p0 s3, s7;
	s7 =	simm.s32 @!p0 $0x108  }
0x21: {  	s3 =	sadd.s32 s3, s9;
	s6 =	sadd.s32 @!p0 $0x88, s6;
	s7 =	simm.s32 @p2 $0x1082  }
0x22: {  	[simem:s7], [sflag:s8] =	dma.local @!p0 [hbm:s6], $0xF7A  }
0x23: {  	s9 =	sor.u32 $0xD0000000, s2;
	s6 =	simm.s32 $0x108;
	_ =	swait.ge @!p0 [sflag:s8], $0x0  }
0x24: {  	s3 =	sadd.s32 $0x88, s3;
	s6 =	simm.s32 @!p1 $0x1082;
	[sflag:s4] =	ssyncset.s32 $0xFFFFF086  }
0x25: {  	[simem:s6], [sflag:s4] =	dma.local [hbm:s3], $0xF7A  }
0x26: {  	[smem:$0x3F9D] =	sst s1;
	(tag) =	ssettag s2;
	_ =	strace s9  }
0x27: {  	s1 =	sld [smem:$0x3FAD]  }
0x28: {  	s2 =	sld [smem:$0x3FAE]  }
0x29: {  	s4 =	sld [smem:$0x3FB0]  }
0x2a: {  	p0 =	seq.s32 s5, $0x0;
	s5 =	sld [smem:$0x3FB1]  }
0x2b: {  	s6 =	sld [smem:$0x3FB2]  }
0x2c: {  	s7 =	sld [smem:$0x3FB3]  }
0x2d: {  	s3 =	simm.s32 $0x108;
	s8 =	sld [smem:$0x3FB4]  }
0x2e: {  	s3 =	simm.s32 @!p0 $0x1082;
	s9 =	sld [smem:$0x3FB5]  }
0x2f: {  	lr =	sadd.s32 s0, s3;
	s0 =	sld [smem:$0x3FAC]  }
0x30: {  	s3 =	sld [smem:$0x3FAF]  }
0x31: {  	[smem:$0x3FB8] =	sst s10  }
0x32: {  	s10 =	sld [smem:$0x3FB6];
	_ =	sdelay $0x3  }
0x33: {  	p0 =	seq.s32 s10, $0x1;
	s10 =	sld [smem:$0x3FB8];
	_ =	sdelay $0x3  }
0x34: {  	[smem:$0x3FB8] =	sst s10  }
0x35: {  	s10 =	sld [smem:$0x3FB7];
	_ =	sdelay $0x3  }
0x36: {  	p1 =	seq.s32 s10, $0x1;
	s10 =	sld [smem:$0x3FB8];
	_ =	sdelay $0x3  }
0x37: {  	[smem:$0x3FB8] =	sst s10  }
0x38: {  	s10 =	sld [smem:$0x3FB9]  }
0x39: {  	_ = 	snop;
	(pc) =	sbr.ind lr, $3  }
0x3a: {  	_ = 	snop  }
0x3b: {  	_ = 	snop  }
0x3c: {  	p2 =	seq.s32 s10, $0x1;
	s10 =	sld [smem:$0x3FB8]  }
0x3d: {  	_ =	shalt  }
0x3e: {  	_ =	shalt  }
0x3f: {  	_ =	shalt  }
0x40: {  	_ =	shalt  }
0x41: {  	_ =	shalt  }
0x42: {  	_ =	shalt  }
0x43: {  	_ =	shalt  }
0x44: {  	_ =	shalt  }
0x45: {  	_ =	shalt  }
0x46: {  	_ =	shalt  }
0x47: {  	_ =	shalt  }
0x48: {  	_ =	shalt  }
0x49: {  	_ =	shalt  }
0x4a: {  	_ =	shalt  }
0x4b: {  	_ =	shalt  }
0x4c: {  	_ =	shalt  }
0x4d: {  	_ =	shalt  }
0x4e: {  	_ =	shalt  }
0x4f: {  	_ =	shalt  }
0x50: {  	_ =	shalt  }
0x51: {  	_ =	shalt  }
0x52: {  	_ =	shalt  }
0x53: {  	_ =	shalt  }
0x54: {  	_ =	shalt  }
0x55: {  	_ =	shalt  }
0x56: {  	_ =	shalt  }
0x57: {  	_ =	shalt  }
0x58: {  	_ =	shalt  }
0x59: {  	_ =	shalt  }
0x5a: {  	_ =	shalt  }
0x5b: {  	_ =	shalt  }
0x5c: {  	_ =	shalt  }
0x5d: {  	_ =	shalt  }
0x5e: {  	_ =	shalt  }
0x5f: {  	_ =	shalt  }
0x60: {  	_ =	shalt  }
0x61: {  	_ =	shalt  }
0x62: {  	_ =	shalt  }
0x63: {  	_ =	shalt  }
0x64: {  	_ =	shalt  }
0x65: {  	_ =	shalt  }
0x66: {  	_ =	shalt  }
0x67: {  	_ =	shalt  }
0x68: {  	_ =	shalt  }
0x69: {  	_ =	shalt  }
0x6a: {  	_ =	shalt  }
0x6b: {  	_ =	shalt  }
0x6c: {  	_ =	shalt  }
0x6d: {  	_ =	shalt  }
0x6e: {  	_ =	shalt  }
0x6f: {  	_ =	shalt  }
0x70: {  	_ =	shalt  }
0x71: {  	_ =	shalt  }
0x72: {  	_ =	shalt  }
0x73: {  	_ =	shalt  }
0x74: {  	_ =	shalt  }
0x75: {  	_ =	shalt  }
0x76: {  	_ =	shalt  }
0x77: {  	_ =	shalt  }
0x78: {  	_ =	shalt  }
0x79: {  	_ =	shalt  }
0x7a: {  	_ =	shalt  }
0x7b: {  	_ =	shalt  }
0x7c: {  	_ =	shalt  }
0x7d: {  	_ =	shalt  }
0x7e: {  	_ =	shalt  }
0x7f: {  	_ =	shalt  }
0x80: {  	_ =	shalt  }
0x81: {  	_ =	shalt  }
0x82: {  	_ =	shalt  }
0x83: {  	_ =	shalt  }
0x84: {  	_ =	shalt  }
0x85: {  	_ =	shalt  }
0x86: {  	_ =	shalt  }
0x87: {  	_ =	shalt  }
.Lfunc_end0:
.L_simem_size_0:
called_computation.1_lowered:
.L_overlay_start_0:
0x88: {  	s2 =	sld [smem:$0x3FD9]  }
0x89: {  	s3 =	sld [smem:$0x3FFE];
	_ =	sdelay $0x1  }
0x8a: {  	s1 =	srdreg.scid  }
0x8b: {  	s0 =	sand.u32 $0x1, s1  }
0x8c: {  	s16 =	sshll.u32 s0, $0xA;
	s2 =	sadd.s32 s3, s2  }
0x8d: {  	s2 =	sadd.s32 s2, s16  }
0x8e: {  	[smem:$0x3FC4] =	sst s2  }
0x8f: {  	_ = 	snop  }
0x90: {  	(tm) =	ssettm $0x1  }
0x91: {  	s17 =	sld [smem:$0x3FFB];
	_ =	sdelay $0x3  }
0x92: {  	_ =	strace s17  }
0x93: {  	s2 =	sld [smem:$0x3FFC];
	_ =	sdelay $0x3  }
0x94: {  	_ =	strace s2  }
0x95: {  	s2 =	sld [smem:$0x3FFD];
	_ =	sdelay $0x3  }
0x96: {  	_ =	strace s2  }
0x97: {  	_ =	strace $0x8FFFFFFF  }
0x98: {  	s18 =	sld [smem:$0x3FDB];
	_ =	sdelay $0x1  }
0x99: {  	s19 =	simm.s32 $_scs_section_size  }
0x9a: {  	s4 =	simm.s32 $_size__tile_overlayer_lowered;
	s5 =	simm.s32 $_tile_overlayer_lowered  }
0x9b: {  	s22 =	simm.s32 $0x1BFF;
	s21 =	sshll.u32 s5, $0x1;
	s2 =	sadd.s32 s19, s18  }
0x9c: {  	s6 =	simm.s32 $0x0;
	s20 =	sshll.u32 s4, $0x1;
	s4 =	sadd.s32 s21, s2  }
0x9d: {  	[timem:s6], [sflag:s22] =	dma.local [hbm:s4], s20  }
0x9e: {  	_ =	swait.ge [sflag:s22], s20  }
0x9f: {  	s3 =	ssub.s32 $0x0, s20;
	[sflag:s22] =	ssyncset.done $0x0  }
0xa0: {  	[sflag:s22] =	ssyncadd.s32 s3;
	_ =	sdelay $0x1  }
0xa1: {  	s23 =	simm.s32 $0x1B8B  }
0xa2: {  	_ =	swait.ge [sflag:s23], $0x1  }
0xa3: {  	[sflag:s23] =	ssyncset.done $0x0  }
0xa4: {  	s25 =	simm.s32 $0x1B8E;
	s24 =	sld [smem:$0x3FFE];
	[sflag:s23] =	ssyncadd.s32 $0xFFFFFFFF  }
0xa5: {  	s26 =	simm.s32 $execute0_lowered;
	[smem:$0x3FD2] =	sst s25  }
0xa6: {  	s4 =	sshll.u32 s26, $0x1;
	_ =	strace $0x80000049;
	[dreg:$0x1] =	wrdreg $0xFFFFFFFF  }
0xa7: {  	s28 =	simm.s32 $_size_execute0_lowered;
	s2 =	sadd.s32 s2, s4;
	[dreg:$0x0] =	wrdreg $0x0  }
0xa8: {  	s4 =	sshll.u32 s28, $0x1;
	[dreg:$0x2] =	wrdreg s2  }
0xa9: {  	[dreg:$0x3] =	wrdreg s4  }
0xaa: {  	[dreg:$0x4] =	wrdreg $0xC0  }
0xab: {  	_ =	task [dreg:s6], $0x5FFFF  }
0xac: {  	[dreg:$0x1] =	wrdreg $0xFFFFFFFF  }
0xad: {  	[dreg:$0x0] =	wrdreg $0x60  }
0xae: {  	[dreg:$0x2] =	wrdreg s24  }
0xaf: {  	[dreg:$0x3] =	wrdreg $0x35900  }
0xb0: {  	[dreg:$0x4] =	wrdreg $0x9  }
0xb1: {  	_ =	task.clear_ibuf [dreg:s6], $0x5FFFF;
	_ =	strace $0x90000049  }
0xb2: {  	s29 =	simm.s32 $0x9;
	_ =	strace $0x8000004B  }
0xb3: {  	_ =	swait.ge [sflag:s29], $0x1  }
0xb4: {  	[sflag:s29] =	ssyncadd.s32 $0xFFFFFFFF  }
0xb5: {  	_ =	strace $0x9000004B  }
0xb6: {  	_ =	sfence  }
0xb7: {  	s30 =	sld [smem:$0x0];
	_ =	sdelay $0x2  }
0xb8: {  	s31 =	sshll.u32 s1, $0xD;
	s1 =	sshrl.u32 s1, $0x2  }
0xb9: {  	s3 =	sand.u32 $0x4000, s31;
	s1 =	sadd.s32 s1, s30  }
0xba: {  	s0 =	sor.u32 s3, s0;
	s1 =	sshll.u32 s1, $0x11  }
0xbb: {  	s0 =	sor.u32 s1, s0  }
0xbc: {  	s0 =	sadd.s32 $0x8F2B, s0  }
0xbd: {  	[sflag:s0] =	ssyncadd.remote.s32 $0x1  }
0xbe: {  	_ =	sfence.sel $0xFFFF  }
0xbf: {  	[dreg:$0x0] =	wrdreg $0xFFFFFFFF;
	(pc) =	sbr.abs _section_cstart, $3  }
0xc0: {  	[dreg:$0x1] =	wrdreg $0xFFFFFFFF  }
0xc1: {  	_ =	task.clear_ibuf [dreg:s6], $0x2FFFF;
	_ =	strace $0x9FFFFFFF  }
0xc2: {  	(tm) =	ssettm $0x7FFFFFFF  }
0xc3: {  	_ =	shalt  }
tec
execute0_lowered:
.L_overlay_start_1:
0x0: {  	(tag) =	ssettag $0x1  }
0x1: {  	s9 =	rddreg [dreg:$0x0]  }
0x2: {  	s2 =	rddreg [dreg:$0x1]  }
0x3: {  	s0 =	rddreg [dreg:$0x2];
	s3 =	simm.s32 $0x0;
	s4 =	srdreg.scid  }
0x4: {  	s1 =	stileid.u32;
	s16 =	simm.s32 $0x1;
	s17 =	simm.s32 $0x1A90  }
0x5: {  	s18 =	simm.s32 $0x190;
	s19 =	simm.s32 $0x0;
	[smem:$0x7FF] =	sst s3  }
0x6: {  	s10 =	sand.u32 $0x1, s4;
	s11 =	smul.u32 $0x4E4, s1;
	s4 =	sadd.s32 $0xC200, s9  }
0x7: {  	s5 =	sadd.s32 $0x1FE00, s9;
	s6 =	sadd.s32 $0xBC200, s9;
	s7 =	sadd.s32 $0x2200, s9  }
0x8: {  	s8 =	sadd.s32 $0xBC400, s9;
	s13 =	sshll.u32 s1, $0x1;
	s14 =	smul.u32 $0x9C80, s1  }
0x9: {  	s31 =	sshll.u32 s1, $0x6;
	_ =	strace $0x8000004A;
	s12 =	smul.u32 $0x4E40, s10  }
0xa: {  	s28 =	ssub.s32 $0x2, s10;
	s10 =	sor.u32 s10, s13;
	s13 =	simm.s32 $0x2  }
0xb: {  	s29 =	sshrl.u32 s28, $0x1;
	s30 =	sshrl.u32 s14, $0x2;
	s14 =	sor.u32 $0x1C02, s31  }
0xc: {  	s11 =	sadd.s32 s11, s12;
	s12 =	ssub.s32 s28, s29;
	s15 =	sadd.s32 s30, s2  }
0xd: {  	s11 =	sadd.s32 s11, s9;
	s9 =	smul.u32 $0x2710, s10;
	s15 =	sshrl.u32 s15, $0x3  }
0xe: {  	vm0 =	vmmov $0xff;
	v0 =	vlaneseq.u32;
	s10 =	sadd.s32 $0x158800, s11;
	s11 =	smax.u32 s12, $0x1;
	s12 =	simm.s32 $0x3390  }
.LBB2_1:
0xf: {  	[tilespmem:s12], [sflag:$0x2] =	stream.linear.gather [hbm4b:s6+s3], $0x200, $0x38;
	[tilespmem:$0x5CB0] =	vst v63  }
0x10: {  	_ =	swait.ge [sflag:s13], $0x200  }
0x11: {  	[sflag:s13] =	ssyncset.done $0x0  }
0x12: {  	[sflag:s13] =	ssyncadd.s32 $0xFFFFFE00  }
0x13: {  	v1 =	vld [tilespmem:$0x3390]  }
0x14: {  	v2 =	vld [tilespmem:$0x33A0]  }
0x15: {  	v3 =	vld [tilespmem:$0x33B0]  }
0x16: {  	v4 =	vld [tilespmem:$0x33C0]  }
0x17: {  	v5 =	vld [tilespmem:$0x33D0]  }
0x18: {  	v6 =	vld [tilespmem:$0x33E0];
	v1 =	vmax.f32 v1, $-3.399999950e+38  }
0x19: {  	v1 =	vmax.f32 v1, v2;
	v2 =	vld [tilespmem:$0x33F0]  }
0x1a: {  	v1 =	vmax.f32 v1, v3;
	v3 =	vld [tilespmem:$0x3400]  }
0x1b: {  	v49 =	vld [tilespmem:$0x3410];
	v1 =	vmax.f32 v1, v4  }
0x1c: {  	v50 =	vld [tilespmem:$0x3420];
	v1 =	vmax.f32 v1, v5  }
0x1d: {  	v51 =	vld [tilespmem:$0x3430];
	v1 =	vmax.f32 v1, v6  }
0x1e: {  	v1 =	vmax.f32 v1, v2;
	v2 =	vld [tilespmem:$0x3440]  }
0x1f: {  	v1 =	vmax.f32 v1, v3;
	v3 =	vld [tilespmem:$0x3450]  }
0x20: {  	v52 =	vld [tilespmem:$0x3460];
	v1 =	vmax.f32 v1, v49  }
0x21: {  	v53 =	vld [tilespmem:$0x3470];
	v1 =	vmax.f32 v1, v50  }
0x22: {  	v54 =	vld [tilespmem:$0x3480];
	v1 =	vmax.f32 v1, v51  }
0x23: {  	v1 =	vmax.f32 v1, v2;
	v2 =	vld [tilespmem:$0x3490]  }
0x24: {  	v1 =	vmax.f32 v1, v3;
	v3 =	vld [tilespmem:$0x34A0]  }
0x25: {  	v55 =	vld [tilespmem:$0x34B0];
	v1 =	vmax.f32 v1, v52  }
0x26: {  	v56 =	vld [tilespmem:$0x34C0];
	v1 =	vmax.f32 v1, v53  }
0x27: {  	v57 =	vld [tilespmem:$0x34D0];
	v1 =	vmax.f32 v1, v54  }
0x28: {  	v1 =	vmax.f32 v1, v2;
	v2 =	vld [tilespmem:$0x34E0]  }
0x29: {  	v1 =	vmax.f32 v1, v3;
	v3 =	vld [tilespmem:$0x34F0]  }
0x2a: {  	v58 =	vld [tilespmem:$0x3500];
	v1 =	vmax.f32 v1, v55  }
0x2b: {  	v59 =	vld [tilespmem:$0x3510];
	v1 =	vmax.f32 v1, v56  }
0x2c: {  	v60 =	vld [tilespmem:$0x3520];
	v1 =	vmax.f32 v1, v57  }
0x2d: {  	v1 =	vmax.f32 v1, v2;
	v2 =	vld [tilespmem:$0x3530]  }
0x2e: {  	v1 =	vmax.f32 v1, v3;
	v3 =	vld [tilespmem:$0x3540]  }
0x2f: {  	v61 =	vld [tilespmem:$0x3550];
	v1 =	vmax.f32 v1, v58  }
0x30: {  	v62 =	vld [tilespmem:$0x3560];
	v1 =	vmax.f32 v1, v59  }
0x31: {  	v63 =	vld [tilespmem:$0x3570];
	v1 =	vmax.f32 v1, v60  }
0x32: {  	v1 =	vmax.f32 v1, v2;
	v2 =	vld [tilespmem:$0x3580]  }
0x33: {  	v1 =	vmax.f32 v1, v3  }
0x34: {  	v1 =	vmax.f32 v1, v61  }
0x35: {  	v1 =	vmax.f32 v1, v62  }
0x36: {  	v1 =	vmax.f32 v1, v63  }
0x37: {  	v1 =	vmax.f32 v1, v2  }
0x38: {  	(xrf0) =	vmax.scan.msk.f32 $0xffff, v1;
	_ =	sdelay $0x5  }
0x39: {  	v1, _, _ =	vpop (xrf0)  }
0x3a: {  	[spmem:s15], [sflag:s14] =	dma.local [hbm:s7], $0x4E4  }
0x3b: {  	_ =	swait.ge [sflag:s13], $0x4E4  }
0x3c: {  	[sflag:s13] =	ssyncset.done $0x0  }
0x3d: {  	[sflag:s13] =	ssyncadd.s32 $0xFFFFFB1C  }
0x3e: {  	s20 =	simm.s32 $0x0;
	v1 =	vbroadcast v1, $0xF;
	[bflag:$0x0] =	sbarrier.arrive $0xFFFF  }
.LBB2_2:
0x3f: {  	s21 =	smul.u32 $0x190, s20;
	_ =	sdelay $0x1  }
0x40: {  	s21 =	sadd.s32 s9, s21  }
0x41: {  	s22 =	sshrl.u32 s21, $0x3  }
0x42: {  	s21 =	sshll.u32 s21, $0x1;
	s23 =	sadd.s32 s4, s22;
	s22 =	simm.s32 $0x0  }
0x43: {  	[tilespmem:s22], [sflag:$0x1] =	stream.linear.gather [hbm4b:s23+s22], $0x190, $0x38;
	[tilespmem:$0x5CB0] =	vst v63  }
0x44: {  	s24 =	sadd.s32 s5, s21;
	s23 =	simm.s32 $0x190  }
0x45: {  	[tilespmem:s23], [sflag:$0x1] =	stream.linear.gather [hbm4b:s24+s22], $0x1900, $0x38;
	[tilespmem:$0x5CB0] =	vst v63  }
0x46: {  	_ =	swait.ge [sflag:s16], $0x190  }
0x47: {  	[sflag:s16] =	ssyncset.done $0x0  }
0x48: {  	[sflag:s16] =	ssyncadd.s32 $0xFFFFFE70  }
0x49: {  	_ =	swait.ge [sflag:s16], $0x1900  }
0x4a: {  	[sflag:s16] =	ssyncset.done $0x0  }
0x4b: {  	[sflag:s16] =	ssyncadd.s32 $0xFFFFE700  }
0x4c: {  	s24 =	simm.s32 $0x1;
	v2 =	vld [tilespmem:s23+$0x0]  }
.LBB2_3:
0x4d: {  	p0 =	sne.s32 s24, $0x18F;
	_ =	sdelay $0x3  }
0x4e: {  	v2 =	vsub.f32 v2, v1;
	_ =	sdelay $0x1  }
0x4f: {  	v3 =	vmul.f32 $9.999999770e-03, v2  }
0x50: {  	vm1 =	vge.f32 v2, $0.0e+00  }
0x51: {  	v2 =	vsel vm1, v2, v3  }
0x52: {  	v2 =	vmul.f32 $1.442695020e+00, v2;
	_ =	sdelay $0x1  }
0x53: {  	(erf) = vpow2.f32 v2;
	_ =	sdelay $0x4  }
0x54: {  	s25 =	sshll.u32 s22, $0x4;
	s22 =	smov.u32 s24  }
0x55: {  	v2 =	vor.u32 s25, v0;
	_ =	sdelay $0x1  }
.Ltmp0:
0x56: {  	(pc) =	sbr.rel @p0 .LBB2_3-.Ltmp0, $4  }
0x57: {  	v3 =	vpop (erf)  }
0x58: {  	v3 =	vnsel vm0, $0x0, v3  }
0x59: {  	s23 =	sadd.s32 $0x10, s23;
	[tilespmem:v2+s17+$0x0] =	vst.idx.msk $0xffff, v3  }
0x5a: {  	s24 =	sadd.s32 $0x1, s24;
	v2 =	vld [tilespmem:s23+$0x0]  }
0x5b: {  	_ =	sdelay $0x3  }
0x5c: {  	v2 =	vsub.f32 v2, v1;
	_ =	sdelay $0x1  }
0x5d: {  	v3 =	vmul.f32 $9.999999770e-03, v2  }
0x5e: {  	vm1 =	vge.f32 v2, $0.0e+00  }
0x5f: {  	v2 =	vsel vm1, v2, v3  }
0x60: {  	v2 =	vmul.f32 $1.442695020e+00, v2;
	_ =	sdelay $0x1  }
0x61: {  	(erf) = vpow2.f32 v2;
	_ =	sdelay $0x4  }
0x62: {  	s22 =	sshll.u32 s22, $0x4  }
0x63: {  	v2 =	vor.u32 s22, v0;
	_ =	sdelay $0x2  }
0x64: {  	v3 =	vpop (erf)  }
0x65: {  	v3 =	vnsel vm0, $0x0, v3  }
0x66: {  	s21 =	sadd.s32 s8, s21;
	[tilespmem:v2+s17+$0x0] =	vst.idx.msk $0xffff, v3  }
0x67: {  	[hbm4b:s21+s3] =	stream.linear.scatter [tilespmem:s17], [sflag:$0x2], $0x1900, $0x38;
	[tilespmem:$0x5CB0] =	vst v63  }
0x68: {  	s20 =	sadd.s32 $0x1, s20;
	_ =	swait.ge [sflag:s13], $0x1900  }
0x69: {  	p0 =	sne.s32 s20, $0x19;
	[sflag:s13] =	ssyncset.done $0x0  }
.Ltmp1:
0x6a: {  	[sflag:s13] =	ssyncadd.s32 $0xFFFFE700;
	(pc) =	sbr.rel @p0 .LBB2_2-.Ltmp1, $4  }
0x6b: {  	[spmem:s2] =	stream.indirect.scatter.add.f32 [tilespmem:s17], [sflag:$0x2], $0x10, s3, s18, $0xb8;
	[tilespmem:$0x5CB0] =	vst v63  }
0x6c: {  	_ =	swait.ge [sflag:s13], $0x1900  }
0x6d: {  	[sflag:s13] =	ssyncset.done $0x0  }
0x6e: {  	[sflag:s13] =	ssyncadd.s32 $0xFFFFE700  }
0x6f: {  	s19 =	sadd.s32 $0x1, s19  }
0x70: {  	p0 =	sne.s32 s19, s11  }
.Ltmp2:
0x71: {  	[bflag:$0x0] =	sbarrier.arrive $0xFFFF;
	(pc) =	sbr.rel @p0 .LBB2_1-.Ltmp2, $4  }
0x72: {  	[hbm:s10], [sflag:s14] =	dma.local [spmem:s15], $0x4E4  }
0x73: {  	_ =	swait.ge [sflag:s13], $0x4E4  }
0x74: {  	[sflag:s13] =	ssyncset.done $0x0  }
0x75: {  	[sflag:s13] =	ssyncadd.s32 $0xFFFFFB1C  }
0x76: {  	_ =	sfence.sel $0x180000  }
0x77: {  	[bflag:$0x0] =	sbarrier.arrive $0xFFFF  }
0x78: {  	p0 =	sne.s32 s1, $0x0;
	_ =	strace $0x9000004A  }
0x79: {  	s0 =	sadd.s32 @!p0 $0x100000, s0;
	[bflag:$0x2] =	sbarrier.arrive $0xFFFF  }
0x7a: {  	[sflag:s0] =	ssyncadd.tile.s32 @!p0 $0x1;
	_ =	shalt  }
.Lfunc_end2:
_tile_overlayer_lowered:
.L_overlay_start_2:
0x7b: {  	(tag) =	ssettag $0x2  }
0x7c: {  	s0 =	rddreg [dreg:$0x0];
	s2 =	stileid.u32  }
0x7d: {  	s1 =	rddreg [dreg:$0x1];
	p0 =	sne.s32 s2, $0x0  }
0x7e: {  	s3 =	rddreg [dreg:$0x2];
	[bflag:$0x3] =	sbarrier.arrive $0xFFFF;
	s2 =	simm.s32 @!p0 $0x1C02  }
0x7f: {  	[timem:s3], [sflag:s2] =	dma.local @!p0 [hbm:s0], s1  }
0x80: {  	s0 =	simm.s32 @!p0 $0x2  }
0x81: {  	_ =	swait.ge @!p0 [sflag:s0], s1  }
0x82: {  	s1 =	ssub.s32 @!p0 $0x0, s1;
	[sflag:s0] =	ssyncset.done @!p0 $0x0  }
0x83: {  	[sflag:s0] =	ssyncadd.s32 @!p0 s1  }
0x84: {  	[bflag:$0x3] =	sbarrier.arrive $0xFFFF  }
0x85: {  	_ =	shalt  }

</sc_bundles>
